<compile_context>
chip_gen: v7x
topology: tpu7x:2x2x1
jax: 0.10.2.dev20260603
libtpu: 0.0.44.dev20260713+nightly
codegen_flags: <defaults>
</compile_context>

<pallas_src>
import functools

import jax
import jax.numpy as jnp
from jax import lax
from jax.experimental import pallas as pl
from jax.experimental.pallas import tpu as pltpu
from jax.experimental.pallas import tpu_sc as plsc

_D = 64
_V = 21
_NC = 2
_NS = 16
_NW = _NC * _NS
_CHUNK = 512
_UNROLL = 16
_TBL = _V * _D


@functools.partial(jax.jit, static_argnames=("B",))
def _emb_sc(tokens_flat, w_flat, B):
    b_per_w = B // _NW
    n_chunks = b_per_w // _CHUNK

    mesh = plsc.VectorSubcoreMesh(core_axis_name="c", subcore_axis_name="s")

    @functools.partial(
        pl.kernel,
        mesh=mesh,
        out_type=jax.ShapeDtypeStruct((B * _D,), jnp.float32),
        scratch_types=[
            pltpu.VMEM((_TBL,), jnp.float32),
            [pltpu.VMEM((_CHUNK,), jnp.int32)] * 2,
            [pltpu.VMEM((_CHUNK * _D,), jnp.float32)] * 2,
            pltpu.SemaphoreType.DMA,
            pltpu.SemaphoreType.DMA,
        ],
        compiler_params=pltpu.CompilerParams(
            needs_layout_passes=False, disable_bounds_checks=True),
    )
    def k(tokens_hbm, table_hbm, out_hbm, table_v, idx_v, rows_v, sem_in,
          sem_out):
        cid = lax.axis_index("c")
        sid = lax.axis_index("s")
        wid = sid * _NC + cid
        base = wid * b_per_w

        pltpu.sync_copy(table_hbm, table_v)

        def tok_slice(c):
            return tokens_hbm.at[pl.ds(base + c * _CHUNK, _CHUNK)]

        def out_slice(c):
            return out_hbm.at[pl.ds((base + c * _CHUNK) * _D, _CHUNK * _D)]

        pltpu.async_copy(tok_slice(0), idx_v[0], sem_in)

        def compute(ib, rb):
            @plsc.parallel_loop(0, _CHUNK // _UNROLL, step=1, unroll=1)
            def _group(i):
                t0 = i * _UNROLL
                tv = ib[pl.ds(t0, _UNROLL)]

                for u in range(_UNROLL):
                    src = tv[u] * _D
                    dst = (t0 + u) * _D
                    for kk in range(_D // 16):
                        rb[pl.ds(dst + kk * 16, 16)] = (
                            table_v[pl.ds(src + kk * 16, 16)])

        def chunk_pair(g, carry):
            for b in range(2):
                c = 2 * g + b
                @pl.when(c + 1 < n_chunks)
                def _():
                    pltpu.async_copy(tok_slice(c + 1), idx_v[1 - b], sem_in)

                pltpu.make_async_copy(tok_slice(c), idx_v[b], sem_in).wait()

                @pl.when(c >= 2)
                def _():
                    pltpu.make_async_copy(
                        rows_v[b], out_slice(c - 2), sem_out).wait()

                compute(idx_v[b], rows_v[b])
                pltpu.async_copy(rows_v[b], out_slice(c), sem_out)
            return carry

        lax.fori_loop(0, n_chunks // 2, chunk_pair, 0, unroll=False)

        for b in range(2):
            c = n_chunks - 2 + b
            pltpu.make_async_copy(rows_v[b], out_slice(c), sem_out).wait()

    return k(tokens_flat, w_flat)


def kernel(tokens, W):
    shape = tokens.shape
    B = tokens.size
    tokens_flat = tokens.reshape(B).astype(jnp.int32)
    w_flat = W.reshape(-1)
    out = _emb_sc(tokens_flat, w_flat, B)
    return out.reshape(*shape, _D)

# --- scband reference (transcript-rebuilt; emitter-appended) ---
"""Pipeline reference for scband-msa-emb-76020921139664 (READ-ONLY COPY).

The authoritative reference and input builder live on the scoring server;
editing this copy changes nothing except your own understanding.
"""

import jax, jax.numpy as jnp
import numpy as np

D_MSA = 21
D_MODEL = 64

def setup_inputs(seed: int = 0) -> dict:
    key = jax.random.key(seed)
    k_tok, k_w = jax.random.split(key)
    tokens = jax.random.randint(k_tok, (4, 256, 1024), 0, D_MSA, dtype=jnp.int64) if jax.config.jax_enable_x64 else jax.random.randint(k_tok, (4, 256, 1024), 0, D_MSA, dtype=jnp.int32)
    # nn.Embedding default init: N(0, 1)
    W = jax.random.normal(k_w, (D_MSA, D_MODEL), dtype=jnp.float32)
    return {"tokens": tokens, "W": W}

def reference(tokens, W):
    # MSA_emb.forward with is_onehot=False, is_pos_emb=False, is_peg=False:
    #   msa_fea = self.embed_tokens(tokens)  -> [B, K, L, d_model]
    msa_fea = jnp.take(W, tokens, axis=0)
    return msa_fea

if False:  # reference __main__ guard neutralized (emitter)
    inp = setup_inputs()
    out = reference(**inp)
    print(out.shape, out.dtype)

if __name__ == "__main__":
    import jax
    _d = setup_inputs()
    print(jax.jit(kernel)(*tuple(_d.values())))

</pallas_src>

<mosaic_0001>
#map = affine_map<(d0, d1) -> (0)>
module attributes {stable_mosaic.version = 14 : i64} {
  func.func @k(%arg0: i32, %arg1: i32, %arg2: memref<1048576xi32, #tpu.memory_space<hbm>>, %arg3: memref<1344xf32, #tpu.memory_space<hbm>>, %arg4: memref<67108864xf32, #tpu.memory_space<hbm>>, %arg5: memref<1344xf32, #tpu.memory_space<vmem>>, %arg6: memref<512xi32, #tpu.memory_space<vmem>>, %arg7: memref<512xi32, #tpu.memory_space<vmem>>, %arg8: memref<32768xf32, #tpu.memory_space<vmem>>, %arg9: memref<32768xf32, #tpu.memory_space<vmem>>, %arg10: memref<!tpu.dma_semaphore, #tpu.memory_space<semaphore_mem>>, %arg11: memref<!tpu.dma_semaphore, #tpu.memory_space<semaphore_mem>>) attributes {dimension_semantics = [#tpu.dimension_semantics<core_parallel>, #tpu.dimension_semantics<subcore_parallel>], iteration_bounds = array<i64: 2, 16>, scalar_prefetch = 0 : i64, scratch_operands = 7 : i64, tpu.core_type = #tpu.core_type<sc_vector_subcore>, window_params = [{transform_indices = #map}, {transform_indices = #map}, {transform_indices = #map}]} {
    %mul3A = arith.constant 2 : i32
    %mul3A_0 = arith.muli %arg1, %mul3A : i32
    %add3A = arith.addi %mul3A_0, %arg0 : i32
    %mul3A_1 = arith.constant 32768 : i32
    %mul3A_2 = arith.muli %add3A, %mul3A_1 : i32
    "tpu.region"() ({
      %run_scoped3A = tpu.sem_alloc : memref<!tpu.dma_semaphore, #tpu.memory_space<semaphore_mem>>
      tpu.enqueue_dma source(%arg3 : memref<1344xf32, #tpu.memory_space<hbm>>) target(%arg5 : memref<1344xf32, #tpu.memory_space<vmem>>) target_semaphore(%run_scoped3A : memref<!tpu.dma_semaphore, #tpu.memory_space<semaphore_mem>>)
      tpu.wait_dma2 semaphore(%run_scoped3A : memref<!tpu.dma_semaphore, #tpu.memory_space<semaphore_mem>>) src(%arg3 : memref<1344xf32, #tpu.memory_space<hbm>>) dst(%arg5 : memref<1344xf32, #tpu.memory_space<vmem>>)
      tpu.yield
    }) : () -> ()
    %add3A_3 = arith.constant 0 : i32
    %add3A_4 = arith.addi %mul3A_2, %add3A_3 : i32
    %dma_start3A = tpu.memref_slice %arg2[%add3A_4] : memref<1048576xi32, #tpu.memory_space<hbm>> -> memref<512xi32, #tpu.memory_space<hbm>>
    %dma_start3A_5 = tpu.memref_slice %arg2[%add3A_4] : memref<1048576xi32, #tpu.memory_space<hbm>> -> memref<512xi32, #tpu.memory_space<hbm>>
    tpu.enqueue_dma source(%dma_start3A_5 : memref<512xi32, #tpu.memory_space<hbm>>) target(%arg6 : memref<512xi32, #tpu.memory_space<vmem>>) target_semaphore(%arg10 : memref<!tpu.dma_semaphore, #tpu.memory_space<semaphore_mem>>)
    %scan3A = arith.constant 0 : i32
    %scan3A_6 = arith.constant 0 : i32
    %scan3A_7 = arith.constant 32 : i32
    %scan3A_8 = arith.addi %scan3A_6, %scan3A_7 : i32
    %scan3A_9 = arith.constant 1 : i32
    scf.for %scan3A_22 = %scan3A_6 to %scan3A_8 step %scan3A_9  : i32 {
      %mul3A_23 = arith.constant 2 : i32
      %mul3A_24 = arith.muli %mul3A_23, %scan3A_22 : i32
      %add3A_25 = arith.constant 0 : i32
      %add3A_26 = arith.addi %mul3A_24, %add3A_25 : i32
      %add3A_27 = arith.constant 1 : i32
      %add3A_28 = arith.addi %add3A_26, %add3A_27 : i32
      %lt3A = arith.constant 64 : i32
      %lt3A_29 = arith.cmpi slt, %add3A_28, %lt3A : i32
      %convert_element_type3A = arith.extui %lt3A_29 : i1 to i32
      %cond3A = arith.constant 0 : i32
      %cond3A_30 = arith.cmpi ne, %convert_element_type3A, %cond3A : i32
      scf.if %cond3A_30 {
        %add3A_80 = arith.constant 1 : i32
        %add3A_81 = arith.addi %add3A_26, %add3A_80 : i32
        %mul3A_82 = arith.constant 512 : i32
        %mul3A_83 = arith.muli %add3A_81, %mul3A_82 : i32
        %add3A_84 = arith.addi %mul3A_2, %mul3A_83 : i32
        %dma_start3A_85 = tpu.memref_slice %arg2[%add3A_84] : memref<1048576xi32, #tpu.memory_space<hbm>> -> memref<512xi32, #tpu.memory_space<hbm>>
        %dma_start3A_86 = tpu.memref_slice %arg2[%add3A_84] : memref<1048576xi32, #tpu.memory_space<hbm>> -> memref<512xi32, #tpu.memory_space<hbm>>
        tpu.enqueue_dma source(%dma_start3A_86 : memref<512xi32, #tpu.memory_space<hbm>>) target(%arg7 : memref<512xi32, #tpu.memory_space<vmem>>) target_semaphore(%arg10 : memref<!tpu.dma_semaphore, #tpu.memory_space<semaphore_mem>>)
      } else {
      }
      %mul3A_31 = arith.constant 512 : i32
      %mul3A_32 = arith.muli %add3A_26, %mul3A_31 : i32
      %add3A_33 = arith.addi %mul3A_2, %mul3A_32 : i32
      %dma_wait3A_34 = tpu.memref_slice %arg2[%add3A_33] : memref<1048576xi32, #tpu.memory_space<hbm>> -> memref<512xi32, #tpu.memory_space<hbm>>
      %dma_wait3A_35 = tpu.memref_slice %arg2[%add3A_33] : memref<1048576xi32, #tpu.memory_space<hbm>> -> memref<512xi32, #tpu.memory_space<hbm>>
      tpu.wait_dma2 semaphore(%arg10 : memref<!tpu.dma_semaphore, #tpu.memory_space<semaphore_mem>>) src(%dma_wait3A_35 : memref<512xi32, #tpu.memory_space<hbm>>) dst(%arg6 : memref<512xi32, #tpu.memory_space<vmem>>)
      %ge3A = arith.constant 2 : i32
      %ge3A_36 = arith.cmpi sge, %add3A_26, %ge3A : i32
      %convert_element_type3A_37 = arith.extui %ge3A_36 : i1 to i32
      %cond3A_38 = arith.constant 0 : i32
      %cond3A_39 = arith.cmpi ne, %convert_element_type3A_37, %cond3A_38 : i32
      scf.if %cond3A_39 {
        %sub3A = arith.constant 2 : i32
        %sub3A_80 = arith.subi %add3A_26, %sub3A : i32
        %mul3A_81 = arith.constant 512 : i32
        %mul3A_82 = arith.muli %sub3A_80, %mul3A_81 : i32
        %add3A_83 = arith.addi %mul3A_2, %mul3A_82 : i32
        %mul3A_84 = arith.constant 64 : i32
        %mul3A_85 = arith.muli %add3A_83, %mul3A_84 : i32
        %dma_wait3A_86 = tpu.memref_slice %arg4[%mul3A_85] : memref<67108864xf32, #tpu.memory_space<hbm>> -> memref<32768xf32, #tpu.memory_space<hbm>>
        %dma_wait3A_87 = tpu.memref_slice %arg4[%mul3A_85] : memref<67108864xf32, #tpu.memory_space<hbm>> -> memref<32768xf32, #tpu.memory_space<hbm>>
        tpu.wait_dma2 semaphore(%arg11 : memref<!tpu.dma_semaphore, #tpu.memory_space<semaphore_mem>>) src(%arg8 : memref<32768xf32, #tpu.memory_space<vmem>>) dst(%dma_wait3A_87 : memref<32768xf32, #tpu.memory_space<hbm>>)
      } else {
      }
      %parallel_loop3A = arith.constant 0 : i32
      %parallel_loop3A_40 = arith.constant 32 : i32
      %parallel_loop3A_41 = arith.constant 1 : i32
      scf.for %parallel_loop3A_80 = %parallel_loop3A to %parallel_loop3A_40 step %parallel_loop3A_41  : i32 {
        %parallel_loop3A_81 = arith.constant 16 : i32
        %parallel_loop3A_82 = arith.muli %parallel_loop3A_80, %parallel_loop3A_81 : i32
        %parallel_loop3A_83 = arith.index_cast %parallel_loop3A_82 : i32 to index
        %parallel_loop3A_84 = tpu.vector_load %arg6[%parallel_loop3A_83] {strides = array<i32>} : memref<512xi32, #tpu.memory_space<vmem>>, vector<16xi32>,
        %parallel_loop3A_85 = vector.extract_strided_slice %parallel_loop3A_84 {offsets = [0], sizes = [1], strides = [1]} : vector<16xi32> to vector<1xi32>
        %parallel_loop3A_86 = vector.extract %parallel_loop3A_85[0] : i32 from vector<1xi32>
        %parallel_loop3A_87 = arith.constant 64 : i32
        %parallel_loop3A_88 = arith.muli %parallel_loop3A_86, %parallel_loop3A_87 : i32
        %parallel_loop3A_89 = arith.constant 0 : i32
        %parallel_loop3A_90 = arith.addi %parallel_loop3A_82, %parallel_loop3A_89 : i32
        %parallel_loop3A_91 = arith.constant 64 : i32
        %parallel_loop3A_92 = arith.muli %parallel_loop3A_90, %parallel_loop3A_91 : i32
        %parallel_loop3A_93 = arith.constant 0 : i32
        %parallel_loop3A_94 = arith.addi %parallel_loop3A_88, %parallel_loop3A_93 : i32
        %parallel_loop3A_95 = arith.index_cast %parallel_loop3A_94 : i32 to index
        %parallel_loop3A_96 = tpu.vector_load %arg5[%parallel_loop3A_95] {strides = array<i32>} : memref<1344xf32, #tpu.memory_space<vmem>>, vector<16xf32>,
        %parallel_loop3A_97 = arith.constant 0 : i32
        %parallel_loop3A_98 = arith.addi %parallel_loop3A_92, %parallel_loop3A_97 : i32
        %parallel_loop3A_99 = arith.index_cast %parallel_loop3A_98 : i32 to index
        %parallel_loop3A_100 = tpu.vector_load %arg8[%parallel_loop3A_99] {strides = array<i32>} : memref<32768xf32, #tpu.memory_space<vmem>>, vector<16xf32>,
        tpu.vector_store %arg8[%parallel_loop3A_99], %parallel_loop3A_96 {strides = array<i32>} : memref<32768xf32, #tpu.memory_space<vmem>>, vector<16xf32>,
        %parallel_loop3A_101 = arith.constant 16 : i32
        %parallel_loop3A_102 = arith.addi %parallel_loop3A_88, %parallel_loop3A_101 : i32
        %parallel_loop3A_103 = arith.index_cast %parallel_loop3A_102 : i32 to index
        %parallel_loop3A_104 = tpu.vector_load %arg5[%parallel_loop3A_103] {strides = array<i32>} : memref<1344xf32, #tpu.memory_space<vmem>>, vector<16xf32>,
        %parallel_loop3A_105 = arith.constant 16 : i32
        %parallel_loop3A_106 = arith.addi %parallel_loop3A_92, %parallel_loop3A_105 : i32
        %parallel_loop3A_107 = arith.index_cast %parallel_loop3A_106 : i32 to index
        %parallel_loop3A_108 = tpu.vector_load %arg8[%parallel_loop3A_107] {strides = array<i32>} : memref<32768xf32, #tpu.memory_space<vmem>>, vector<16xf32>,
        tpu.vector_store %arg8[%parallel_loop3A_107], %parallel_loop3A_104 {strides = array<i32>} : memref<32768xf32, #tpu.memory_space<vmem>>, vector<16xf32>,
        %parallel_loop3A_109 = arith.constant 32 : i32
        %parallel_loop3A_110 = arith.addi %parallel_loop3A_88, %parallel_loop3A_109 : i32
        %parallel_loop3A_111 = arith.index_cast %parallel_loop3A_110 : i32 to index
        %parallel_loop3A_112 = tpu.vector_load %arg5[%parallel_loop3A_111] {strides = array<i32>} : memref<1344xf32, #tpu.memory_space<vmem>>, vector<16xf32>,
        %parallel_loop3A_113 = arith.constant 32 : i32
        %parallel_loop3A_114 = arith.addi %parallel_loop3A_92, %parallel_loop3A_113 : i32
        %parallel_loop3A_115 = arith.index_cast %parallel_loop3A_114 : i32 to index
        %parallel_loop3A_116 = tpu.vector_load %arg8[%parallel_loop3A_115] {strides = array<i32>} : memref<32768xf32, #tpu.memory_space<vmem>>, vector<16xf32>,
        tpu.vector_store %arg8[%parallel_loop3A_115], %parallel_loop3A_112 {strides = array<i32>} : memref<32768xf32, #tpu.memory_space<vmem>>, vector<16xf32>,
        %parallel_loop3A_117 = arith.constant 48 : i32
        %parallel_loop3A_118 = arith.addi %parallel_loop3A_88, %parallel_loop3A_117 : i32
        %parallel_loop3A_119 = arith.index_cast %parallel_loop3A_118 : i32 to index
        %parallel_loop3A_120 = tpu.vector_load %arg5[%parallel_loop3A_119] {strides = array<i32>} : memref<1344xf32, #tpu.memory_space<vmem>>, vector<16xf32>,
        %parallel_loop3A_121 = arith.constant 48 : i32
        %parallel_loop3A_122 = arith.addi %parallel_loop3A_92, %parallel_loop3A_121 : i32
        %parallel_loop3A_123 = arith.index_cast %parallel_loop3A_122 : i32 to index
        %parallel_loop3A_124 = tpu.vector_load %arg8[%parallel_loop3A_123] {strides = array<i32>} : memref<32768xf32, #tpu.memory_space<vmem>>, vector<16xf32>,
        tpu.vector_store %arg8[%parallel_loop3A_123], %parallel_loop3A_120 {strides = array<i32>} : memref<32768xf32, #tpu.memory_space<vmem>>, vector<16xf32>,
        %parallel_loop3A_125 = vector.extract_strided_slice %parallel_loop3A_84 {offsets = [1], sizes = [1], strides = [1]} : vector<16xi32> to vector<1xi32>
        %parallel_loop3A_126 = vector.extract %parallel_loop3A_125[0] : i32 from vector<1xi32>
        %parallel_loop3A_127 = arith.constant 64 : i32
        %parallel_loop3A_128 = arith.muli %parallel_loop3A_126, %parallel_loop3A_127 : i32
        %parallel_loop3A_129 = arith.constant 1 : i32
        %parallel_loop3A_130 = arith.addi %parallel_loop3A_82, %parallel_loop3A_129 : i32
        %parallel_loop3A_131 = arith.constant 64 : i32
        %parallel_loop3A_132 = arith.muli %parallel_loop3A_130, %parallel_loop3A_131 : i32
        %parallel_loop3A_133 = arith.constant 0 : i32
        %parallel_loop3A_134 = arith.addi %parallel_loop3A_128, %parallel_loop3A_133 : i32
        %parallel_loop3A_135 = arith.index_cast %parallel_loop3A_134 : i32 to index
        %parallel_loop3A_136 = tpu.vector_load %arg5[%parallel_loop3A_135] {strides = array<i32>} : memref<1344xf32, #tpu.memory_space<vmem>>, vector<16xf32>,
        %parallel_loop3A_137 = arith.constant 0 : i32
        %parallel_loop3A_138 = arith.addi %parallel_loop3A_132, %parallel_loop3A_137 : i32
        %parallel_loop3A_139 = arith.index_cast %parallel_loop3A_138 : i32 to index
        %parallel_loop3A_140 = tpu.vector_load %arg8[%parallel_loop3A_139] {strides = array<i32>} : memref<32768xf32, #tpu.memory_space<vmem>>, vector<16xf32>,
        tpu.vector_store %arg8[%parallel_loop3A_139], %parallel_loop3A_136 {strides = array<i32>} : memref<32768xf32, #tpu.memory_space<vmem>>, vector<16xf32>,
        %parallel_loop3A_141 = arith.constant 16 : i32
        %parallel_loop3A_142 = arith.addi %parallel_loop3A_128, %parallel_loop3A_141 : i32
        %parallel_loop3A_143 = arith.index_cast %parallel_loop3A_142 : i32 to index
        %parallel_loop3A_144 = tpu.vector_load %arg5[%parallel_loop3A_143] {strides = array<i32>} : memref<1344xf32, #tpu.memory_space<vmem>>, vector<16xf32>,
        %parallel_loop3A_145 = arith.constant 16 : i32
        %parallel_loop3A_146 = arith.addi %parallel_loop3A_132, %parallel_loop3A_145 : i32
        %parallel_loop3A_147 = arith.index_cast %parallel_loop3A_146 : i32 to index
        %parallel_loop3A_148 = tpu.vector_load %arg8[%parallel_loop3A_147] {strides = array<i32>} : memref<32768xf32, #tpu.memory_space<vmem>>, vector<16xf32>,
        tpu.vector_store %arg8[%parallel_loop3A_147], %parallel_loop3A_144 {strides = array<i32>} : memref<32768xf32, #tpu.memory_space<vmem>>, vector<16xf32>,
        %parallel_loop3A_149 = arith.constant 32 : i32
        %parallel_loop3A_150 = arith.addi %parallel_loop3A_128, %parallel_loop3A_149 : i32
        %parallel_loop3A_151 = arith.index_cast %parallel_loop3A_150 : i32 to index
        %parallel_loop3A_152 = tpu.vector_load %arg5[%parallel_loop3A_151] {strides = array<i32>} : memref<1344xf32, #tpu.memory_space<vmem>>, vector<16xf32>,
        %parallel_loop3A_153 = arith.constant 32 : i32
        %parallel_loop3A_154 = arith.addi %parallel_loop3A_132, %parallel_loop3A_153 : i32
        %parallel_loop3A_155 = arith.index_cast %parallel_loop3A_154 : i32 to index
        %parallel_loop3A_156 = tpu.vector_load %arg8[%parallel_loop3A_155] {strides = array<i32>} : memref<32768xf32, #tpu.memory_space<vmem>>, vector<16xf32>,
        tpu.vector_store %arg8[%parallel_loop3A_155], %parallel_loop3A_152 {strides = array<i32>} : memref<32768xf32, #tpu.memory_space<vmem>>, vector<16xf32>,
        %parallel_loop3A_157 = arith.constant 48 : i32
        %parallel_loop3A_158 = arith.addi %parallel_loop3A_128, %parallel_loop3A_157 : i32
        %parallel_loop3A_159 = arith.index_cast %parallel_loop3A_158 : i32 to index
        %parallel_loop3A_160 = tpu.vector_load %arg5[%parallel_loop3A_159] {strides = array<i32>} : memref<1344xf32, #tpu.memory_space<vmem>>, vector<16xf32>,
        %parallel_loop3A_161 = arith.constant 48 : i32
        %parallel_loop3A_162 = arith.addi %parallel_loop3A_132, %parallel_loop3A_161 : i32
        %parallel_loop3A_163 = arith.index_cast %parallel_loop3A_162 : i32 to index
        %parallel_loop3A_164 = tpu.vector_load %arg8[%parallel_loop3A_163] {strides = array<i32>} : memref<32768xf32, #tpu.memory_space<vmem>>, vector<16xf32>,
        tpu.vector_store %arg8[%parallel_loop3A_163], %parallel_loop3A_160 {strides = array<i32>} : memref<32768xf32, #tpu.memory_space<vmem>>, vector<16xf32>,
        %parallel_loop3A_165 = vector.extract_strided_slice %parallel_loop3A_84 {offsets = [2], sizes = [1], strides = [1]} : vector<16xi32> to vector<1xi32>
        %parallel_loop3A_166 = vector.extract %parallel_loop3A_165[0] : i32 from vector<1xi32>
        %parallel_loop3A_167 = arith.constant 64 : i32
        %parallel_loop3A_168 = arith.muli %parallel_loop3A_166, %parallel_loop3A_167 : i32
        %parallel_loop3A_169 = arith.constant 2 : i32
        %parallel_loop3A_170 = arith.addi %parallel_loop3A_82, %parallel_loop3A_169 : i32
        %parallel_loop3A_171 = arith.constant 64 : i32
        %parallel_loop3A_172 = arith.muli %parallel_loop3A_170, %parallel_loop3A_171 : i32
        %parallel_loop3A_173 = arith.constant 0 : i32
        %parallel_loop3A_174 = arith.addi %parallel_loop3A_168, %parallel_loop3A_173 : i32
        %parallel_loop3A_175 = arith.index_cast %parallel_loop3A_174 : i32 to index
        %parallel_loop3A_176 = tpu.vector_load %arg5[%parallel_loop3A_175] {strides = array<i32>} : memref<1344xf32, #tpu.memory_space<vmem>>, vector<16xf32>,
        %parallel_loop3A_177 = arith.constant 0 : i32
        %parallel_loop3A_178 = arith.addi %parallel_loop3A_172, %parallel_loop3A_177 : i32
        %parallel_loop3A_179 = arith.index_cast %parallel_loop3A_178 : i32 to index
        %parallel_loop3A_180 = tpu.vector_load %arg8[%parallel_loop3A_179] {strides = array<i32>} : memref<32768xf32, #tpu.memory_space<vmem>>, vector<16xf32>,
        tpu.vector_store %arg8[%parallel_loop3A_179], %parallel_loop3A_176 {strides = array<i32>} : memref<32768xf32, #tpu.memory_space<vmem>>, vector<16xf32>,
        %parallel_loop3A_181 = arith.constant 16 : i32
        %parallel_loop3A_182 = arith.addi %parallel_loop3A_168, %parallel_loop3A_181 : i32
        %parallel_loop3A_183 = arith.index_cast %parallel_loop3A_182 : i32 to index
        %parallel_loop3A_184 = tpu.vector_load %arg5[%parallel_loop3A_183] {strides = array<i32>} : memref<1344xf32, #tpu.memory_space<vmem>>, vector<16xf32>,
        %parallel_loop3A_185 = arith.constant 16 : i32
        %parallel_loop3A_186 = arith.addi %parallel_loop3A_172, %parallel_loop3A_185 : i32
        %parallel_loop3A_187 = arith.index_cast %parallel_loop3A_186 : i32 to index
        %parallel_loop3A_188 = tpu.vector_load %arg8[%parallel_loop3A_187] {strides = array<i32>} : memref<32768xf32, #tpu.memory_space<vmem>>, vector<16xf32>,
        tpu.vector_store %arg8[%parallel_loop3A_187], %parallel_loop3A_184 {strides = array<i32>} : memref<32768xf32, #tpu.memory_space<vmem>>, vector<16xf32>,
        %parallel_loop3A_189 = arith.constant 32 : i32
        %parallel_loop3A_190 = arith.addi %parallel_loop3A_168, %parallel_loop3A_189 : i32
        %parallel_loop3A_191 = arith.index_cast %parallel_loop3A_190 : i32 to index
        %parallel_loop3A_192 = tpu.vector_load %arg5[%parallel_loop3A_191] {strides = array<i32>} : memref<1344xf32, #tpu.memory_space<vmem>>, vector<16xf32>,
        %parallel_loop3A_193 = arith.constant 32 : i32
        %parallel_loop3A_194 = arith.addi %parallel_loop3A_172, %parallel_loop3A_193 : i32
        %parallel_loop3A_195 = arith.index_cast %parallel_loop3A_194 : i32 to index
        %parallel_loop3A_196 = tpu.vector_load %arg8[%parallel_loop3A_195] {strides = array<i32>} : memref<32768xf32, #tpu.memory_space<vmem>>, vector<16xf32>,
        tpu.vector_store %arg8[%parallel_loop3A_195], %parallel_loop3A_192 {strides = array<i32>} : memref<32768xf32, #tpu.memory_space<vmem>>, vector<16xf32>,
        %parallel_loop3A_197 = arith.constant 48 : i32
        %parallel_loop3A_198 = arith.addi %parallel_loop3A_168, %parallel_loop3A_197 : i32
        %parallel_loop3A_199 = arith.index_cast %parallel_loop3A_198 : i32 to index
        %parallel_loop3A_200 = tpu.vector_load %arg5[%parallel_loop3A_199] {strides = array<i32>} : memref<1344xf32, #tpu.memory_space<vmem>>, vector<16xf32>,
        %parallel_loop3A_201 = arith.constant 48 : i32
        %parallel_loop3A_202 = arith.addi %parallel_loop3A_172, %parallel_loop3A_201 : i32
        %parallel_loop3A_203 = arith.index_cast %parallel_loop3A_202 : i32 to index
        %parallel_loop3A_204 = tpu.vector_load %arg8[%parallel_loop3A_203] {strides = array<i32>} : memref<32768xf32, #tpu.memory_space<vmem>>, vector<16xf32>,
        tpu.vector_store %arg8[%parallel_loop3A_203], %parallel_loop3A_200 {strides = array<i32>} : memref<32768xf32, #tpu.memory_space<vmem>>, vector<16xf32>,
        %parallel_loop3A_205 = vector.extract_strided_slice %parallel_loop3A_84 {offsets = [3], sizes = [1], strides = [1]} : vector<16xi32> to vector<1xi32>
        %parallel_loop3A_206 = vector.extract %parallel_loop3A_205[0] : i32 from vector<1xi32>
        %parallel_loop3A_207 = arith.constant 64 : i32
        %parallel_loop3A_208 = arith.muli %parallel_loop3A_206, %parallel_loop3A_207 : i32
        %parallel_loop3A_209 = arith.constant 3 : i32
        %parallel_loop3A_210 = arith.addi %parallel_loop3A_82, %parallel_loop3A_209 : i32
        %parallel_loop3A_211 = arith.constant 64 : i32
        %parallel_loop3A_212 = arith.muli %parallel_loop3A_210, %parallel_loop3A_211 : i32
        %parallel_loop3A_213 = arith.constant 0 : i32
        %parallel_loop3A_214 = arith.addi %parallel_loop3A_208, %parallel_loop3A_213 : i32
        %parallel_loop3A_215 = arith.index_cast %parallel_loop3A_214 : i32 to index
        %parallel_loop3A_216 = tpu.vector_load %arg5[%parallel_loop3A_215] {strides = array<i32>} : memref<1344xf32, #tpu.memory_space<vmem>>, vector<16xf32>,
        %parallel_loop3A_217 = arith.constant 0 : i32
        %parallel_loop3A_218 = arith.addi %parallel_loop3A_212, %parallel_loop3A_217 : i32
        %parallel_loop3A_219 = arith.index_cast %parallel_loop3A_218 : i32 to index
        %parallel_loop3A_220 = tpu.vector_load %arg8[%parallel_loop3A_219] {strides = array<i32>} : memref<32768xf32, #tpu.memory_space<vmem>>, vector<16xf32>,
        tpu.vector_store %arg8[%parallel_loop3A_219], %parallel_loop3A_216 {strides = array<i32>} : memref<32768xf32, #tpu.memory_space<vmem>>, vector<16xf32>,
        %parallel_loop3A_221 = arith.constant 16 : i32
        %parallel_loop3A_222 = arith.addi %parallel_loop3A_208, %parallel_loop3A_221 : i32
        %parallel_loop3A_223 = arith.index_cast %parallel_loop3A_222 : i32 to index
        %parallel_loop3A_224 = tpu.vector_load %arg5[%parallel_loop3A_223] {strides = array<i32>} : memref<1344xf32, #tpu.memory_space<vmem>>, vector<16xf32>,
        %parallel_loop3A_225 = arith.constant 16 : i32
        %parallel_loop3A_226 = arith.addi %parallel_loop3A_212, %parallel_loop3A_225 : i32
        %parallel_loop3A_227 = arith.index_cast %parallel_loop3A_226 : i32 to index
        %parallel_loop3A_228 = tpu.vector_load %arg8[%parallel_loop3A_227] {strides = array<i32>} : memref<32768xf32, #tpu.memory_space<vmem>>, vector<16xf32>,
        tpu.vector_store %arg8[%parallel_loop3A_227], %parallel_loop3A_224 {strides = array<i32>} : memref<32768xf32, #tpu.memory_space<vmem>>, vector<16xf32>,
        %parallel_loop3A_229 = arith.constant 32 : i32
        %parallel_loop3A_230 = arith.addi %parallel_loop3A_208, %parallel_loop3A_229 : i32
        %parallel_loop3A_231 = arith.index_cast %parallel_loop3A_230 : i32 to index
        %parallel_loop3A_232 = tpu.vector_load %arg5[%parallel_loop3A_231] {strides = array<i32>} : memref<1344xf32, #tpu.memory_space<vmem>>, vector<16xf32>,
        %parallel_loop3A_233 = arith.constant 32 : i32
        %parallel_loop3A_234 = arith.addi %parallel_loop3A_212, %parallel_loop3A_233 : i32
        %parallel_loop3A_235 = arith.index_cast %parallel_loop3A_234 : i32 to index
        %parallel_loop3A_236 = tpu.vector_load %arg8[%parallel_loop3A_235] {strides = array<i32>} : memref<32768xf32, #tpu.memory_space<vmem>>, vector<16xf32>,
        tpu.vector_store %arg8[%parallel_loop3A_235], %parallel_loop3A_232 {strides = array<i32>} : memref<32768xf32, #tpu.memory_space<vmem>>, vector<16xf32>,
        %parallel_loop3A_237 = arith.constant 48 : i32
        %parallel_loop3A_238 = arith.addi %parallel_loop3A_208, %parallel_loop3A_237 : i32
        %parallel_loop3A_239 = arith.index_cast %parallel_loop3A_238 : i32 to index
        %parallel_loop3A_240 = tpu.vector_load %arg5[%parallel_loop3A_239] {strides = array<i32>} : memref<1344xf32, #tpu.memory_space<vmem>>, vector<16xf32>,
        %parallel_loop3A_241 = arith.constant 48 : i32
        %parallel_loop3A_242 = arith.addi %parallel_loop3A_212, %parallel_loop3A_241 : i32
        %parallel_loop3A_243 = arith.index_cast %parallel_loop3A_242 : i32 to index
        %parallel_loop3A_244 = tpu.vector_load %arg8[%parallel_loop3A_243] {strides = array<i32>} : memref<32768xf32, #tpu.memory_space<vmem>>, vector<16xf32>,
        tpu.vector_store %arg8[%parallel_loop3A_243], %parallel_loop3A_240 {strides = array<i32>} : memref<32768xf32, #tpu.memory_space<vmem>>, vector<16xf32>,
        %parallel_loop3A_245 = vector.extract_strided_slice %parallel_loop3A_84 {offsets = [4], sizes = [1], strides = [1]} : vector<16xi32> to vector<1xi32>
        %parallel_loop3A_246 = vector.extract %parallel_loop3A_245[0] : i32 from vector<1xi32>
        %parallel_loop3A_247 = arith.constant 64 : i32
        %parallel_loop3A_248 = arith.muli %parallel_loop3A_246, %parallel_loop3A_247 : i32
        %parallel_loop3A_249 = arith.constant 4 : i32
        %parallel_loop3A_250 = arith.addi %parallel_loop3A_82, %parallel_loop3A_249 : i32
        %parallel_loop3A_251 = arith.constant 64 : i32
        %parallel_loop3A_252 = arith.muli %parallel_loop3A_250, %parallel_loop3A_251 : i32
        %parallel_loop3A_253 = arith.constant 0 : i32
        %parallel_loop3A_254 = arith.addi %parallel_loop3A_248, %parallel_loop3A_253 : i32
        %parallel_loop3A_255 = arith.index_cast %parallel_loop3A_254 : i32 to index
        %parallel_loop3A_256 = tpu.vector_load %arg5[%parallel_loop3A_255] {strides = array<i32>} : memref<1344xf32, #tpu.memory_space<vmem>>, vector<16xf32>,
        %parallel_loop3A_257 = arith.constant 0 : i32
        %parallel_loop3A_258 = arith.addi %parallel_loop3A_252, %parallel_loop3A_257 : i32
        %parallel_loop3A_259 = arith.index_cast %parallel_loop3A_258 : i32 to index
        %parallel_loop3A_260 = tpu.vector_load %arg8[%parallel_loop3A_259] {strides = array<i32>} : memref<32768xf32, #tpu.memory_space<vmem>>, vector<16xf32>,
        tpu.vector_store %arg8[%parallel_loop3A_259], %parallel_loop3A_256 {strides = array<i32>} : memref<32768xf32, #tpu.memory_space<vmem>>, vector<16xf32>,
        %parallel_loop3A_261 = arith.constant 16 : i32
        %parallel_loop3A_262 = arith.addi %parallel_loop3A_248, %parallel_loop3A_261 : i32
        %parallel_loop3A_263 = arith.index_cast %parallel_loop3A_262 : i32 to index
        %parallel_loop3A_264 = tpu.vector_load %arg5[%parallel_loop3A_263] {strides = array<i32>} : memref<1344xf32, #tpu.memory_space<vmem>>, vector<16xf32>,
        %parallel_loop3A_265 = arith.constant 16 : i32
        %parallel_loop3A_266 = arith.addi %parallel_loop3A_252, %parallel_loop3A_265 : i32
        %parallel_loop3A_267 = arith.index_cast %parallel_loop3A_266 : i32 to index
        %parallel_loop3A_268 = tpu.vector_load %arg8[%parallel_loop3A_267] {strides = array<i32>} : memref<32768xf32, #tpu.memory_space<vmem>>, vector<16xf32>,
        tpu.vector_store %arg8[%parallel_loop3A_267], %parallel_loop3A_264 {strides = array<i32>} : memref<32768xf32, #tpu.memory_space<vmem>>, vector<16xf32>,
        %parallel_loop3A_269 = arith.constant 32 : i32
        %parallel_loop3A_270 = arith.addi %parallel_loop3A_248, %parallel_loop3A_269 : i32
        %parallel_loop3A_271 = arith.index_cast %parallel_loop3A_270 : i32 to index
        %parallel_loop3A_272 = tpu.vector_load %arg5[%parallel_loop3A_271] {strides = array<i32>} : memref<1344xf32, #tpu.memory_space<vmem>>, vector<16xf32>,
        %parallel_loop3A_273 = arith.constant 32 : i32
        %parallel_loop3A_274 = arith.addi %parallel_loop3A_252, %parallel_loop3A_273 : i32
        %parallel_loop3A_275 = arith.index_cast %parallel_loop3A_274 : i32 to index
        %parallel_loop3A_276 = tpu.vector_load %arg8[%parallel_loop3A_275] {strides = array<i32>} : memref<32768xf32, #tpu.memory_space<vmem>>, vector<16xf32>,
        tpu.vector_store %arg8[%parallel_loop3A_275], %parallel_loop3A_272 {strides = array<i32>} : memref<32768xf32, #tpu.memory_space<vmem>>, vector<16xf32>,
        %parallel_loop3A_277 = arith.constant 48 : i32
        %parallel_loop3A_278 = arith.addi %parallel_loop3A_248, %parallel_loop3A_277 : i32
        %parallel_loop3A_279 = arith.index_cast %parallel_loop3A_278 : i32 to index
        %parallel_loop3A_280 = tpu.vector_load %arg5[%parallel_loop3A_279] {strides = array<i32>} : memref<1344xf32, #tpu.memory_space<vmem>>, vector<16xf32>,
        %parallel_loop3A_281 = arith.constant 48 : i32
        %parallel_loop3A_282 = arith.addi %parallel_loop3A_252, %parallel_loop3A_281 : i32
        %parallel_loop3A_283 = arith.index_cast %parallel_loop3A_282 : i32 to index
        %parallel_loop3A_284 = tpu.vector_load %arg8[%parallel_loop3A_283] {strides = array<i32>} : memref<32768xf32, #tpu.memory_space<vmem>>, vector<16xf32>,
        tpu.vector_store %arg8[%parallel_loop3A_283], %parallel_loop3A_280 {strides = array<i32>} : memref<32768xf32, #tpu.memory_space<vmem>>, vector<16xf32>,
        %parallel_loop3A_285 = vector.extract_strided_slice %parallel_loop3A_84 {offsets = [5], sizes = [1], strides = [1]} : vector<16xi32> to vector<1xi32>
        %parallel_loop3A_286 = vector.extract %parallel_loop3A_285[0] : i32 from vector<1xi32>
        %parallel_loop3A_287 = arith.constant 64 : i32
        %parallel_loop3A_288 = arith.muli %parallel_loop3A_286, %parallel_loop3A_287 : i32
        %parallel_loop3A_289 = arith.constant 5 : i32
        %parallel_loop3A_290 = arith.addi %parallel_loop3A_82, %parallel_loop3A_289 : i32
        %parallel_loop3A_291 = arith.constant 64 : i32
        %parallel_loop3A_292 = arith.muli %parallel_loop3A_290, %parallel_loop3A_291 : i32
        %parallel_loop3A_293 = arith.constant 0 : i32
        %parallel_loop3A_294 = arith.addi %parallel_loop3A_288, %parallel_loop3A_293 : i32
        %parallel_loop3A_295 = arith.index_cast %parallel_loop3A_294 : i32 to index
        %parallel_loop3A_296 = tpu.vector_load %arg5[%parallel_loop3A_295] {strides = array<i32>} : memref<1344xf32, #tpu.memory_space<vmem>>, vector<16xf32>,
        %parallel_loop3A_297 = arith.constant 0 : i32
        %parallel_loop3A_298 = arith.addi %parallel_loop3A_292, %parallel_loop3A_297 : i32
        %parallel_loop3A_299 = arith.index_cast %parallel_loop3A_298 : i32 to index
        %parallel_loop3A_300 = tpu.vector_load %arg8[%parallel_loop3A_299] {strides = array<i32>} : memref<32768xf32, #tpu.memory_space<vmem>>, vector<16xf32>,
        tpu.vector_store %arg8[%parallel_loop3A_299], %parallel_loop3A_296 {strides = array<i32>} : memref<32768xf32, #tpu.memory_space<vmem>>, vector<16xf32>,
        %parallel_loop3A_301 = arith.constant 16 : i32
        %parallel_loop3A_302 = arith.addi %parallel_loop3A_288, %parallel_loop3A_301 : i32
        %parallel_loop3A_303 = arith.index_cast %parallel_loop3A_302 : i32 to index
        %parallel_loop3A_304 = tpu.vector_load %arg5[%parallel_loop3A_303] {strides = array<i32>} : memref<1344xf32, #tpu.memory_space<vmem>>, vector<16xf32>,
        %parallel_loop3A_305 = arith.constant 16 : i32
        %parallel_loop3A_306 = arith.addi %parallel_loop3A_292, %parallel_loop3A_305 : i32
        %parallel_loop3A_307 = arith.index_cast %parallel_loop3A_306 : i32 to index
        %parallel_loop3A_308 = tpu.vector_load %arg8[%parallel_loop3A_307] {strides = array<i32>} : memref<32768xf32, #tpu.memory_space<vmem>>, vector<16xf32>,
        tpu.vector_store %arg8[%parallel_loop3A_307], %parallel_loop3A_304 {strides = array<i32>} : memref<32768xf32, #tpu.memory_space<vmem>>, vector<16xf32>,
        %parallel_loop3A_309 = arith.constant 32 : i32
        %parallel_loop3A_310 = arith.addi %parallel_loop3A_288, %parallel_loop3A_309 : i32
        %parallel_loop3A_311 = arith.index_cast %parallel_loop3A_310 : i32 to index
        %parallel_loop3A_312 = tpu.vector_load %arg5[%parallel_loop3A_311] {strides = array<i32>} : memref<1344xf32, #tpu.memory_space<vmem>>, vector<16xf32>,
        %parallel_loop3A_313 = arith.constant 32 : i32
        %parallel_loop3A_314 = arith.addi %parallel_loop3A_292, %parallel_loop3A_313 : i32
        %parallel_loop3A_315 = arith.index_cast %parallel_loop3A_314 : i32 to index
        %parallel_loop3A_316 = tpu.vector_load %arg8[%parallel_loop3A_315] {strides = array<i32>} : memref<32768xf32, #tpu.memory_space<vmem>>, vector<16xf32>,
        tpu.vector_store %arg8[%parallel_loop3A_315], %parallel_loop3A_312 {strides = array<i32>} : memref<32768xf32, #tpu.memory_space<vmem>>, vector<16xf32>,
        %parallel_loop3A_317 = arith.constant 48 : i32
        %parallel_loop3A_318 = arith.addi %parallel_loop3A_288, %parallel_loop3A_317 : i32
        %parallel_loop3A_319 = arith.index_cast %parallel_loop3A_318 : i32 to index
        %parallel_loop3A_320 = tpu.vector_load %arg5[%parallel_loop3A_319] {strides = array<i32>} : memref<1344xf32, #tpu.memory_space<vmem>>, vector<16xf32>,
        %parallel_loop3A_321 = arith.constant 48 : i32
        %parallel_loop3A_322 = arith.addi %parallel_loop3A_292, %parallel_loop3A_321 : i32
        %parallel_loop3A_323 = arith.index_cast %parallel_loop3A_322 : i32 to index
        %parallel_loop3A_324 = tpu.vector_load %arg8[%parallel_loop3A_323] {strides = array<i32>} : memref<32768xf32, #tpu.memory_space<vmem>>, vector<16xf32>,
        tpu.vector_store %arg8[%parallel_loop3A_323], %parallel_loop3A_320 {strides = array<i32>} : memref<32768xf32, #tpu.memory_space<vmem>>, vector<16xf32>,
        %parallel_loop3A_325 = vector.extract_strided_slice %parallel_loop3A_84 {offsets = [6], sizes = [1], strides = [1]} : vector<16xi32> to vector<1xi32>
        %parallel_loop3A_326 = vector.extract %parallel_loop3A_325[0] : i32 from vector<1xi32>
        %parallel_loop3A_327 = arith.constant 64 : i32
        %parallel_loop3A_328 = arith.muli %parallel_loop3A_326, %parallel_loop3A_327 : i32
        %parallel_loop3A_329 = arith.constant 6 : i32
        %parallel_loop3A_330 = arith.addi %parallel_loop3A_82, %parallel_loop3A_329 : i32
        %parallel_loop3A_331 = arith.constant 64 : i32
        %parallel_loop3A_332 = arith.muli %parallel_loop3A_330, %parallel_loop3A_331 : i32
        %parallel_loop3A_333 = arith.constant 0 : i32
        %parallel_loop3A_334 = arith.addi %parallel_loop3A_328, %parallel_loop3A_333 : i32
        %parallel_loop3A_335 = arith.index_cast %parallel_loop3A_334 : i32 to index
        %parallel_loop3A_336 = tpu.vector_load %arg5[%parallel_loop3A_335] {strides = array<i32>} : memref<1344xf32, #tpu.memory_space<vmem>>, vector<16xf32>,
        %parallel_loop3A_337 = arith.constant 0 : i32
        %parallel_loop3A_338 = arith.addi %parallel_loop3A_332, %parallel_loop3A_337 : i32
        %parallel_loop3A_339 = arith.index_cast %parallel_loop3A_338 : i32 to index
        %parallel_loop3A_340 = tpu.vector_load %arg8[%parallel_loop3A_339] {strides = array<i32>} : memref<32768xf32, #tpu.memory_space<vmem>>, vector<16xf32>,
        tpu.vector_store %arg8[%parallel_loop3A_339], %parallel_loop3A_336 {strides = array<i32>} : memref<32768xf32, #tpu.memory_space<vmem>>, vector<16xf32>,
        %parallel_loop3A_341 = arith.constant 16 : i32
        %parallel_loop3A_342 = arith.addi %parallel_loop3A_328, %parallel_loop3A_341 : i32
        %parallel_loop3A_343 = arith.index_cast %parallel_loop3A_342 : i32 to index
        %parallel_loop3A_344 = tpu.vector_load %arg5[%parallel_loop3A_343] {strides = array<i32>} : memref<1344xf32, #tpu.memory_space<vmem>>, vector<16xf32>,
        %parallel_loop3A_345 = arith.constant 16 : i32
        %parallel_loop3A_346 = arith.addi %parallel_loop3A_332, %parallel_loop3A_345 : i32
        %parallel_loop3A_347 = arith.index_cast %parallel_loop3A_346 : i32 to index
        %parallel_loop3A_348 = tpu.vector_load %arg8[%parallel_loop3A_347] {strides = array<i32>} : memref<32768xf32, #tpu.memory_space<vmem>>, vector<16xf32>,
        tpu.vector_store %arg8[%parallel_loop3A_347], %parallel_loop3A_344 {strides = array<i32>} : memref<32768xf32, #tpu.memory_space<vmem>>, vector<16xf32>,
        %parallel_loop3A_349 = arith.constant 32 : i32
        %parallel_loop3A_350 = arith.addi %parallel_loop3A_328, %parallel_loop3A_349 : i32
        %parallel_loop3A_351 = arith.index_cast %parallel_loop3A_350 : i32 to index
        %parallel_loop3A_352 = tpu.vector_load %arg5[%parallel_loop3A_351] {strides = array<i32>} : memref<1344xf32, #tpu.memory_space<vmem>>, vector<16xf32>,
        %parallel_loop3A_353 = arith.constant 32 : i32
        %parallel_loop3A_354 = arith.addi %parallel_loop3A_332, %parallel_loop3A_353 : i32
        %parallel_loop3A_355 = arith.index_cast %parallel_loop3A_354 : i32 to index
        %parallel_loop3A_356 = tpu.vector_load %arg8[%parallel_loop3A_355] {strides = array<i32>} : memref<32768xf32, #tpu.memory_space<vmem>>, vector<16xf32>,
        tpu.vector_store %arg8[%parallel_loop3A_355], %parallel_loop3A_352 {strides = array<i32>} : memref<32768xf32, #tpu.memory_space<vmem>>, vector<16xf32>,
        %parallel_loop3A_357 = arith.constant 48 : i32
        %parallel_loop3A_358 = arith.addi %parallel_loop3A_328, %parallel_loop3A_357 : i32
        %parallel_loop3A_359 = arith.index_cast %parallel_loop3A_358 : i32 to index
        %parallel_loop3A_360 = tpu.vector_load %arg5[%parallel_loop3A_359] {strides = array<i32>} : memref<1344xf32, #tpu.memory_space<vmem>>, vector<16xf32>,
        %parallel_loop3A_361 = arith.constant 48 : i32
        %parallel_loop3A_362 = arith.addi %parallel_loop3A_332, %parallel_loop3A_361 : i32
        %parallel_loop3A_363 = arith.index_cast %parallel_loop3A_362 : i32 to index
        %parallel_loop3A_364 = tpu.vector_load %arg8[%parallel_loop3A_363] {strides = array<i32>} : memref<32768xf32, #tpu.memory_space<vmem>>, vector<16xf32>,
        tpu.vector_store %arg8[%parallel_loop3A_363], %parallel_loop3A_360 {strides = array<i32>} : memref<32768xf32, #tpu.memory_space<vmem>>, vector<16xf32>,
        %parallel_loop3A_365 = vector.extract_strided_slice %parallel_loop3A_84 {offsets = [7], sizes = [1], strides = [1]} : vector<16xi32> to vector<1xi32>
        %parallel_loop3A_366 = vector.extract %parallel_loop3A_365[0] : i32 from vector<1xi32>
        %parallel_loop3A_367 = arith.constant 64 : i32
        %parallel_loop3A_368 = arith.muli %parallel_loop3A_366, %parallel_loop3A_367 : i32
        %parallel_loop3A_369 = arith.constant 7 : i32
        %parallel_loop3A_370 = arith.addi %parallel_loop3A_82, %parallel_loop3A_369 : i32
        %parallel_loop3A_371 = arith.constant 64 : i32
        %parallel_loop3A_372 = arith.muli %parallel_loop3A_370, %parallel_loop3A_371 : i32
        %parallel_loop3A_373 = arith.constant 0 : i32
        %parallel_loop3A_374 = arith.addi %parallel_loop3A_368, %parallel_loop3A_373 : i32
        %parallel_loop3A_375 = arith.index_cast %parallel_loop3A_374 : i32 to index
        %parallel_loop3A_376 = tpu.vector_load %arg5[%parallel_loop3A_375] {strides = array<i32>} : memref<1344xf32, #tpu.memory_space<vmem>>, vector<16xf32>,
        %parallel_loop3A_377 = arith.constant 0 : i32
        %parallel_loop3A_378 = arith.addi %parallel_loop3A_372, %parallel_loop3A_377 : i32
        %parallel_loop3A_379 = arith.index_cast %parallel_loop3A_378 : i32 to index
        %parallel_loop3A_380 = tpu.vector_load %arg8[%parallel_loop3A_379] {strides = array<i32>} : memref<32768xf32, #tpu.memory_space<vmem>>, vector<16xf32>,
        tpu.vector_store %arg8[%parallel_loop3A_379], %parallel_loop3A_376 {strides = array<i32>} : memref<32768xf32, #tpu.memory_space<vmem>>, vector<16xf32>,
        %parallel_loop3A_381 = arith.constant 16 : i32
        %parallel_loop3A_382 = arith.addi %parallel_loop3A_368, %parallel_loop3A_381 : i32
        %parallel_loop3A_383 = arith.index_cast %parallel_loop3A_382 : i32 to index
        %parallel_loop3A_384 = tpu.vector_load %arg5[%parallel_loop3A_383] {strides = array<i32>} : memref<1344xf32, #tpu.memory_space<vmem>>, vector<16xf32>,
        %parallel_loop3A_385 = arith.constant 16 : i32
        %parallel_loop3A_386 = arith.addi %parallel_loop3A_372, %parallel_loop3A_385 : i32
        %parallel_loop3A_387 = arith.index_cast %parallel_loop3A_386 : i32 to index
        %parallel_loop3A_388 = tpu.vector_load %arg8[%parallel_loop3A_387] {strides = array<i32>} : memref<32768xf32, #tpu.memory_space<vmem>>, vector<16xf32>,
        tpu.vector_store %arg8[%parallel_loop3A_387], %parallel_loop3A_384 {strides = array<i32>} : memref<32768xf32, #tpu.memory_space<vmem>>, vector<16xf32>,
        %parallel_loop3A_389 = arith.constant 32 : i32
        %parallel_loop3A_390 = arith.addi %parallel_loop3A_368, %parallel_loop3A_389 : i32
        %parallel_loop3A_391 = arith.index_cast %parallel_loop3A_390 : i32 to index
        %parallel_loop3A_392 = tpu.vector_load %arg5[%parallel_loop3A_391] {strides = array<i32>} : memref<1344xf32, #tpu.memory_space<vmem>>, vector<16xf32>,
        %parallel_loop3A_393 = arith.constant 32 : i32
        %parallel_loop3A_394 = arith.addi %parallel_loop3A_372, %parallel_loop3A_393 : i32
        %parallel_loop3A_395 = arith.index_cast %parallel_loop3A_394 : i32 to index
        %parallel_loop3A_396 = tpu.vector_load %arg8[%parallel_loop3A_395] {strides = array<i32>} : memref<32768xf32, #tpu.memory_space<vmem>>, vector<16xf32>,
        tpu.vector_store %arg8[%parallel_loop3A_395], %parallel_loop3A_392 {strides = array<i32>} : memref<32768xf32, #tpu.memory_space<vmem>>, vector<16xf32>,
        %parallel_loop3A_397 = arith.constant 48 : i32
        %parallel_loop3A_398 = arith.addi %parallel_loop3A_368, %parallel_loop3A_397 : i32
        %parallel_loop3A_399 = arith.index_cast %parallel_loop3A_398 : i32 to index
        %parallel_loop3A_400 = tpu.vector_load %arg5[%parallel_loop3A_399] {strides = array<i32>} : memref<1344xf32, #tpu.memory_space<vmem>>, vector<16xf32>,
        %parallel_loop3A_401 = arith.constant 48 : i32
        %parallel_loop3A_402 = arith.addi %parallel_loop3A_372, %parallel_loop3A_401 : i32
        %parallel_loop3A_403 = arith.index_cast %parallel_loop3A_402 : i32 to index
        %parallel_loop3A_404 = tpu.vector_load %arg8[%parallel_loop3A_403] {strides = array<i32>} : memref<32768xf32, #tpu.memory_space<vmem>>, vector<16xf32>,
        tpu.vector_store %arg8[%parallel_loop3A_403], %parallel_loop3A_400 {strides = array<i32>} : memref<32768xf32, #tpu.memory_space<vmem>>, vector<16xf32>,
        %parallel_loop3A_405 = vector.extract_strided_slice %parallel_loop3A_84 {offsets = [8], sizes = [1], strides = [1]} : vector<16xi32> to vector<1xi32>
        %parallel_loop3A_406 = vector.extract %parallel_loop3A_405[0] : i32 from vector<1xi32>
        %parallel_loop3A_407 = arith.constant 64 : i32
        %parallel_loop3A_408 = arith.muli %parallel_loop3A_406, %parallel_loop3A_407 : i32
        %parallel_loop3A_409 = arith.constant 8 : i32
        %parallel_loop3A_410 = arith.addi %parallel_loop3A_82, %parallel_loop3A_409 : i32
        %parallel_loop3A_411 = arith.constant 64 : i32
        %parallel_loop3A_412 = arith.muli %parallel_loop3A_410, %parallel_loop3A_411 : i32
        %parallel_loop3A_413 = arith.constant 0 : i32
        %parallel_loop3A_414 = arith.addi %parallel_loop3A_408, %parallel_loop3A_413 : i32
        %parallel_loop3A_415 = arith.index_cast %parallel_loop3A_414 : i32 to index
        %parallel_loop3A_416 = tpu.vector_load %arg5[%parallel_loop3A_415] {strides = array<i32>} : memref<1344xf32, #tpu.memory_space<vmem>>, vector<16xf32>,
        %parallel_loop3A_417 = arith.constant 0 : i32
        %parallel_loop3A_418 = arith.addi %parallel_loop3A_412, %parallel_loop3A_417 : i32
        %parallel_loop3A_419 = arith.index_cast %parallel_loop3A_418 : i32 to index
        %parallel_loop3A_420 = tpu.vector_load %arg8[%parallel_loop3A_419] {strides = array<i32>} : memref<32768xf32, #tpu.memory_space<vmem>>, vector<16xf32>,
        tpu.vector_store %arg8[%parallel_loop3A_419], %parallel_loop3A_416 {strides = array<i32>} : memref<32768xf32, #tpu.memory_space<vmem>>, vector<16xf32>,
        %parallel_loop3A_421 = arith.constant 16 : i32
        %parallel_loop3A_422 = arith.addi %parallel_loop3A_408, %parallel_loop3A_421 : i32
        %parallel_loop3A_423 = arith.index_cast %parallel_loop3A_422 : i32 to index
        %parallel_loop3A_424 = tpu.vector_load %arg5[%parallel_loop3A_423] {strides = array<i32>} : memref<1344xf32, #tpu.memory_space<vmem>>, vector<16xf32>,
        %parallel_loop3A_425 = arith.constant 16 : i32
        %parallel_loop3A_426 = arith.addi %parallel_loop3A_412, %parallel_loop3A_425 : i32
        %parallel_loop3A_427 = arith.index_cast %parallel_loop3A_426 : i32 to index
        %parallel_loop3A_428 = tpu.vector_load %arg8[%parallel_loop3A_427] {strides = array<i32>} : memref<32768xf32, #tpu.memory_space<vmem>>, vector<16xf32>,
        tpu.vector_store %arg8[%parallel_loop3A_427], %parallel_loop3A_424 {strides = array<i32>} : memref<32768xf32, #tpu.memory_space<vmem>>, vector<16xf32>,
        %parallel_loop3A_429 = arith.constant 32 : i32
        %parallel_loop3A_430 = arith.addi %parallel_loop3A_408, %parallel_loop3A_429 : i32
        %parallel_loop3A_431 = arith.index_cast %parallel_loop3A_430 : i32 to index
        %parallel_loop3A_432 = tpu.vector_load %arg5[%parallel_loop3A_431] {strides = array<i32>} : memref<1344xf32, #tpu.memory_space<vmem>>, vector<16xf32>,
        %parallel_loop3A_433 = arith.constant 32 : i32
        %parallel_loop3A_434 = arith.addi %parallel_loop3A_412, %parallel_loop3A_433 : i32
        %parallel_loop3A_435 = arith.index_cast %parallel_loop3A_434 : i32 to index
        %parallel_loop3A_436 = tpu.vector_load %arg8[%parallel_loop3A_435] {strides = array<i32>} : memref<32768xf32, #tpu.memory_space<vmem>>, vector<16xf32>,
        tpu.vector_store %arg8[%parallel_loop3A_435], %parallel_loop3A_432 {strides = array<i32>} : memref<32768xf32, #tpu.memory_space<vmem>>, vector<16xf32>,
        %parallel_loop3A_437 = arith.constant 48 : i32
        %parallel_loop3A_438 = arith.addi %parallel_loop3A_408, %parallel_loop3A_437 : i32
        %parallel_loop3A_439 = arith.index_cast %parallel_loop3A_438 : i32 to index
        %parallel_loop3A_440 = tpu.vector_load %arg5[%parallel_loop3A_439] {strides = array<i32>} : memref<1344xf32, #tpu.memory_space<vmem>>, vector<16xf32>,
        %parallel_loop3A_441 = arith.constant 48 : i32
        %parallel_loop3A_442 = arith.addi %parallel_loop3A_412, %parallel_loop3A_441 : i32
        %parallel_loop3A_443 = arith.index_cast %parallel_loop3A_442 : i32 to index
        %parallel_loop3A_444 = tpu.vector_load %arg8[%parallel_loop3A_443] {strides = array<i32>} : memref<32768xf32, #tpu.memory_space<vmem>>, vector<16xf32>,
        tpu.vector_store %arg8[%parallel_loop3A_443], %parallel_loop3A_440 {strides = array<i32>} : memref<32768xf32, #tpu.memory_space<vmem>>, vector<16xf32>,
        %parallel_loop3A_445 = vector.extract_strided_slice %parallel_loop3A_84 {offsets = [9], sizes = [1], strides = [1]} : vector<16xi32> to vector<1xi32>
        %parallel_loop3A_446 = vector.extract %parallel_loop3A_445[0] : i32 from vector<1xi32>
        %parallel_loop3A_447 = arith.constant 64 : i32
        %parallel_loop3A_448 = arith.muli %parallel_loop3A_446, %parallel_loop3A_447 : i32
        %parallel_loop3A_449 = arith.constant 9 : i32
        %parallel_loop3A_450 = arith.addi %parallel_loop3A_82, %parallel_loop3A_449 : i32
        %parallel_loop3A_451 = arith.constant 64 : i32
        %parallel_loop3A_452 = arith.muli %parallel_loop3A_450, %parallel_loop3A_451 : i32
        %parallel_loop3A_453 = arith.constant 0 : i32
        %parallel_loop3A_454 = arith.addi %parallel_loop3A_448, %parallel_loop3A_453 : i32
        %parallel_loop3A_455 = arith.index_cast %parallel_loop3A_454 : i32 to index
        %parallel_loop3A_456 = tpu.vector_load %arg5[%parallel_loop3A_455] {strides = array<i32>} : memref<1344xf32, #tpu.memory_space<vmem>>, vector<16xf32>,
        %parallel_loop3A_457 = arith.constant 0 : i32
        %parallel_loop3A_458 = arith.addi %parallel_loop3A_452, %parallel_loop3A_457 : i32
        %parallel_loop3A_459 = arith.index_cast %parallel_loop3A_458 : i32 to index
        %parallel_loop3A_460 = tpu.vector_load %arg8[%parallel_loop3A_459] {strides = array<i32>} : memref<32768xf32, #tpu.memory_space<vmem>>, vector<16xf32>,
        tpu.vector_store %arg8[%parallel_loop3A_459], %parallel_loop3A_456 {strides = array<i32>} : memref<32768xf32, #tpu.memory_space<vmem>>, vector<16xf32>,
        %parallel_loop3A_461 = arith.constant 16 : i32
        %parallel_loop3A_462 = arith.addi %parallel_loop3A_448, %parallel_loop3A_461 : i32
        %parallel_loop3A_463 = arith.index_cast %parallel_loop3A_462 : i32 to index
        %parallel_loop3A_464 = tpu.vector_load %arg5[%parallel_loop3A_463] {strides = array<i32>} : memref<1344xf32, #tpu.memory_space<vmem>>, vector<16xf32>,
        %parallel_loop3A_465 = arith.constant 16 : i32
        %parallel_loop3A_466 = arith.addi %parallel_loop3A_452, %parallel_loop3A_465 : i32
        %parallel_loop3A_467 = arith.index_cast %parallel_loop3A_466 : i32 to index
        %parallel_loop3A_468 = tpu.vector_load %arg8[%parallel_loop3A_467] {strides = array<i32>} : memref<32768xf32, #tpu.memory_space<vmem>>, vector<16xf32>,
        tpu.vector_store %arg8[%parallel_loop3A_467], %parallel_loop3A_464 {strides = array<i32>} : memref<32768xf32, #tpu.memory_space<vmem>>, vector<16xf32>,
        %parallel_loop3A_469 = arith.constant 32 : i32
        %parallel_loop3A_470 = arith.addi %parallel_loop3A_448, %parallel_loop3A_469 : i32
        %parallel_loop3A_471 = arith.index_cast %parallel_loop3A_470 : i32 to index
        %parallel_loop3A_472 = tpu.vector_load %arg5[%parallel_loop3A_471] {strides = array<i32>} : memref<1344xf32, #tpu.memory_space<vmem>>, vector<16xf32>,
        %parallel_loop3A_473 = arith.constant 32 : i32
        %parallel_loop3A_474 = arith.addi %parallel_loop3A_452, %parallel_loop3A_473 : i32
        %parallel_loop3A_475 = arith.index_cast %parallel_loop3A_474 : i32 to index
        %parallel_loop3A_476 = tpu.vector_load %arg8[%parallel_loop3A_475] {strides = array<i32>} : memref<32768xf32, #tpu.memory_space<vmem>>, vector<16xf32>,
        tpu.vector_store %arg8[%parallel_loop3A_475], %parallel_loop3A_472 {strides = array<i32>} : memref<32768xf32, #tpu.memory_space<vmem>>, vector<16xf32>,
        %parallel_loop3A_477 = arith.constant 48 : i32
        %parallel_loop3A_478 = arith.addi %parallel_loop3A_448, %parallel_loop3A_477 : i32
        %parallel_loop3A_479 = arith.index_cast %parallel_loop3A_478 : i32 to index
        %parallel_loop3A_480 = tpu.vector_load %arg5[%parallel_loop3A_479] {strides = array<i32>} : memref<1344xf32, #tpu.memory_space<vmem>>, vector<16xf32>,
        %parallel_loop3A_481 = arith.constant 48 : i32
        %parallel_loop3A_482 = arith.addi %parallel_loop3A_452, %parallel_loop3A_481 : i32
        %parallel_loop3A_483 = arith.index_cast %parallel_loop3A_482 : i32 to index
        %parallel_loop3A_484 = tpu.vector_load %arg8[%parallel_loop3A_483] {strides = array<i32>} : memref<32768xf32, #tpu.memory_space<vmem>>, vector<16xf32>,
        tpu.vector_store %arg8[%parallel_loop3A_483], %parallel_loop3A_480 {strides = array<i32>} : memref<32768xf32, #tpu.memory_space<vmem>>, vector<16xf32>,
        %parallel_loop3A_485 = vector.extract_strided_slice %parallel_loop3A_84 {offsets = [10], sizes = [1], strides = [1]} : vector<16xi32> to vector<1xi32>
        %parallel_loop3A_486 = vector.extract %parallel_loop3A_485[0] : i32 from vector<1xi32>
        %parallel_loop3A_487 = arith.constant 64 : i32
        %parallel_loop3A_488 = arith.muli %parallel_loop3A_486, %parallel_loop3A_487 : i32
        %parallel_loop3A_489 = arith.constant 10 : i32
        %parallel_loop3A_490 = arith.addi %parallel_loop3A_82, %parallel_loop3A_489 : i32
        %parallel_loop3A_491 = arith.constant 64 : i32
        %parallel_loop3A_492 = arith.muli %parallel_loop3A_490, %parallel_loop3A_491 : i32
        %parallel_loop3A_493 = arith.constant 0 : i32
        %parallel_loop3A_494 = arith.addi %parallel_loop3A_488, %parallel_loop3A_493 : i32
        %parallel_loop3A_495 = arith.index_cast %parallel_loop3A_494 : i32 to index
        %parallel_loop3A_496 = tpu.vector_load %arg5[%parallel_loop3A_495] {strides = array<i32>} : memref<1344xf32, #tpu.memory_space<vmem>>, vector<16xf32>,
        %parallel_loop3A_497 = arith.constant 0 : i32
        %parallel_loop3A_498 = arith.addi %parallel_loop3A_492, %parallel_loop3A_497 : i32
        %parallel_loop3A_499 = arith.index_cast %parallel_loop3A_498 : i32 to index
        %parallel_loop3A_500 = tpu.vector_load %arg8[%parallel_loop3A_499] {strides = array<i32>} : memref<32768xf32, #tpu.memory_space<vmem>>, vector<16xf32>,
        tpu.vector_store %arg8[%parallel_loop3A_499], %parallel_loop3A_496 {strides = array<i32>} : memref<32768xf32, #tpu.memory_space<vmem>>, vector<16xf32>,
        %parallel_loop3A_501 = arith.constant 16 : i32
        %parallel_loop3A_502 = arith.addi %parallel_loop3A_488, %parallel_loop3A_501 : i32
        %parallel_loop3A_503 = arith.index_cast %parallel_loop3A_502 : i32 to index
        %parallel_loop3A_504 = tpu.vector_load %arg5[%parallel_loop3A_503] {strides = array<i32>} : memref<1344xf32, #tpu.memory_space<vmem>>, vector<16xf32>,
        %parallel_loop3A_505 = arith.constant 16 : i32
        %parallel_loop3A_506 = arith.addi %parallel_loop3A_492, %parallel_loop3A_505 : i32
        %parallel_loop3A_507 = arith.index_cast %parallel_loop3A_506 : i32 to index
        %parallel_loop3A_508 = tpu.vector_load %arg8[%parallel_loop3A_507] {strides = array<i32>} : memref<32768xf32, #tpu.memory_space<vmem>>, vector<16xf32>,
        tpu.vector_store %arg8[%parallel_loop3A_507], %parallel_loop3A_504 {strides = array<i32>} : memref<32768xf32, #tpu.memory_space<vmem>>, vector<16xf32>,
        %parallel_loop3A_509 = arith.constant 32 : i32
        %parallel_loop3A_510 = arith.addi %parallel_loop3A_488, %parallel_loop3A_509 : i32
        %parallel_loop3A_511 = arith.index_cast %parallel_loop3A_510 : i32 to index
        %parallel_loop3A_512 = tpu.vector_load %arg5[%parallel_loop3A_511] {strides = array<i32>} : memref<1344xf32, #tpu.memory_space<vmem>>, vector<16xf32>,
        %parallel_loop3A_513 = arith.constant 32 : i32
        %parallel_loop3A_514 = arith.addi %parallel_loop3A_492, %parallel_loop3A_513 : i32
        %parallel_loop3A_515 = arith.index_cast %parallel_loop3A_514 : i32 to index
        %parallel_loop3A_516 = tpu.vector_load %arg8[%parallel_loop3A_515] {strides = array<i32>} : memref<32768xf32, #tpu.memory_space<vmem>>, vector<16xf32>,
        tpu.vector_store %arg8[%parallel_loop3A_515], %parallel_loop3A_512 {strides = array<i32>} : memref<32768xf32, #tpu.memory_space<vmem>>, vector<16xf32>,
        %parallel_loop3A_517 = arith.constant 48 : i32
        %parallel_loop3A_518 = arith.addi %parallel_loop3A_488, %parallel_loop3A_517 : i32
        %parallel_loop3A_519 = arith.index_cast %parallel_loop3A_518 : i32 to index
        %parallel_loop3A_520 = tpu.vector_load %arg5[%parallel_loop3A_519] {strides = array<i32>} : memref<1344xf32, #tpu.memory_space<vmem>>, vector<16xf32>,
        %parallel_loop3A_521 = arith.constant 48 : i32
        %parallel_loop3A_522 = arith.addi %parallel_loop3A_492, %parallel_loop3A_521 : i32
        %parallel_loop3A_523 = arith.index_cast %parallel_loop3A_522 : i32 to index
        %parallel_loop3A_524 = tpu.vector_load %arg8[%parallel_loop3A_523] {strides = array<i32>} : memref<32768xf32, #tpu.memory_space<vmem>>, vector<16xf32>,
        tpu.vector_store %arg8[%parallel_loop3A_523], %parallel_loop3A_520 {strides = array<i32>} : memref<32768xf32, #tpu.memory_space<vmem>>, vector<16xf32>,
        %parallel_loop3A_525 = vector.extract_strided_slice %parallel_loop3A_84 {offsets = [11], sizes = [1], strides = [1]} : vector<16xi32> to vector<1xi32>
        %parallel_loop3A_526 = vector.extract %parallel_loop3A_525[0] : i32 from vector<1xi32>
        %parallel_loop3A_527 = arith.constant 64 : i32
        %parallel_loop3A_528 = arith.muli %parallel_loop3A_526, %parallel_loop3A_527 : i32
        %parallel_loop3A_529 = arith.constant 11 : i32
        %parallel_loop3A_530 = arith.addi %parallel_loop3A_82, %parallel_loop3A_529 : i32
        %parallel_loop3A_531 = arith.constant 64 : i32
        %parallel_loop3A_532 = arith.muli %parallel_loop3A_530, %parallel_loop3A_531 : i32
        %parallel_loop3A_533 = arith.constant 0 : i32
        %parallel_loop3A_534 = arith.addi %parallel_loop3A_528, %parallel_loop3A_533 : i32
        %parallel_loop3A_535 = arith.index_cast %parallel_loop3A_534 : i32 to index
        %parallel_loop3A_536 = tpu.vector_load %arg5[%parallel_loop3A_535] {strides = array<i32>} : memref<1344xf32, #tpu.memory_space<vmem>>, vector<16xf32>,
        %parallel_loop3A_537 = arith.constant 0 : i32
        %parallel_loop3A_538 = arith.addi %parallel_loop3A_532, %parallel_loop3A_537 : i32
        %parallel_loop3A_539 = arith.index_cast %parallel_loop3A_538 : i32 to index
        %parallel_loop3A_540 = tpu.vector_load %arg8[%parallel_loop3A_539] {strides = array<i32>} : memref<32768xf32, #tpu.memory_space<vmem>>, vector<16xf32>,
        tpu.vector_store %arg8[%parallel_loop3A_539], %parallel_loop3A_536 {strides = array<i32>} : memref<32768xf32, #tpu.memory_space<vmem>>, vector<16xf32>,
        %parallel_loop3A_541 = arith.constant 16 : i32
        %parallel_loop3A_542 = arith.addi %parallel_loop3A_528, %parallel_loop3A_541 : i32
        %parallel_loop3A_543 = arith.index_cast %parallel_loop3A_542 : i32 to index
        %parallel_loop3A_544 = tpu.vector_load %arg5[%parallel_loop3A_543] {strides = array<i32>} : memref<1344xf32, #tpu.memory_space<vmem>>, vector<16xf32>,
        %parallel_loop3A_545 = arith.constant 16 : i32
        %parallel_loop3A_546 = arith.addi %parallel_loop3A_532, %parallel_loop3A_545 : i32
        %parallel_loop3A_547 = arith.index_cast %parallel_loop3A_546 : i32 to index
        %parallel_loop3A_548 = tpu.vector_load %arg8[%parallel_loop3A_547] {strides = array<i32>} : memref<32768xf32, #tpu.memory_space<vmem>>, vector<16xf32>,
        tpu.vector_store %arg8[%parallel_loop3A_547], %parallel_loop3A_544 {strides = array<i32>} : memref<32768xf32, #tpu.memory_space<vmem>>, vector<16xf32>,
        %parallel_loop3A_549 = arith.constant 32 : i32
        %parallel_loop3A_550 = arith.addi %parallel_loop3A_528, %parallel_loop3A_549 : i32
        %parallel_loop3A_551 = arith.index_cast %parallel_loop3A_550 : i32 to index
        %parallel_loop3A_552 = tpu.vector_load %arg5[%parallel_loop3A_551] {strides = array<i32>} : memref<1344xf32, #tpu.memory_space<vmem>>, vector<16xf32>,
        %parallel_loop3A_553 = arith.constant 32 : i32
        %parallel_loop3A_554 = arith.addi %parallel_loop3A_532, %parallel_loop3A_553 : i32
        %parallel_loop3A_555 = arith.index_cast %parallel_loop3A_554 : i32 to index
        %parallel_loop3A_556 = tpu.vector_load %arg8[%parallel_loop3A_555] {strides = array<i32>} : memref<32768xf32, #tpu.memory_space<vmem>>, vector<16xf32>,
        tpu.vector_store %arg8[%parallel_loop3A_555], %parallel_loop3A_552 {strides = array<i32>} : memref<32768xf32, #tpu.memory_space<vmem>>, vector<16xf32>,
        %parallel_loop3A_557 = arith.constant 48 : i32
        %parallel_loop3A_558 = arith.addi %parallel_loop3A_528, %parallel_loop3A_557 : i32
        %parallel_loop3A_559 = arith.index_cast %parallel_loop3A_558 : i32 to index
        %parallel_loop3A_560 = tpu.vector_load %arg5[%parallel_loop3A_559] {strides = array<i32>} : memref<1344xf32, #tpu.memory_space<vmem>>, vector<16xf32>,
        %parallel_loop3A_561 = arith.constant 48 : i32
        %parallel_loop3A_562 = arith.addi %parallel_loop3A_532, %parallel_loop3A_561 : i32
        %parallel_loop3A_563 = arith.index_cast %parallel_loop3A_562 : i32 to index
        %parallel_loop3A_564 = tpu.vector_load %arg8[%parallel_loop3A_563] {strides = array<i32>} : memref<32768xf32, #tpu.memory_space<vmem>>, vector<16xf32>,
        tpu.vector_store %arg8[%parallel_loop3A_563], %parallel_loop3A_560 {strides = array<i32>} : memref<32768xf32, #tpu.memory_space<vmem>>, vector<16xf32>,
        %parallel_loop3A_565 = vector.extract_strided_slice %parallel_loop3A_84 {offsets = [12], sizes = [1], strides = [1]} : vector<16xi32> to vector<1xi32>
        %parallel_loop3A_566 = vector.extract %parallel_loop3A_565[0] : i32 from vector<1xi32>
        %parallel_loop3A_567 = arith.constant 64 : i32
        %parallel_loop3A_568 = arith.muli %parallel_loop3A_566, %parallel_loop3A_567 : i32
        %parallel_loop3A_569 = arith.constant 12 : i32
        %parallel_loop3A_570 = arith.addi %parallel_loop3A_82, %parallel_loop3A_569 : i32
        %parallel_loop3A_571 = arith.constant 64 : i32
        %parallel_loop3A_572 = arith.muli %parallel_loop3A_570, %parallel_loop3A_571 : i32
        %parallel_loop3A_573 = arith.constant 0 : i32
        %parallel_loop3A_574 = arith.addi %parallel_loop3A_568, %parallel_loop3A_573 : i32
        %parallel_loop3A_575 = arith.index_cast %parallel_loop3A_574 : i32 to index
        %parallel_loop3A_576 = tpu.vector_load %arg5[%parallel_loop3A_575] {strides = array<i32>} : memref<1344xf32, #tpu.memory_space<vmem>>, vector<16xf32>,
        %parallel_loop3A_577 = arith.constant 0 : i32
        %parallel_loop3A_578 = arith.addi %parallel_loop3A_572, %parallel_loop3A_577 : i32
        %parallel_loop3A_579 = arith.index_cast %parallel_loop3A_578 : i32 to index
        %parallel_loop3A_580 = tpu.vector_load %arg8[%parallel_loop3A_579] {strides = array<i32>} : memref<32768xf32, #tpu.memory_space<vmem>>, vector<16xf32>,
        tpu.vector_store %arg8[%parallel_loop3A_579], %parallel_loop3A_576 {strides = array<i32>} : memref<32768xf32, #tpu.memory_space<vmem>>, vector<16xf32>,
        %parallel_loop3A_581 = arith.constant 16 : i32
        %parallel_loop3A_582 = arith.addi %parallel_loop3A_568, %parallel_loop3A_581 : i32
        %parallel_loop3A_583 = arith.index_cast %parallel_loop3A_582 : i32 to index
        %parallel_loop3A_584 = tpu.vector_load %arg5[%parallel_loop3A_583] {strides = array<i32>} : memref<1344xf32, #tpu.memory_space<vmem>>, vector<16xf32>,
        %parallel_loop3A_585 = arith.constant 16 : i32
        %parallel_loop3A_586 = arith.addi %parallel_loop3A_572, %parallel_loop3A_585 : i32
        %parallel_loop3A_587 = arith.index_cast %parallel_loop3A_586 : i32 to index
        %parallel_loop3A_588 = tpu.vector_load %arg8[%parallel_loop3A_587] {strides = array<i32>} : memref<32768xf32, #tpu.memory_space<vmem>>, vector<16xf32>,
        tpu.vector_store %arg8[%parallel_loop3A_587], %parallel_loop3A_584 {strides = array<i32>} : memref<32768xf32, #tpu.memory_space<vmem>>, vector<16xf32>,
        %parallel_loop3A_589 = arith.constant 32 : i32
        %parallel_loop3A_590 = arith.addi %parallel_loop3A_568, %parallel_loop3A_589 : i32
        %parallel_loop3A_591 = arith.index_cast %parallel_loop3A_590 : i32 to index
        %parallel_loop3A_592 = tpu.vector_load %arg5[%parallel_loop3A_591] {strides = array<i32>} : memref<1344xf32, #tpu.memory_space<vmem>>, vector<16xf32>,
        %parallel_loop3A_593 = arith.constant 32 : i32
        %parallel_loop3A_594 = arith.addi %parallel_loop3A_572, %parallel_loop3A_593 : i32
        %parallel_loop3A_595 = arith.index_cast %parallel_loop3A_594 : i32 to index
        %parallel_loop3A_596 = tpu.vector_load %arg8[%parallel_loop3A_595] {strides = array<i32>} : memref<32768xf32, #tpu.memory_space<vmem>>, vector<16xf32>,
        tpu.vector_store %arg8[%parallel_loop3A_595], %parallel_loop3A_592 {strides = array<i32>} : memref<32768xf32, #tpu.memory_space<vmem>>, vector<16xf32>,
        %parallel_loop3A_597 = arith.constant 48 : i32
        %parallel_loop3A_598 = arith.addi %parallel_loop3A_568, %parallel_loop3A_597 : i32
        %parallel_loop3A_599 = arith.index_cast %parallel_loop3A_598 : i32 to index
        %parallel_loop3A_600 = tpu.vector_load %arg5[%parallel_loop3A_599] {strides = array<i32>} : memref<1344xf32, #tpu.memory_space<vmem>>, vector<16xf32>,
        %parallel_loop3A_601 = arith.constant 48 : i32
        %parallel_loop3A_602 = arith.addi %parallel_loop3A_572, %parallel_loop3A_601 : i32
        %parallel_loop3A_603 = arith.index_cast %parallel_loop3A_602 : i32 to index
        %parallel_loop3A_604 = tpu.vector_load %arg8[%parallel_loop3A_603] {strides = array<i32>} : memref<32768xf32, #tpu.memory_space<vmem>>, vector<16xf32>,
        tpu.vector_store %arg8[%parallel_loop3A_603], %parallel_loop3A_600 {strides = array<i32>} : memref<32768xf32, #tpu.memory_space<vmem>>, vector<16xf32>,
        %parallel_loop3A_605 = vector.extract_strided_slice %parallel_loop3A_84 {offsets = [13], sizes = [1], strides = [1]} : vector<16xi32> to vector<1xi32>
        %parallel_loop3A_606 = vector.extract %parallel_loop3A_605[0] : i32 from vector<1xi32>
        %parallel_loop3A_607 = arith.constant 64 : i32
        %parallel_loop3A_608 = arith.muli %parallel_loop3A_606, %parallel_loop3A_607 : i32
        %parallel_loop3A_609 = arith.constant 13 : i32
        %parallel_loop3A_610 = arith.addi %parallel_loop3A_82, %parallel_loop3A_609 : i32
        %parallel_loop3A_611 = arith.constant 64 : i32
        %parallel_loop3A_612 = arith.muli %parallel_loop3A_610, %parallel_loop3A_611 : i32
        %parallel_loop3A_613 = arith.constant 0 : i32
        %parallel_loop3A_614 = arith.addi %parallel_loop3A_608, %parallel_loop3A_613 : i32
        %parallel_loop3A_615 = arith.index_cast %parallel_loop3A_614 : i32 to index
        %parallel_loop3A_616 = tpu.vector_load %arg5[%parallel_loop3A_615] {strides = array<i32>} : memref<1344xf32, #tpu.memory_space<vmem>>, vector<16xf32>,
        %parallel_loop3A_617 = arith.constant 0 : i32
        %parallel_loop3A_618 = arith.addi %parallel_loop3A_612, %parallel_loop3A_617 : i32
        %parallel_loop3A_619 = arith.index_cast %parallel_loop3A_618 : i32 to index
        %parallel_loop3A_620 = tpu.vector_load %arg8[%parallel_loop3A_619] {strides = array<i32>} : memref<32768xf32, #tpu.memory_space<vmem>>, vector<16xf32>,
        tpu.vector_store %arg8[%parallel_loop3A_619], %parallel_loop3A_616 {strides = array<i32>} : memref<32768xf32, #tpu.memory_space<vmem>>, vector<16xf32>,
        %parallel_loop3A_621 = arith.constant 16 : i32
        %parallel_loop3A_622 = arith.addi %parallel_loop3A_608, %parallel_loop3A_621 : i32
        %parallel_loop3A_623 = arith.index_cast %parallel_loop3A_622 : i32 to index
        %parallel_loop3A_624 = tpu.vector_load %arg5[%parallel_loop3A_623] {strides = array<i32>} : memref<1344xf32, #tpu.memory_space<vmem>>, vector<16xf32>,
        %parallel_loop3A_625 = arith.constant 16 : i32
        %parallel_loop3A_626 = arith.addi %parallel_loop3A_612, %parallel_loop3A_625 : i32
        %parallel_loop3A_627 = arith.index_cast %parallel_loop3A_626 : i32 to index
        %parallel_loop3A_628 = tpu.vector_load %arg8[%parallel_loop3A_627] {strides = array<i32>} : memref<32768xf32, #tpu.memory_space<vmem>>, vector<16xf32>,
        tpu.vector_store %arg8[%parallel_loop3A_627], %parallel_loop3A_624 {strides = array<i32>} : memref<32768xf32, #tpu.memory_space<vmem>>, vector<16xf32>,
        %parallel_loop3A_629 = arith.constant 32 : i32
        %parallel_loop3A_630 = arith.addi %parallel_loop3A_608, %parallel_loop3A_629 : i32
        %parallel_loop3A_631 = arith.index_cast %parallel_loop3A_630 : i32 to index
        %parallel_loop3A_632 = tpu.vector_load %arg5[%parallel_loop3A_631] {strides = array<i32>} : memref<1344xf32, #tpu.memory_space<vmem>>, vector<16xf32>,
        %parallel_loop3A_633 = arith.constant 32 : i32
        %parallel_loop3A_634 = arith.addi %parallel_loop3A_612, %parallel_loop3A_633 : i32
        %parallel_loop3A_635 = arith.index_cast %parallel_loop3A_634 : i32 to index
        %parallel_loop3A_636 = tpu.vector_load %arg8[%parallel_loop3A_635] {strides = array<i32>} : memref<32768xf32, #tpu.memory_space<vmem>>, vector<16xf32>,
        tpu.vector_store %arg8[%parallel_loop3A_635], %parallel_loop3A_632 {strides = array<i32>} : memref<32768xf32, #tpu.memory_space<vmem>>, vector<16xf32>,
        %parallel_loop3A_637 = arith.constant 48 : i32
        %parallel_loop3A_638 = arith.addi %parallel_loop3A_608, %parallel_loop3A_637 : i32
        %parallel_loop3A_639 = arith.index_cast %parallel_loop3A_638 : i32 to index
        %parallel_loop3A_640 = tpu.vector_load %arg5[%parallel_loop3A_639] {strides = array<i32>} : memref<1344xf32, #tpu.memory_space<vmem>>, vector<16xf32>,
        %parallel_loop3A_641 = arith.constant 48 : i32
        %parallel_loop3A_642 = arith.addi %parallel_loop3A_612, %parallel_loop3A_641 : i32
        %parallel_loop3A_643 = arith.index_cast %parallel_loop3A_642 : i32 to index
        %parallel_loop3A_644 = tpu.vector_load %arg8[%parallel_loop3A_643] {strides = array<i32>} : memref<32768xf32, #tpu.memory_space<vmem>>, vector<16xf32>,
        tpu.vector_store %arg8[%parallel_loop3A_643], %parallel_loop3A_640 {strides = array<i32>} : memref<32768xf32, #tpu.memory_space<vmem>>, vector<16xf32>,
        %parallel_loop3A_645 = vector.extract_strided_slice %parallel_loop3A_84 {offsets = [14], sizes = [1], strides = [1]} : vector<16xi32> to vector<1xi32>
        %parallel_loop3A_646 = vector.extract %parallel_loop3A_645[0] : i32 from vector<1xi32>
        %parallel_loop3A_647 = arith.constant 64 : i32
        %parallel_loop3A_648 = arith.muli %parallel_loop3A_646, %parallel_loop3A_647 : i32
        %parallel_loop3A_649 = arith.constant 14 : i32
        %parallel_loop3A_650 = arith.addi %parallel_loop3A_82, %parallel_loop3A_649 : i32
        %parallel_loop3A_651 = arith.constant 64 : i32
        %parallel_loop3A_652 = arith.muli %parallel_loop3A_650, %parallel_loop3A_651 : i32
        %parallel_loop3A_653 = arith.constant 0 : i32
        %parallel_loop3A_654 = arith.addi %parallel_loop3A_648, %parallel_loop3A_653 : i32
        %parallel_loop3A_655 = arith.index_cast %parallel_loop3A_654 : i32 to index
        %parallel_loop3A_656 = tpu.vector_load %arg5[%parallel_loop3A_655] {strides = array<i32>} : memref<1344xf32, #tpu.memory_space<vmem>>, vector<16xf32>,
        %parallel_loop3A_657 = arith.constant 0 : i32
        %parallel_loop3A_658 = arith.addi %parallel_loop3A_652, %parallel_loop3A_657 : i32
        %parallel_loop3A_659 = arith.index_cast %parallel_loop3A_658 : i32 to index
        %parallel_loop3A_660 = tpu.vector_load %arg8[%parallel_loop3A_659] {strides = array<i32>} : memref<32768xf32, #tpu.memory_space<vmem>>, vector<16xf32>,
        tpu.vector_store %arg8[%parallel_loop3A_659], %parallel_loop3A_656 {strides = array<i32>} : memref<32768xf32, #tpu.memory_space<vmem>>, vector<16xf32>,
        %parallel_loop3A_661 = arith.constant 16 : i32
        %parallel_loop3A_662 = arith.addi %parallel_loop3A_648, %parallel_loop3A_661 : i32
        %parallel_loop3A_663 = arith.index_cast %parallel_loop3A_662 : i32 to index
        %parallel_loop3A_664 = tpu.vector_load %arg5[%parallel_loop3A_663] {strides = array<i32>} : memref<1344xf32, #tpu.memory_space<vmem>>, vector<16xf32>,
        %parallel_loop3A_665 = arith.constant 16 : i32
        %parallel_loop3A_666 = arith.addi %parallel_loop3A_652, %parallel_loop3A_665 : i32
        %parallel_loop3A_667 = arith.index_cast %parallel_loop3A_666 : i32 to index
        %parallel_loop3A_668 = tpu.vector_load %arg8[%parallel_loop3A_667] {strides = array<i32>} : memref<32768xf32, #tpu.memory_space<vmem>>, vector<16xf32>,
        tpu.vector_store %arg8[%parallel_loop3A_667], %parallel_loop3A_664 {strides = array<i32>} : memref<32768xf32, #tpu.memory_space<vmem>>, vector<16xf32>,
        %parallel_loop3A_669 = arith.constant 32 : i32
        %parallel_loop3A_670 = arith.addi %parallel_loop3A_648, %parallel_loop3A_669 : i32
        %parallel_loop3A_671 = arith.index_cast %parallel_loop3A_670 : i32 to index
        %parallel_loop3A_672 = tpu.vector_load %arg5[%parallel_loop3A_671] {strides = array<i32>} : memref<1344xf32, #tpu.memory_space<vmem>>, vector<16xf32>,
        %parallel_loop3A_673 = arith.constant 32 : i32
        %parallel_loop3A_674 = arith.addi %parallel_loop3A_652, %parallel_loop3A_673 : i32
        %parallel_loop3A_675 = arith.index_cast %parallel_loop3A_674 : i32 to index
        %parallel_loop3A_676 = tpu.vector_load %arg8[%parallel_loop3A_675] {strides = array<i32>} : memref<32768xf32, #tpu.memory_space<vmem>>, vector<16xf32>,
        tpu.vector_store %arg8[%parallel_loop3A_675], %parallel_loop3A_672 {strides = array<i32>} : memref<32768xf32, #tpu.memory_space<vmem>>, vector<16xf32>,
        %parallel_loop3A_677 = arith.constant 48 : i32
        %parallel_loop3A_678 = arith.addi %parallel_loop3A_648, %parallel_loop3A_677 : i32
        %parallel_loop3A_679 = arith.index_cast %parallel_loop3A_678 : i32 to index
        %parallel_loop3A_680 = tpu.vector_load %arg5[%parallel_loop3A_679] {strides = array<i32>} : memref<1344xf32, #tpu.memory_space<vmem>>, vector<16xf32>,
        %parallel_loop3A_681 = arith.constant 48 : i32
        %parallel_loop3A_682 = arith.addi %parallel_loop3A_652, %parallel_loop3A_681 : i32
        %parallel_loop3A_683 = arith.index_cast %parallel_loop3A_682 : i32 to index
        %parallel_loop3A_684 = tpu.vector_load %arg8[%parallel_loop3A_683] {strides = array<i32>} : memref<32768xf32, #tpu.memory_space<vmem>>, vector<16xf32>,
        tpu.vector_store %arg8[%parallel_loop3A_683], %parallel_loop3A_680 {strides = array<i32>} : memref<32768xf32, #tpu.memory_space<vmem>>, vector<16xf32>,
        %parallel_loop3A_685 = vector.extract_strided_slice %parallel_loop3A_84 {offsets = [15], sizes = [1], strides = [1]} : vector<16xi32> to vector<1xi32>
        %parallel_loop3A_686 = vector.extract %parallel_loop3A_685[0] : i32 from vector<1xi32>
        %parallel_loop3A_687 = arith.constant 64 : i32
        %parallel_loop3A_688 = arith.muli %parallel_loop3A_686, %parallel_loop3A_687 : i32
        %parallel_loop3A_689 = arith.constant 15 : i32
        %parallel_loop3A_690 = arith.addi %parallel_loop3A_82, %parallel_loop3A_689 : i32
        %parallel_loop3A_691 = arith.constant 64 : i32
        %parallel_loop3A_692 = arith.muli %parallel_loop3A_690, %parallel_loop3A_691 : i32
        %parallel_loop3A_693 = arith.constant 0 : i32
        %parallel_loop3A_694 = arith.addi %parallel_loop3A_688, %parallel_loop3A_693 : i32
        %parallel_loop3A_695 = arith.index_cast %parallel_loop3A_694 : i32 to index
        %parallel_loop3A_696 = tpu.vector_load %arg5[%parallel_loop3A_695] {strides = array<i32>} : memref<1344xf32, #tpu.memory_space<vmem>>, vector<16xf32>,
        %parallel_loop3A_697 = arith.constant 0 : i32
        %parallel_loop3A_698 = arith.addi %parallel_loop3A_692, %parallel_loop3A_697 : i32
        %parallel_loop3A_699 = arith.index_cast %parallel_loop3A_698 : i32 to index
        %parallel_loop3A_700 = tpu.vector_load %arg8[%parallel_loop3A_699] {strides = array<i32>} : memref<32768xf32, #tpu.memory_space<vmem>>, vector<16xf32>,
        tpu.vector_store %arg8[%parallel_loop3A_699], %parallel_loop3A_696 {strides = array<i32>} : memref<32768xf32, #tpu.memory_space<vmem>>, vector<16xf32>,
        %parallel_loop3A_701 = arith.constant 16 : i32
        %parallel_loop3A_702 = arith.addi %parallel_loop3A_688, %parallel_loop3A_701 : i32
        %parallel_loop3A_703 = arith.index_cast %parallel_loop3A_702 : i32 to index
        %parallel_loop3A_704 = tpu.vector_load %arg5[%parallel_loop3A_703] {strides = array<i32>} : memref<1344xf32, #tpu.memory_space<vmem>>, vector<16xf32>,
        %parallel_loop3A_705 = arith.constant 16 : i32
        %parallel_loop3A_706 = arith.addi %parallel_loop3A_692, %parallel_loop3A_705 : i32
        %parallel_loop3A_707 = arith.index_cast %parallel_loop3A_706 : i32 to index
        %parallel_loop3A_708 = tpu.vector_load %arg8[%parallel_loop3A_707] {strides = array<i32>} : memref<32768xf32, #tpu.memory_space<vmem>>, vector<16xf32>,
        tpu.vector_store %arg8[%parallel_loop3A_707], %parallel_loop3A_704 {strides = array<i32>} : memref<32768xf32, #tpu.memory_space<vmem>>, vector<16xf32>,
        %parallel_loop3A_709 = arith.constant 32 : i32
        %parallel_loop3A_710 = arith.addi %parallel_loop3A_688, %parallel_loop3A_709 : i32
        %parallel_loop3A_711 = arith.index_cast %parallel_loop3A_710 : i32 to index
        %parallel_loop3A_712 = tpu.vector_load %arg5[%parallel_loop3A_711] {strides = array<i32>} : memref<1344xf32, #tpu.memory_space<vmem>>, vector<16xf32>,
        %parallel_loop3A_713 = arith.constant 32 : i32
        %parallel_loop3A_714 = arith.addi %parallel_loop3A_692, %parallel_loop3A_713 : i32
        %parallel_loop3A_715 = arith.index_cast %parallel_loop3A_714 : i32 to index
        %parallel_loop3A_716 = tpu.vector_load %arg8[%parallel_loop3A_715] {strides = array<i32>} : memref<32768xf32, #tpu.memory_space<vmem>>, vector<16xf32>,
        tpu.vector_store %arg8[%parallel_loop3A_715], %parallel_loop3A_712 {strides = array<i32>} : memref<32768xf32, #tpu.memory_space<vmem>>, vector<16xf32>,
        %parallel_loop3A_717 = arith.constant 48 : i32
        %parallel_loop3A_718 = arith.addi %parallel_loop3A_688, %parallel_loop3A_717 : i32
        %parallel_loop3A_719 = arith.index_cast %parallel_loop3A_718 : i32 to index
        %parallel_loop3A_720 = tpu.vector_load %arg5[%parallel_loop3A_719] {strides = array<i32>} : memref<1344xf32, #tpu.memory_space<vmem>>, vector<16xf32>,
        %parallel_loop3A_721 = arith.constant 48 : i32
        %parallel_loop3A_722 = arith.addi %parallel_loop3A_692, %parallel_loop3A_721 : i32
        %parallel_loop3A_723 = arith.index_cast %parallel_loop3A_722 : i32 to index
        %parallel_loop3A_724 = tpu.vector_load %arg8[%parallel_loop3A_723] {strides = array<i32>} : memref<32768xf32, #tpu.memory_space<vmem>>, vector<16xf32>,
        tpu.vector_store %arg8[%parallel_loop3A_723], %parallel_loop3A_720 {strides = array<i32>} : memref<32768xf32, #tpu.memory_space<vmem>>, vector<16xf32>,
      } {sc.loop_unroll_factor = 1 : i64, sc.parallel_access}
      %mul3A_42 = arith.constant 512 : i32
      %mul3A_43 = arith.muli %add3A_26, %mul3A_42 : i32
      %add3A_44 = arith.addi %mul3A_2, %mul3A_43 : i32
      %mul3A_45 = arith.constant 64 : i32
      %mul3A_46 = arith.muli %add3A_44, %mul3A_45 : i32
      %dma_start3A_47 = tpu.memref_slice %arg4[%mul3A_46] : memref<67108864xf32, #tpu.memory_space<hbm>> -> memref<32768xf32, #tpu.memory_space<hbm>>
      %dma_start3A_48 = tpu.memref_slice %arg4[%mul3A_46] : memref<67108864xf32, #tpu.memory_space<hbm>> -> memref<32768xf32, #tpu.memory_space<hbm>>
      tpu.enqueue_dma source(%arg8 : memref<32768xf32, #tpu.memory_space<vmem>>) target(%dma_start3A_48 : memref<32768xf32, #tpu.memory_space<hbm>>) target_semaphore(%arg11 : memref<!tpu.dma_semaphore, #tpu.memory_space<semaphore_mem>>)
      %mul3A_49 = arith.constant 2 : i32
      %mul3A_50 = arith.muli %mul3A_49, %scan3A_22 : i32
      %add3A_51 = arith.constant 1 : i32
      %add3A_52 = arith.addi %mul3A_50, %add3A_51 : i32
      %add3A_53 = arith.constant 1 : i32
      %add3A_54 = arith.addi %add3A_52, %add3A_53 : i32
      %lt3A_55 = arith.constant 64 : i32
      %lt3A_56 = arith.cmpi slt, %add3A_54, %lt3A_55 : i32
      %convert_element_type3A_57 = arith.extui %lt3A_56 : i1 to i32
      %cond3A_58 = arith.constant 0 : i32
      %cond3A_59 = arith.cmpi ne, %convert_element_type3A_57, %cond3A_58 : i32
      scf.if %cond3A_59 {
        %add3A_80 = arith.constant 1 : i32
        %add3A_81 = arith.addi %add3A_52, %add3A_80 : i32
        %mul3A_82 = arith.constant 512 : i32
        %mul3A_83 = arith.muli %add3A_81, %mul3A_82 : i32
        %add3A_84 = arith.addi %mul3A_2, %mul3A_83 : i32
        %dma_start3A_85 = tpu.memref_slice %arg2[%add3A_84] : memref<1048576xi32, #tpu.memory_space<hbm>> -> memref<512xi32, #tpu.memory_space<hbm>>
        %dma_start3A_86 = tpu.memref_slice %arg2[%add3A_84] : memref<1048576xi32, #tpu.memory_space<hbm>> -> memref<512xi32, #tpu.memory_space<hbm>>
        tpu.enqueue_dma source(%dma_start3A_86 : memref<512xi32, #tpu.memory_space<hbm>>) target(%arg6 : memref<512xi32, #tpu.memory_space<vmem>>) target_semaphore(%arg10 : memref<!tpu.dma_semaphore, #tpu.memory_space<semaphore_mem>>)
      } else {
      }
      %mul3A_60 = arith.constant 512 : i32
      %mul3A_61 = arith.muli %add3A_52, %mul3A_60 : i32
      %add3A_62 = arith.addi %mul3A_2, %mul3A_61 : i32
      %dma_wait3A_63 = tpu.memref_slice %arg2[%add3A_62] : memref<1048576xi32, #tpu.memory_space<hbm>> -> memref<512xi32, #tpu.memory_space<hbm>>
      %dma_wait3A_64 = tpu.memref_slice %arg2[%add3A_62] : memref<1048576xi32, #tpu.memory_space<hbm>> -> memref<512xi32, #tpu.memory_space<hbm>>
      tpu.wait_dma2 semaphore(%arg10 : memref<!tpu.dma_semaphore, #tpu.memory_space<semaphore_mem>>) src(%dma_wait3A_64 : memref<512xi32, #tpu.memory_space<hbm>>) dst(%arg7 : memref<512xi32, #tpu.memory_space<vmem>>)
      %ge3A_65 = arith.constant 2 : i32
      %ge3A_66 = arith.cmpi sge, %add3A_52, %ge3A_65 : i32
      %convert_element_type3A_67 = arith.extui %ge3A_66 : i1 to i32
      %cond3A_68 = arith.constant 0 : i32
      %cond3A_69 = arith.cmpi ne, %convert_element_type3A_67, %cond3A_68 : i32
      scf.if %cond3A_69 {
        %sub3A = arith.constant 2 : i32
        %sub3A_80 = arith.subi %add3A_52, %sub3A : i32
        %mul3A_81 = arith.constant 512 : i32
        %mul3A_82 = arith.muli %sub3A_80, %mul3A_81 : i32
        %add3A_83 = arith.addi %mul3A_2, %mul3A_82 : i32
        %mul3A_84 = arith.constant 64 : i32
        %mul3A_85 = arith.muli %add3A_83, %mul3A_84 : i32
        %dma_wait3A_86 = tpu.memref_slice %arg4[%mul3A_85] : memref<67108864xf32, #tpu.memory_space<hbm>> -> memref<32768xf32, #tpu.memory_space<hbm>>
        %dma_wait3A_87 = tpu.memref_slice %arg4[%mul3A_85] : memref<67108864xf32, #tpu.memory_space<hbm>> -> memref<32768xf32, #tpu.memory_space<hbm>>
        tpu.wait_dma2 semaphore(%arg11 : memref<!tpu.dma_semaphore, #tpu.memory_space<semaphore_mem>>) src(%arg9 : memref<32768xf32, #tpu.memory_space<vmem>>) dst(%dma_wait3A_87 : memref<32768xf32, #tpu.memory_space<hbm>>)
      } else {
      }
      %parallel_loop3A_70 = arith.constant 0 : i32
      %parallel_loop3A_71 = arith.constant 32 : i32
      %parallel_loop3A_72 = arith.constant 1 : i32
      scf.for %parallel_loop3A_80 = %parallel_loop3A_70 to %parallel_loop3A_71 step %parallel_loop3A_72  : i32 {
        %parallel_loop3A_81 = arith.constant 16 : i32
        %parallel_loop3A_82 = arith.muli %parallel_loop3A_80, %parallel_loop3A_81 : i32
        %parallel_loop3A_83 = arith.index_cast %parallel_loop3A_82 : i32 to index
        %parallel_loop3A_84 = tpu.vector_load %arg7[%parallel_loop3A_83] {strides = array<i32>} : memref<512xi32, #tpu.memory_space<vmem>>, vector<16xi32>,
        %parallel_loop3A_85 = vector.extract_strided_slice %parallel_loop3A_84 {offsets = [0], sizes = [1], strides = [1]} : vector<16xi32> to vector<1xi32>
        %parallel_loop3A_86 = vector.extract %parallel_loop3A_85[0] : i32 from vector<1xi32>
        %parallel_loop3A_87 = arith.constant 64 : i32
        %parallel_loop3A_88 = arith.muli %parallel_loop3A_86, %parallel_loop3A_87 : i32
        %parallel_loop3A_89 = arith.constant 0 : i32
        %parallel_loop3A_90 = arith.addi %parallel_loop3A_82, %parallel_loop3A_89 : i32
        %parallel_loop3A_91 = arith.constant 64 : i32
        %parallel_loop3A_92 = arith.muli %parallel_loop3A_90, %parallel_loop3A_91 : i32
        %parallel_loop3A_93 = arith.constant 0 : i32
        %parallel_loop3A_94 = arith.addi %parallel_loop3A_88, %parallel_loop3A_93 : i32
        %parallel_loop3A_95 = arith.index_cast %parallel_loop3A_94 : i32 to index
        %parallel_loop3A_96 = tpu.vector_load %arg5[%parallel_loop3A_95] {strides = array<i32>} : memref<1344xf32, #tpu.memory_space<vmem>>, vector<16xf32>,
        %parallel_loop3A_97 = arith.constant 0 : i32
        %parallel_loop3A_98 = arith.addi %parallel_loop3A_92, %parallel_loop3A_97 : i32
        %parallel_loop3A_99 = arith.index_cast %parallel_loop3A_98 : i32 to index
        %parallel_loop3A_100 = tpu.vector_load %arg9[%parallel_loop3A_99] {strides = array<i32>} : memref<32768xf32, #tpu.memory_space<vmem>>, vector<16xf32>,
        tpu.vector_store %arg9[%parallel_loop3A_99], %parallel_loop3A_96 {strides = array<i32>} : memref<32768xf32, #tpu.memory_space<vmem>>, vector<16xf32>,
        %parallel_loop3A_101 = arith.constant 16 : i32
        %parallel_loop3A_102 = arith.addi %parallel_loop3A_88, %parallel_loop3A_101 : i32
        %parallel_loop3A_103 = arith.index_cast %parallel_loop3A_102 : i32 to index
        %parallel_loop3A_104 = tpu.vector_load %arg5[%parallel_loop3A_103] {strides = array<i32>} : memref<1344xf32, #tpu.memory_space<vmem>>, vector<16xf32>,
        %parallel_loop3A_105 = arith.constant 16 : i32
        %parallel_loop3A_106 = arith.addi %parallel_loop3A_92, %parallel_loop3A_105 : i32
        %parallel_loop3A_107 = arith.index_cast %parallel_loop3A_106 : i32 to index
        %parallel_loop3A_108 = tpu.vector_load %arg9[%parallel_loop3A_107] {strides = array<i32>} : memref<32768xf32, #tpu.memory_space<vmem>>, vector<16xf32>,
        tpu.vector_store %arg9[%parallel_loop3A_107], %parallel_loop3A_104 {strides = array<i32>} : memref<32768xf32, #tpu.memory_space<vmem>>, vector<16xf32>,
        %parallel_loop3A_109 = arith.constant 32 : i32
        %parallel_loop3A_110 = arith.addi %parallel_loop3A_88, %parallel_loop3A_109 : i32
        %parallel_loop3A_111 = arith.index_cast %parallel_loop3A_110 : i32 to index
        %parallel_loop3A_112 = tpu.vector_load %arg5[%parallel_loop3A_111] {strides = array<i32>} : memref<1344xf32, #tpu.memory_space<vmem>>, vector<16xf32>,
        %parallel_loop3A_113 = arith.constant 32 : i32
        %parallel_loop3A_114 = arith.addi %parallel_loop3A_92, %parallel_loop3A_113 : i32
        %parallel_loop3A_115 = arith.index_cast %parallel_loop3A_114 : i32 to index
        %parallel_loop3A_116 = tpu.vector_load %arg9[%parallel_loop3A_115] {strides = array<i32>} : memref<32768xf32, #tpu.memory_space<vmem>>, vector<16xf32>,
        tpu.vector_store %arg9[%parallel_loop3A_115], %parallel_loop3A_112 {strides = array<i32>} : memref<32768xf32, #tpu.memory_space<vmem>>, vector<16xf32>,
        %parallel_loop3A_117 = arith.constant 48 : i32
        %parallel_loop3A_118 = arith.addi %parallel_loop3A_88, %parallel_loop3A_117 : i32
        %parallel_loop3A_119 = arith.index_cast %parallel_loop3A_118 : i32 to index
        %parallel_loop3A_120 = tpu.vector_load %arg5[%parallel_loop3A_119] {strides = array<i32>} : memref<1344xf32, #tpu.memory_space<vmem>>, vector<16xf32>,
        %parallel_loop3A_121 = arith.constant 48 : i32
        %parallel_loop3A_122 = arith.addi %parallel_loop3A_92, %parallel_loop3A_121 : i32
        %parallel_loop3A_123 = arith.index_cast %parallel_loop3A_122 : i32 to index
        %parallel_loop3A_124 = tpu.vector_load %arg9[%parallel_loop3A_123] {strides = array<i32>} : memref<32768xf32, #tpu.memory_space<vmem>>, vector<16xf32>,
        tpu.vector_store %arg9[%parallel_loop3A_123], %parallel_loop3A_120 {strides = array<i32>} : memref<32768xf32, #tpu.memory_space<vmem>>, vector<16xf32>,
        %parallel_loop3A_125 = vector.extract_strided_slice %parallel_loop3A_84 {offsets = [1], sizes = [1], strides = [1]} : vector<16xi32> to vector<1xi32>
        %parallel_loop3A_126 = vector.extract %parallel_loop3A_125[0] : i32 from vector<1xi32>
        %parallel_loop3A_127 = arith.constant 64 : i32
        %parallel_loop3A_128 = arith.muli %parallel_loop3A_126, %parallel_loop3A_127 : i32
        %parallel_loop3A_129 = arith.constant 1 : i32
        %parallel_loop3A_130 = arith.addi %parallel_loop3A_82, %parallel_loop3A_129 : i32
        %parallel_loop3A_131 = arith.constant 64 : i32
        %parallel_loop3A_132 = arith.muli %parallel_loop3A_130, %parallel_loop3A_131 : i32
        %parallel_loop3A_133 = arith.constant 0 : i32
        %parallel_loop3A_134 = arith.addi %parallel_loop3A_128, %parallel_loop3A_133 : i32
        %parallel_loop3A_135 = arith.index_cast %parallel_loop3A_134 : i32 to index
        %parallel_loop3A_136 = tpu.vector_load %arg5[%parallel_loop3A_135] {strides = array<i32>} : memref<1344xf32, #tpu.memory_space<vmem>>, vector<16xf32>,
        %parallel_loop3A_137 = arith.constant 0 : i32
        %parallel_loop3A_138 = arith.addi %parallel_loop3A_132, %parallel_loop3A_137 : i32
        %parallel_loop3A_139 = arith.index_cast %parallel_loop3A_138 : i32 to index
        %parallel_loop3A_140 = tpu.vector_load %arg9[%parallel_loop3A_139] {strides = array<i32>} : memref<32768xf32, #tpu.memory_space<vmem>>, vector<16xf32>,
        tpu.vector_store %arg9[%parallel_loop3A_139], %parallel_loop3A_136 {strides = array<i32>} : memref<32768xf32, #tpu.memory_space<vmem>>, vector<16xf32>,
        %parallel_loop3A_141 = arith.constant 16 : i32
        %parallel_loop3A_142 = arith.addi %parallel_loop3A_128, %parallel_loop3A_141 : i32
        %parallel_loop3A_143 = arith.index_cast %parallel_loop3A_142 : i32 to index
        %parallel_loop3A_144 = tpu.vector_load %arg5[%parallel_loop3A_143] {strides = array<i32>} : memref<1344xf32, #tpu.memory_space<vmem>>, vector<16xf32>,
        %parallel_loop3A_145 = arith.constant 16 : i32
        %parallel_loop3A_146 = arith.addi %parallel_loop3A_132, %parallel_loop3A_145 : i32
        %parallel_loop3A_147 = arith.index_cast %parallel_loop3A_146 : i32 to index
        %parallel_loop3A_148 = tpu.vector_load %arg9[%parallel_loop3A_147] {strides = array<i32>} : memref<32768xf32, #tpu.memory_space<vmem>>, vector<16xf32>,
        tpu.vector_store %arg9[%parallel_loop3A_147], %parallel_loop3A_144 {strides = array<i32>} : memref<32768xf32, #tpu.memory_space<vmem>>, vector<16xf32>,
        %parallel_loop3A_149 = arith.constant 32 : i32
        %parallel_loop3A_150 = arith.addi %parallel_loop3A_128, %parallel_loop3A_149 : i32
        %parallel_loop3A_151 = arith.index_cast %parallel_loop3A_150 : i32 to index
        %parallel_loop3A_152 = tpu.vector_load %arg5[%parallel_loop3A_151] {strides = array<i32>} : memref<1344xf32, #tpu.memory_space<vmem>>, vector<16xf32>,
        %parallel_loop3A_153 = arith.constant 32 : i32
        %parallel_loop3A_154 = arith.addi %parallel_loop3A_132, %parallel_loop3A_153 : i32
        %parallel_loop3A_155 = arith.index_cast %parallel_loop3A_154 : i32 to index
        %parallel_loop3A_156 = tpu.vector_load %arg9[%parallel_loop3A_155] {strides = array<i32>} : memref<32768xf32, #tpu.memory_space<vmem>>, vector<16xf32>,
        tpu.vector_store %arg9[%parallel_loop3A_155], %parallel_loop3A_152 {strides = array<i32>} : memref<32768xf32, #tpu.memory_space<vmem>>, vector<16xf32>,
        %parallel_loop3A_157 = arith.constant 48 : i32
        %parallel_loop3A_158 = arith.addi %parallel_loop3A_128, %parallel_loop3A_157 : i32
        %parallel_loop3A_159 = arith.index_cast %parallel_loop3A_158 : i32 to index
        %parallel_loop3A_160 = tpu.vector_load %arg5[%parallel_loop3A_159] {strides = array<i32>} : memref<1344xf32, #tpu.memory_space<vmem>>, vector<16xf32>,
        %parallel_loop3A_161 = arith.constant 48 : i32
        %parallel_loop3A_162 = arith.addi %parallel_loop3A_132, %parallel_loop3A_161 : i32
        %parallel_loop3A_163 = arith.index_cast %parallel_loop3A_162 : i32 to index
        %parallel_loop3A_164 = tpu.vector_load %arg9[%parallel_loop3A_163] {strides = array<i32>} : memref<32768xf32, #tpu.memory_space<vmem>>, vector<16xf32>,
        tpu.vector_store %arg9[%parallel_loop3A_163], %parallel_loop3A_160 {strides = array<i32>} : memref<32768xf32, #tpu.memory_space<vmem>>, vector<16xf32>,
        %parallel_loop3A_165 = vector.extract_strided_slice %parallel_loop3A_84 {offsets = [2], sizes = [1], strides = [1]} : vector<16xi32> to vector<1xi32>
        %parallel_loop3A_166 = vector.extract %parallel_loop3A_165[0] : i32 from vector<1xi32>
        %parallel_loop3A_167 = arith.constant 64 : i32
        %parallel_loop3A_168 = arith.muli %parallel_loop3A_166, %parallel_loop3A_167 : i32
        %parallel_loop3A_169 = arith.constant 2 : i32
        %parallel_loop3A_170 = arith.addi %parallel_loop3A_82, %parallel_loop3A_169 : i32
        %parallel_loop3A_171 = arith.constant 64 : i32
        %parallel_loop3A_172 = arith.muli %parallel_loop3A_170, %parallel_loop3A_171 : i32
        %parallel_loop3A_173 = arith.constant 0 : i32
        %parallel_loop3A_174 = arith.addi %parallel_loop3A_168, %parallel_loop3A_173 : i32
        %parallel_loop3A_175 = arith.index_cast %parallel_loop3A_174 : i32 to index
        %parallel_loop3A_176 = tpu.vector_load %arg5[%parallel_loop3A_175] {strides = array<i32>} : memref<1344xf32, #tpu.memory_space<vmem>>, vector<16xf32>,
        %parallel_loop3A_177 = arith.constant 0 : i32
        %parallel_loop3A_178 = arith.addi %parallel_loop3A_172, %parallel_loop3A_177 : i32
        %parallel_loop3A_179 = arith.index_cast %parallel_loop3A_178 : i32 to index
        %parallel_loop3A_180 = tpu.vector_load %arg9[%parallel_loop3A_179] {strides = array<i32>} : memref<32768xf32, #tpu.memory_space<vmem>>, vector<16xf32>,
        tpu.vector_store %arg9[%parallel_loop3A_179], %parallel_loop3A_176 {strides = array<i32>} : memref<32768xf32, #tpu.memory_space<vmem>>, vector<16xf32>,
        %parallel_loop3A_181 = arith.constant 16 : i32
        %parallel_loop3A_182 = arith.addi %parallel_loop3A_168, %parallel_loop3A_181 : i32
        %parallel_loop3A_183 = arith.index_cast %parallel_loop3A_182 : i32 to index
        %parallel_loop3A_184 = tpu.vector_load %arg5[%parallel_loop3A_183] {strides = array<i32>} : memref<1344xf32, #tpu.memory_space<vmem>>, vector<16xf32>,
        %parallel_loop3A_185 = arith.constant 16 : i32
        %parallel_loop3A_186 = arith.addi %parallel_loop3A_172, %parallel_loop3A_185 : i32
        %parallel_loop3A_187 = arith.index_cast %parallel_loop3A_186 : i32 to index
        %parallel_loop3A_188 = tpu.vector_load %arg9[%parallel_loop3A_187] {strides = array<i32>} : memref<32768xf32, #tpu.memory_space<vmem>>, vector<16xf32>,
        tpu.vector_store %arg9[%parallel_loop3A_187], %parallel_loop3A_184 {strides = array<i32>} : memref<32768xf32, #tpu.memory_space<vmem>>, vector<16xf32>,
        %parallel_loop3A_189 = arith.constant 32 : i32
        %parallel_loop3A_190 = arith.addi %parallel_loop3A_168, %parallel_loop3A_189 : i32
        %parallel_loop3A_191 = arith.index_cast %parallel_loop3A_190 : i32 to index
        %parallel_loop3A_192 = tpu.vector_load %arg5[%parallel_loop3A_191] {strides = array<i32>} : memref<1344xf32, #tpu.memory_space<vmem>>, vector<16xf32>,
        %parallel_loop3A_193 = arith.constant 32 : i32
        %parallel_loop3A_194 = arith.addi %parallel_loop3A_172, %parallel_loop3A_193 : i32
        %parallel_loop3A_195 = arith.index_cast %parallel_loop3A_194 : i32 to index
        %parallel_loop3A_196 = tpu.vector_load %arg9[%parallel_loop3A_195] {strides = array<i32>} : memref<32768xf32, #tpu.memory_space<vmem>>, vector<16xf32>,
        tpu.vector_store %arg9[%parallel_loop3A_195], %parallel_loop3A_192 {strides = array<i32>} : memref<32768xf32, #tpu.memory_space<vmem>>, vector<16xf32>,
        %parallel_loop3A_197 = arith.constant 48 : i32
        %parallel_loop3A_198 = arith.addi %parallel_loop3A_168, %parallel_loop3A_197 : i32
        %parallel_loop3A_199 = arith.index_cast %parallel_loop3A_198 : i32 to index
        %parallel_loop3A_200 = tpu.vector_load %arg5[%parallel_loop3A_199] {strides = array<i32>} : memref<1344xf32, #tpu.memory_space<vmem>>, vector<16xf32>,
        %parallel_loop3A_201 = arith.constant 48 : i32
        %parallel_loop3A_202 = arith.addi %parallel_loop3A_172, %parallel_loop3A_201 : i32
        %parallel_loop3A_203 = arith.index_cast %parallel_loop3A_202 : i32 to index
        %parallel_loop3A_204 = tpu.vector_load %arg9[%parallel_loop3A_203] {strides = array<i32>} : memref<32768xf32, #tpu.memory_space<vmem>>, vector<16xf32>,
        tpu.vector_store %arg9[%parallel_loop3A_203], %parallel_loop3A_200 {strides = array<i32>} : memref<32768xf32, #tpu.memory_space<vmem>>, vector<16xf32>,
        %parallel_loop3A_205 = vector.extract_strided_slice %parallel_loop3A_84 {offsets = [3], sizes = [1], strides = [1]} : vector<16xi32> to vector<1xi32>
        %parallel_loop3A_206 = vector.extract %parallel_loop3A_205[0] : i32 from vector<1xi32>
        %parallel_loop3A_207 = arith.constant 64 : i32
        %parallel_loop3A_208 = arith.muli %parallel_loop3A_206, %parallel_loop3A_207 : i32
        %parallel_loop3A_209 = arith.constant 3 : i32
        %parallel_loop3A_210 = arith.addi %parallel_loop3A_82, %parallel_loop3A_209 : i32
        %parallel_loop3A_211 = arith.constant 64 : i32
        %parallel_loop3A_212 = arith.muli %parallel_loop3A_210, %parallel_loop3A_211 : i32
        %parallel_loop3A_213 = arith.constant 0 : i32
        %parallel_loop3A_214 = arith.addi %parallel_loop3A_208, %parallel_loop3A_213 : i32
        %parallel_loop3A_215 = arith.index_cast %parallel_loop3A_214 : i32 to index
        %parallel_loop3A_216 = tpu.vector_load %arg5[%parallel_loop3A_215] {strides = array<i32>} : memref<1344xf32, #tpu.memory_space<vmem>>, vector<16xf32>,
        %parallel_loop3A_217 = arith.constant 0 : i32
        %parallel_loop3A_218 = arith.addi %parallel_loop3A_212, %parallel_loop3A_217 : i32
        %parallel_loop3A_219 = arith.index_cast %parallel_loop3A_218 : i32 to index
        %parallel_loop3A_220 = tpu.vector_load %arg9[%parallel_loop3A_219] {strides = array<i32>} : memref<32768xf32, #tpu.memory_space<vmem>>, vector<16xf32>,
        tpu.vector_store %arg9[%parallel_loop3A_219], %parallel_loop3A_216 {strides = array<i32>} : memref<32768xf32, #tpu.memory_space<vmem>>, vector<16xf32>,
        %parallel_loop3A_221 = arith.constant 16 : i32
        %parallel_loop3A_222 = arith.addi %parallel_loop3A_208, %parallel_loop3A_221 : i32
        %parallel_loop3A_223 = arith.index_cast %parallel_loop3A_222 : i32 to index
        %parallel_loop3A_224 = tpu.vector_load %arg5[%parallel_loop3A_223] {strides = array<i32>} : memref<1344xf32, #tpu.memory_space<vmem>>, vector<16xf32>,
        %parallel_loop3A_225 = arith.constant 16 : i32
        %parallel_loop3A_226 = arith.addi %parallel_loop3A_212, %parallel_loop3A_225 : i32
        %parallel_loop3A_227 = arith.index_cast %parallel_loop3A_226 : i32 to index
        %parallel_loop3A_228 = tpu.vector_load %arg9[%parallel_loop3A_227] {strides = array<i32>} : memref<32768xf32, #tpu.memory_space<vmem>>, vector<16xf32>,
        tpu.vector_store %arg9[%parallel_loop3A_227], %parallel_loop3A_224 {strides = array<i32>} : memref<32768xf32, #tpu.memory_space<vmem>>, vector<16xf32>,
        %parallel_loop3A_229 = arith.constant 32 : i32
        %parallel_loop3A_230 = arith.addi %parallel_loop3A_208, %parallel_loop3A_229 : i32
        %parallel_loop3A_231 = arith.index_cast %parallel_loop3A_230 : i32 to index
        %parallel_loop3A_232 = tpu.vector_load %arg5[%parallel_loop3A_231] {strides = array<i32>} : memref<1344xf32, #tpu.memory_space<vmem>>, vector<16xf32>,
        %parallel_loop3A_233 = arith.constant 32 : i32
        %parallel_loop3A_234 = arith.addi %parallel_loop3A_212, %parallel_loop3A_233 : i32
        %parallel_loop3A_235 = arith.index_cast %parallel_loop3A_234 : i32 to index
        %parallel_loop3A_236 = tpu.vector_load %arg9[%parallel_loop3A_235] {strides = array<i32>} : memref<32768xf32, #tpu.memory_space<vmem>>, vector<16xf32>,
        tpu.vector_store %arg9[%parallel_loop3A_235], %parallel_loop3A_232 {strides = array<i32>} : memref<32768xf32, #tpu.memory_space<vmem>>, vector<16xf32>,
        %parallel_loop3A_237 = arith.constant 48 : i32
        %parallel_loop3A_238 = arith.addi %parallel_loop3A_208, %parallel_loop3A_237 : i32
        %parallel_loop3A_239 = arith.index_cast %parallel_loop3A_238 : i32 to index
        %parallel_loop3A_240 = tpu.vector_load %arg5[%parallel_loop3A_239] {strides = array<i32>} : memref<1344xf32, #tpu.memory_space<vmem>>, vector<16xf32>,
        %parallel_loop3A_241 = arith.constant 48 : i32
        %parallel_loop3A_242 = arith.addi %parallel_loop3A_212, %parallel_loop3A_241 : i32
        %parallel_loop3A_243 = arith.index_cast %parallel_loop3A_242 : i32 to index
        %parallel_loop3A_244 = tpu.vector_load %arg9[%parallel_loop3A_243] {strides = array<i32>} : memref<32768xf32, #tpu.memory_space<vmem>>, vector<16xf32>,
        tpu.vector_store %arg9[%parallel_loop3A_243], %parallel_loop3A_240 {strides = array<i32>} : memref<32768xf32, #tpu.memory_space<vmem>>, vector<16xf32>,
        %parallel_loop3A_245 = vector.extract_strided_slice %parallel_loop3A_84 {offsets = [4], sizes = [1], strides = [1]} : vector<16xi32> to vector<1xi32>
        %parallel_loop3A_246 = vector.extract %parallel_loop3A_245[0] : i32 from vector<1xi32>
        %parallel_loop3A_247 = arith.constant 64 : i32
        %parallel_loop3A_248 = arith.muli %parallel_loop3A_246, %parallel_loop3A_247 : i32
        %parallel_loop3A_249 = arith.constant 4 : i32
        %parallel_loop3A_250 = arith.addi %parallel_loop3A_82, %parallel_loop3A_249 : i32
        %parallel_loop3A_251 = arith.constant 64 : i32
        %parallel_loop3A_252 = arith.muli %parallel_loop3A_250, %parallel_loop3A_251 : i32
        %parallel_loop3A_253 = arith.constant 0 : i32
        %parallel_loop3A_254 = arith.addi %parallel_loop3A_248, %parallel_loop3A_253 : i32
        %parallel_loop3A_255 = arith.index_cast %parallel_loop3A_254 : i32 to index
        %parallel_loop3A_256 = tpu.vector_load %arg5[%parallel_loop3A_255] {strides = array<i32>} : memref<1344xf32, #tpu.memory_space<vmem>>, vector<16xf32>,
        %parallel_loop3A_257 = arith.constant 0 : i32
        %parallel_loop3A_258 = arith.addi %parallel_loop3A_252, %parallel_loop3A_257 : i32
        %parallel_loop3A_259 = arith.index_cast %parallel_loop3A_258 : i32 to index
        %parallel_loop3A_260 = tpu.vector_load %arg9[%parallel_loop3A_259] {strides = array<i32>} : memref<32768xf32, #tpu.memory_space<vmem>>, vector<16xf32>,
        tpu.vector_store %arg9[%parallel_loop3A_259], %parallel_loop3A_256 {strides = array<i32>} : memref<32768xf32, #tpu.memory_space<vmem>>, vector<16xf32>,
        %parallel_loop3A_261 = arith.constant 16 : i32
        %parallel_loop3A_262 = arith.addi %parallel_loop3A_248, %parallel_loop3A_261 : i32
        %parallel_loop3A_263 = arith.index_cast %parallel_loop3A_262 : i32 to index
        %parallel_loop3A_264 = tpu.vector_load %arg5[%parallel_loop3A_263] {strides = array<i32>} : memref<1344xf32, #tpu.memory_space<vmem>>, vector<16xf32>,
        %parallel_loop3A_265 = arith.constant 16 : i32
        %parallel_loop3A_266 = arith.addi %parallel_loop3A_252, %parallel_loop3A_265 : i32
        %parallel_loop3A_267 = arith.index_cast %parallel_loop3A_266 : i32 to index
        %parallel_loop3A_268 = tpu.vector_load %arg9[%parallel_loop3A_267] {strides = array<i32>} : memref<32768xf32, #tpu.memory_space<vmem>>, vector<16xf32>,
        tpu.vector_store %arg9[%parallel_loop3A_267], %parallel_loop3A_264 {strides = array<i32>} : memref<32768xf32, #tpu.memory_space<vmem>>, vector<16xf32>,
        %parallel_loop3A_269 = arith.constant 32 : i32
        %parallel_loop3A_270 = arith.addi %parallel_loop3A_248, %parallel_loop3A_269 : i32
        %parallel_loop3A_271 = arith.index_cast %parallel_loop3A_270 : i32 to index
        %parallel_loop3A_272 = tpu.vector_load %arg5[%parallel_loop3A_271] {strides = array<i32>} : memref<1344xf32, #tpu.memory_space<vmem>>, vector<16xf32>,
        %parallel_loop3A_273 = arith.constant 32 : i32
        %parallel_loop3A_274 = arith.addi %parallel_loop3A_252, %parallel_loop3A_273 : i32
        %parallel_loop3A_275 = arith.index_cast %parallel_loop3A_274 : i32 to index
        %parallel_loop3A_276 = tpu.vector_load %arg9[%parallel_loop3A_275] {strides = array<i32>} : memref<32768xf32, #tpu.memory_space<vmem>>, vector<16xf32>,
        tpu.vector_store %arg9[%parallel_loop3A_275], %parallel_loop3A_272 {strides = array<i32>} : memref<32768xf32, #tpu.memory_space<vmem>>, vector<16xf32>,
        %parallel_loop3A_277 = arith.constant 48 : i32
        %parallel_loop3A_278 = arith.addi %parallel_loop3A_248, %parallel_loop3A_277 : i32
        %parallel_loop3A_279 = arith.index_cast %parallel_loop3A_278 : i32 to index
        %parallel_loop3A_280 = tpu.vector_load %arg5[%parallel_loop3A_279] {strides = array<i32>} : memref<1344xf32, #tpu.memory_space<vmem>>, vector<16xf32>,
        %parallel_loop3A_281 = arith.constant 48 : i32
        %parallel_loop3A_282 = arith.addi %parallel_loop3A_252, %parallel_loop3A_281 : i32
        %parallel_loop3A_283 = arith.index_cast %parallel_loop3A_282 : i32 to index
        %parallel_loop3A_284 = tpu.vector_load %arg9[%parallel_loop3A_283] {strides = array<i32>} : memref<32768xf32, #tpu.memory_space<vmem>>, vector<16xf32>,
        tpu.vector_store %arg9[%parallel_loop3A_283], %parallel_loop3A_280 {strides = array<i32>} : memref<32768xf32, #tpu.memory_space<vmem>>, vector<16xf32>,
        %parallel_loop3A_285 = vector.extract_strided_slice %parallel_loop3A_84 {offsets = [5], sizes = [1], strides = [1]} : vector<16xi32> to vector<1xi32>
        %parallel_loop3A_286 = vector.extract %parallel_loop3A_285[0] : i32 from vector<1xi32>
        %parallel_loop3A_287 = arith.constant 64 : i32
        %parallel_loop3A_288 = arith.muli %parallel_loop3A_286, %parallel_loop3A_287 : i32
        %parallel_loop3A_289 = arith.constant 5 : i32
        %parallel_loop3A_290 = arith.addi %parallel_loop3A_82, %parallel_loop3A_289 : i32
        %parallel_loop3A_291 = arith.constant 64 : i32
        %parallel_loop3A_292 = arith.muli %parallel_loop3A_290, %parallel_loop3A_291 : i32
        %parallel_loop3A_293 = arith.constant 0 : i32
        %parallel_loop3A_294 = arith.addi %parallel_loop3A_288, %parallel_loop3A_293 : i32
        %parallel_loop3A_295 = arith.index_cast %parallel_loop3A_294 : i32 to index
        %parallel_loop3A_296 = tpu.vector_load %arg5[%parallel_loop3A_295] {strides = array<i32>} : memref<1344xf32, #tpu.memory_space<vmem>>, vector<16xf32>,
        %parallel_loop3A_297 = arith.constant 0 : i32
        %parallel_loop3A_298 = arith.addi %parallel_loop3A_292, %parallel_loop3A_297 : i32
        %parallel_loop3A_299 = arith.index_cast %parallel_loop3A_298 : i32 to index
        %parallel_loop3A_300 = tpu.vector_load %arg9[%parallel_loop3A_299] {strides = array<i32>} : memref<32768xf32, #tpu.memory_space<vmem>>, vector<16xf32>,
        tpu.vector_store %arg9[%parallel_loop3A_299], %parallel_loop3A_296 {strides = array<i32>} : memref<32768xf32, #tpu.memory_space<vmem>>, vector<16xf32>,
        %parallel_loop3A_301 = arith.constant 16 : i32
        %parallel_loop3A_302 = arith.addi %parallel_loop3A_288, %parallel_loop3A_301 : i32
        %parallel_loop3A_303 = arith.index_cast %parallel_loop3A_302 : i32 to index
        %parallel_loop3A_304 = tpu.vector_load %arg5[%parallel_loop3A_303] {strides = array<i32>} : memref<1344xf32, #tpu.memory_space<vmem>>, vector<16xf32>,
        %parallel_loop3A_305 = arith.constant 16 : i32
        %parallel_loop3A_306 = arith.addi %parallel_loop3A_292, %parallel_loop3A_305 : i32
        %parallel_loop3A_307 = arith.index_cast %parallel_loop3A_306 : i32 to index
        %parallel_loop3A_308 = tpu.vector_load %arg9[%parallel_loop3A_307] {strides = array<i32>} : memref<32768xf32, #tpu.memory_space<vmem>>, vector<16xf32>,
        tpu.vector_store %arg9[%parallel_loop3A_307], %parallel_loop3A_304 {strides = array<i32>} : memref<32768xf32, #tpu.memory_space<vmem>>, vector<16xf32>,
        %parallel_loop3A_309 = arith.constant 32 : i32
        %parallel_loop3A_310 = arith.addi %parallel_loop3A_288, %parallel_loop3A_309 : i32
        %parallel_loop3A_311 = arith.index_cast %parallel_loop3A_310 : i32 to index
        %parallel_loop3A_312 = tpu.vector_load %arg5[%parallel_loop3A_311] {strides = array<i32>} : memref<1344xf32, #tpu.memory_space<vmem>>, vector<16xf32>,
        %parallel_loop3A_313 = arith.constant 32 : i32
        %parallel_loop3A_314 = arith.addi %parallel_loop3A_292, %parallel_loop3A_313 : i32
        %parallel_loop3A_315 = arith.index_cast %parallel_loop3A_314 : i32 to index
        %parallel_loop3A_316 = tpu.vector_load %arg9[%parallel_loop3A_315] {strides = array<i32>} : memref<32768xf32, #tpu.memory_space<vmem>>, vector<16xf32>,
        tpu.vector_store %arg9[%parallel_loop3A_315], %parallel_loop3A_312 {strides = array<i32>} : memref<32768xf32, #tpu.memory_space<vmem>>, vector<16xf32>,
        %parallel_loop3A_317 = arith.constant 48 : i32
        %parallel_loop3A_318 = arith.addi %parallel_loop3A_288, %parallel_loop3A_317 : i32
        %parallel_loop3A_319 = arith.index_cast %parallel_loop3A_318 : i32 to index
        %parallel_loop3A_320 = tpu.vector_load %arg5[%parallel_loop3A_319] {strides = array<i32>} : memref<1344xf32, #tpu.memory_space<vmem>>, vector<16xf32>,
        %parallel_loop3A_321 = arith.constant 48 : i32
        %parallel_loop3A_322 = arith.addi %parallel_loop3A_292, %parallel_loop3A_321 : i32
        %parallel_loop3A_323 = arith.index_cast %parallel_loop3A_322 : i32 to index
        %parallel_loop3A_324 = tpu.vector_load %arg9[%parallel_loop3A_323] {strides = array<i32>} : memref<32768xf32, #tpu.memory_space<vmem>>, vector<16xf32>,
        tpu.vector_store %arg9[%parallel_loop3A_323], %parallel_loop3A_320 {strides = array<i32>} : memref<32768xf32, #tpu.memory_space<vmem>>, vector<16xf32>,
        %parallel_loop3A_325 = vector.extract_strided_slice %parallel_loop3A_84 {offsets = [6], sizes = [1], strides = [1]} : vector<16xi32> to vector<1xi32>
        %parallel_loop3A_326 = vector.extract %parallel_loop3A_325[0] : i32 from vector<1xi32>
        %parallel_loop3A_327 = arith.constant 64 : i32
        %parallel_loop3A_328 = arith.muli %parallel_loop3A_326, %parallel_loop3A_327 : i32
        %parallel_loop3A_329 = arith.constant 6 : i32
        %parallel_loop3A_330 = arith.addi %parallel_loop3A_82, %parallel_loop3A_329 : i32
        %parallel_loop3A_331 = arith.constant 64 : i32
        %parallel_loop3A_332 = arith.muli %parallel_loop3A_330, %parallel_loop3A_331 : i32
        %parallel_loop3A_333 = arith.constant 0 : i32
        %parallel_loop3A_334 = arith.addi %parallel_loop3A_328, %parallel_loop3A_333 : i32
        %parallel_loop3A_335 = arith.index_cast %parallel_loop3A_334 : i32 to index
        %parallel_loop3A_336 = tpu.vector_load %arg5[%parallel_loop3A_335] {strides = array<i32>} : memref<1344xf32, #tpu.memory_space<vmem>>, vector<16xf32>,
        %parallel_loop3A_337 = arith.constant 0 : i32
        %parallel_loop3A_338 = arith.addi %parallel_loop3A_332, %parallel_loop3A_337 : i32
        %parallel_loop3A_339 = arith.index_cast %parallel_loop3A_338 : i32 to index
        %parallel_loop3A_340 = tpu.vector_load %arg9[%parallel_loop3A_339] {strides = array<i32>} : memref<32768xf32, #tpu.memory_space<vmem>>, vector<16xf32>,
        tpu.vector_store %arg9[%parallel_loop3A_339], %parallel_loop3A_336 {strides = array<i32>} : memref<32768xf32, #tpu.memory_space<vmem>>, vector<16xf32>,
        %parallel_loop3A_341 = arith.constant 16 : i32
        %parallel_loop3A_342 = arith.addi %parallel_loop3A_328, %parallel_loop3A_341 : i32
        %parallel_loop3A_343 = arith.index_cast %parallel_loop3A_342 : i32 to index
        %parallel_loop3A_344 = tpu.vector_load %arg5[%parallel_loop3A_343] {strides = array<i32>} : memref<1344xf32, #tpu.memory_space<vmem>>, vector<16xf32>,
        %parallel_loop3A_345 = arith.constant 16 : i32
        %parallel_loop3A_346 = arith.addi %parallel_loop3A_332, %parallel_loop3A_345 : i32
        %parallel_loop3A_347 = arith.index_cast %parallel_loop3A_346 : i32 to index
        %parallel_loop3A_348 = tpu.vector_load %arg9[%parallel_loop3A_347] {strides = array<i32>} : memref<32768xf32, #tpu.memory_space<vmem>>, vector<16xf32>,
        tpu.vector_store %arg9[%parallel_loop3A_347], %parallel_loop3A_344 {strides = array<i32>} : memref<32768xf32, #tpu.memory_space<vmem>>, vector<16xf32>,
        %parallel_loop3A_349 = arith.constant 32 : i32
        %parallel_loop3A_350 = arith.addi %parallel_loop3A_328, %parallel_loop3A_349 : i32
        %parallel_loop3A_351 = arith.index_cast %parallel_loop3A_350 : i32 to index
        %parallel_loop3A_352 = tpu.vector_load %arg5[%parallel_loop3A_351] {strides = array<i32>} : memref<1344xf32, #tpu.memory_space<vmem>>, vector<16xf32>,
        %parallel_loop3A_353 = arith.constant 32 : i32
        %parallel_loop3A_354 = arith.addi %parallel_loop3A_332, %parallel_loop3A_353 : i32
        %parallel_loop3A_355 = arith.index_cast %parallel_loop3A_354 : i32 to index
        %parallel_loop3A_356 = tpu.vector_load %arg9[%parallel_loop3A_355] {strides = array<i32>} : memref<32768xf32, #tpu.memory_space<vmem>>, vector<16xf32>,
        tpu.vector_store %arg9[%parallel_loop3A_355], %parallel_loop3A_352 {strides = array<i32>} : memref<32768xf32, #tpu.memory_space<vmem>>, vector<16xf32>,
        %parallel_loop3A_357 = arith.constant 48 : i32
        %parallel_loop3A_358 = arith.addi %parallel_loop3A_328, %parallel_loop3A_357 : i32
        %parallel_loop3A_359 = arith.index_cast %parallel_loop3A_358 : i32 to index
        %parallel_loop3A_360 = tpu.vector_load %arg5[%parallel_loop3A_359] {strides = array<i32>} : memref<1344xf32, #tpu.memory_space<vmem>>, vector<16xf32>,
        %parallel_loop3A_361 = arith.constant 48 : i32
        %parallel_loop3A_362 = arith.addi %parallel_loop3A_332, %parallel_loop3A_361 : i32
        %parallel_loop3A_363 = arith.index_cast %parallel_loop3A_362 : i32 to index
        %parallel_loop3A_364 = tpu.vector_load %arg9[%parallel_loop3A_363] {strides = array<i32>} : memref<32768xf32, #tpu.memory_space<vmem>>, vector<16xf32>,
        tpu.vector_store %arg9[%parallel_loop3A_363], %parallel_loop3A_360 {strides = array<i32>} : memref<32768xf32, #tpu.memory_space<vmem>>, vector<16xf32>,
        %parallel_loop3A_365 = vector.extract_strided_slice %parallel_loop3A_84 {offsets = [7], sizes = [1], strides = [1]} : vector<16xi32> to vector<1xi32>
        %parallel_loop3A_366 = vector.extract %parallel_loop3A_365[0] : i32 from vector<1xi32>
        %parallel_loop3A_367 = arith.constant 64 : i32
        %parallel_loop3A_368 = arith.muli %parallel_loop3A_366, %parallel_loop3A_367 : i32
        %parallel_loop3A_369 = arith.constant 7 : i32
        %parallel_loop3A_370 = arith.addi %parallel_loop3A_82, %parallel_loop3A_369 : i32
        %parallel_loop3A_371 = arith.constant 64 : i32
        %parallel_loop3A_372 = arith.muli %parallel_loop3A_370, %parallel_loop3A_371 : i32
        %parallel_loop3A_373 = arith.constant 0 : i32
        %parallel_loop3A_374 = arith.addi %parallel_loop3A_368, %parallel_loop3A_373 : i32
        %parallel_loop3A_375 = arith.index_cast %parallel_loop3A_374 : i32 to index
        %parallel_loop3A_376 = tpu.vector_load %arg5[%parallel_loop3A_375] {strides = array<i32>} : memref<1344xf32, #tpu.memory_space<vmem>>, vector<16xf32>,
        %parallel_loop3A_377 = arith.constant 0 : i32
        %parallel_loop3A_378 = arith.addi %parallel_loop3A_372, %parallel_loop3A_377 : i32
        %parallel_loop3A_379 = arith.index_cast %parallel_loop3A_378 : i32 to index
        %parallel_loop3A_380 = tpu.vector_load %arg9[%parallel_loop3A_379] {strides = array<i32>} : memref<32768xf32, #tpu.memory_space<vmem>>, vector<16xf32>,
        tpu.vector_store %arg9[%parallel_loop3A_379], %parallel_loop3A_376 {strides = array<i32>} : memref<32768xf32, #tpu.memory_space<vmem>>, vector<16xf32>,
        %parallel_loop3A_381 = arith.constant 16 : i32
        %parallel_loop3A_382 = arith.addi %parallel_loop3A_368, %parallel_loop3A_381 : i32
        %parallel_loop3A_383 = arith.index_cast %parallel_loop3A_382 : i32 to index
        %parallel_loop3A_384 = tpu.vector_load %arg5[%parallel_loop3A_383] {strides = array<i32>} : memref<1344xf32, #tpu.memory_space<vmem>>, vector<16xf32>,
        %parallel_loop3A_385 = arith.constant 16 : i32
        %parallel_loop3A_386 = arith.addi %parallel_loop3A_372, %parallel_loop3A_385 : i32
        %parallel_loop3A_387 = arith.index_cast %parallel_loop3A_386 : i32 to index
        %parallel_loop3A_388 = tpu.vector_load %arg9[%parallel_loop3A_387] {strides = array<i32>} : memref<32768xf32, #tpu.memory_space<vmem>>, vector<16xf32>,
        tpu.vector_store %arg9[%parallel_loop3A_387], %parallel_loop3A_384 {strides = array<i32>} : memref<32768xf32, #tpu.memory_space<vmem>>, vector<16xf32>,
        %parallel_loop3A_389 = arith.constant 32 : i32
        %parallel_loop3A_390 = arith.addi %parallel_loop3A_368, %parallel_loop3A_389 : i32
        %parallel_loop3A_391 = arith.index_cast %parallel_loop3A_390 : i32 to index
        %parallel_loop3A_392 = tpu.vector_load %arg5[%parallel_loop3A_391] {strides = array<i32>} : memref<1344xf32, #tpu.memory_space<vmem>>, vector<16xf32>,
        %parallel_loop3A_393 = arith.constant 32 : i32
        %parallel_loop3A_394 = arith.addi %parallel_loop3A_372, %parallel_loop3A_393 : i32
        %parallel_loop3A_395 = arith.index_cast %parallel_loop3A_394 : i32 to index
        %parallel_loop3A_396 = tpu.vector_load %arg9[%parallel_loop3A_395] {strides = array<i32>} : memref<32768xf32, #tpu.memory_space<vmem>>, vector<16xf32>,
        tpu.vector_store %arg9[%parallel_loop3A_395], %parallel_loop3A_392 {strides = array<i32>} : memref<32768xf32, #tpu.memory_space<vmem>>, vector<16xf32>,
        %parallel_loop3A_397 = arith.constant 48 : i32
        %parallel_loop3A_398 = arith.addi %parallel_loop3A_368, %parallel_loop3A_397 : i32
        %parallel_loop3A_399 = arith.index_cast %parallel_loop3A_398 : i32 to index
        %parallel_loop3A_400 = tpu.vector_load %arg5[%parallel_loop3A_399] {strides = array<i32>} : memref<1344xf32, #tpu.memory_space<vmem>>, vector<16xf32>,
        %parallel_loop3A_401 = arith.constant 48 : i32
        %parallel_loop3A_402 = arith.addi %parallel_loop3A_372, %parallel_loop3A_401 : i32
        %parallel_loop3A_403 = arith.index_cast %parallel_loop3A_402 : i32 to index
        %parallel_loop3A_404 = tpu.vector_load %arg9[%parallel_loop3A_403] {strides = array<i32>} : memref<32768xf32, #tpu.memory_space<vmem>>, vector<16xf32>,
        tpu.vector_store %arg9[%parallel_loop3A_403], %parallel_loop3A_400 {strides = array<i32>} : memref<32768xf32, #tpu.memory_space<vmem>>, vector<16xf32>,
        %parallel_loop3A_405 = vector.extract_strided_slice %parallel_loop3A_84 {offsets = [8], sizes = [1], strides = [1]} : vector<16xi32> to vector<1xi32>
        %parallel_loop3A_406 = vector.extract %parallel_loop3A_405[0] : i32 from vector<1xi32>
        %parallel_loop3A_407 = arith.constant 64 : i32
        %parallel_loop3A_408 = arith.muli %parallel_loop3A_406, %parallel_loop3A_407 : i32
        %parallel_loop3A_409 = arith.constant 8 : i32
        %parallel_loop3A_410 = arith.addi %parallel_loop3A_82, %parallel_loop3A_409 : i32
        %parallel_loop3A_411 = arith.constant 64 : i32
        %parallel_loop3A_412 = arith.muli %parallel_loop3A_410, %parallel_loop3A_411 : i32
        %parallel_loop3A_413 = arith.constant 0 : i32
        %parallel_loop3A_414 = arith.addi %parallel_loop3A_408, %parallel_loop3A_413 : i32
        %parallel_loop3A_415 = arith.index_cast %parallel_loop3A_414 : i32 to index
        %parallel_loop3A_416 = tpu.vector_load %arg5[%parallel_loop3A_415] {strides = array<i32>} : memref<1344xf32, #tpu.memory_space<vmem>>, vector<16xf32>,
        %parallel_loop3A_417 = arith.constant 0 : i32
        %parallel_loop3A_418 = arith.addi %parallel_loop3A_412, %parallel_loop3A_417 : i32
        %parallel_loop3A_419 = arith.index_cast %parallel_loop3A_418 : i32 to index
        %parallel_loop3A_420 = tpu.vector_load %arg9[%parallel_loop3A_419] {strides = array<i32>} : memref<32768xf32, #tpu.memory_space<vmem>>, vector<16xf32>,
        tpu.vector_store %arg9[%parallel_loop3A_419], %parallel_loop3A_416 {strides = array<i32>} : memref<32768xf32, #tpu.memory_space<vmem>>, vector<16xf32>,
        %parallel_loop3A_421 = arith.constant 16 : i32
        %parallel_loop3A_422 = arith.addi %parallel_loop3A_408, %parallel_loop3A_421 : i32
        %parallel_loop3A_423 = arith.index_cast %parallel_loop3A_422 : i32 to index
        %parallel_loop3A_424 = tpu.vector_load %arg5[%parallel_loop3A_423] {strides = array<i32>} : memref<1344xf32, #tpu.memory_space<vmem>>, vector<16xf32>,
        %parallel_loop3A_425 = arith.constant 16 : i32
        %parallel_loop3A_426 = arith.addi %parallel_loop3A_412, %parallel_loop3A_425 : i32
        %parallel_loop3A_427 = arith.index_cast %parallel_loop3A_426 : i32 to index
        %parallel_loop3A_428 = tpu.vector_load %arg9[%parallel_loop3A_427] {strides = array<i32>} : memref<32768xf32, #tpu.memory_space<vmem>>, vector<16xf32>,
        tpu.vector_store %arg9[%parallel_loop3A_427], %parallel_loop3A_424 {strides = array<i32>} : memref<32768xf32, #tpu.memory_space<vmem>>, vector<16xf32>,
        %parallel_loop3A_429 = arith.constant 32 : i32
        %parallel_loop3A_430 = arith.addi %parallel_loop3A_408, %parallel_loop3A_429 : i32
        %parallel_loop3A_431 = arith.index_cast %parallel_loop3A_430 : i32 to index
        %parallel_loop3A_432 = tpu.vector_load %arg5[%parallel_loop3A_431] {strides = array<i32>} : memref<1344xf32, #tpu.memory_space<vmem>>, vector<16xf32>,
        %parallel_loop3A_433 = arith.constant 32 : i32
        %parallel_loop3A_434 = arith.addi %parallel_loop3A_412, %parallel_loop3A_433 : i32
        %parallel_loop3A_435 = arith.index_cast %parallel_loop3A_434 : i32 to index
        %parallel_loop3A_436 = tpu.vector_load %arg9[%parallel_loop3A_435] {strides = array<i32>} : memref<32768xf32, #tpu.memory_space<vmem>>, vector<16xf32>,
        tpu.vector_store %arg9[%parallel_loop3A_435], %parallel_loop3A_432 {strides = array<i32>} : memref<32768xf32, #tpu.memory_space<vmem>>, vector<16xf32>,
        %parallel_loop3A_437 = arith.constant 48 : i32
        %parallel_loop3A_438 = arith.addi %parallel_loop3A_408, %parallel_loop3A_437 : i32
        %parallel_loop3A_439 = arith.index_cast %parallel_loop3A_438 : i32 to index
        %parallel_loop3A_440 = tpu.vector_load %arg5[%parallel_loop3A_439] {strides = array<i32>} : memref<1344xf32, #tpu.memory_space<vmem>>, vector<16xf32>,
        %parallel_loop3A_441 = arith.constant 48 : i32
        %parallel_loop3A_442 = arith.addi %parallel_loop3A_412, %parallel_loop3A_441 : i32
        %parallel_loop3A_443 = arith.index_cast %parallel_loop3A_442 : i32 to index
        %parallel_loop3A_444 = tpu.vector_load %arg9[%parallel_loop3A_443] {strides = array<i32>} : memref<32768xf32, #tpu.memory_space<vmem>>, vector<16xf32>,
        tpu.vector_store %arg9[%parallel_loop3A_443], %parallel_loop3A_440 {strides = array<i32>} : memref<32768xf32, #tpu.memory_space<vmem>>, vector<16xf32>,
        %parallel_loop3A_445 = vector.extract_strided_slice %parallel_loop3A_84 {offsets = [9], sizes = [1], strides = [1]} : vector<16xi32> to vector<1xi32>
        %parallel_loop3A_446 = vector.extract %parallel_loop3A_445[0] : i32 from vector<1xi32>
        %parallel_loop3A_447 = arith.constant 64 : i32
        %parallel_loop3A_448 = arith.muli %parallel_loop3A_446, %parallel_loop3A_447 : i32
        %parallel_loop3A_449 = arith.constant 9 : i32
        %parallel_loop3A_450 = arith.addi %parallel_loop3A_82, %parallel_loop3A_449 : i32
        %parallel_loop3A_451 = arith.constant 64 : i32
        %parallel_loop3A_452 = arith.muli %parallel_loop3A_450, %parallel_loop3A_451 : i32
        %parallel_loop3A_453 = arith.constant 0 : i32
        %parallel_loop3A_454 = arith.addi %parallel_loop3A_448, %parallel_loop3A_453 : i32
        %parallel_loop3A_455 = arith.index_cast %parallel_loop3A_454 : i32 to index
        %parallel_loop3A_456 = tpu.vector_load %arg5[%parallel_loop3A_455] {strides = array<i32>} : memref<1344xf32, #tpu.memory_space<vmem>>, vector<16xf32>,
        %parallel_loop3A_457 = arith.constant 0 : i32
        %parallel_loop3A_458 = arith.addi %parallel_loop3A_452, %parallel_loop3A_457 : i32
        %parallel_loop3A_459 = arith.index_cast %parallel_loop3A_458 : i32 to index
        %parallel_loop3A_460 = tpu.vector_load %arg9[%parallel_loop3A_459] {strides = array<i32>} : memref<32768xf32, #tpu.memory_space<vmem>>, vector<16xf32>,
        tpu.vector_store %arg9[%parallel_loop3A_459], %parallel_loop3A_456 {strides = array<i32>} : memref<32768xf32, #tpu.memory_space<vmem>>, vector<16xf32>,
        %parallel_loop3A_461 = arith.constant 16 : i32
        %parallel_loop3A_462 = arith.addi %parallel_loop3A_448, %parallel_loop3A_461 : i32
        %parallel_loop3A_463 = arith.index_cast %parallel_loop3A_462 : i32 to index
        %parallel_loop3A_464 = tpu.vector_load %arg5[%parallel_loop3A_463] {strides = array<i32>} : memref<1344xf32, #tpu.memory_space<vmem>>, vector<16xf32>,
        %parallel_loop3A_465 = arith.constant 16 : i32
        %parallel_loop3A_466 = arith.addi %parallel_loop3A_452, %parallel_loop3A_465 : i32
        %parallel_loop3A_467 = arith.index_cast %parallel_loop3A_466 : i32 to index
        %parallel_loop3A_468 = tpu.vector_load %arg9[%parallel_loop3A_467] {strides = array<i32>} : memref<32768xf32, #tpu.memory_space<vmem>>, vector<16xf32>,
        tpu.vector_store %arg9[%parallel_loop3A_467], %parallel_loop3A_464 {strides = array<i32>} : memref<32768xf32, #tpu.memory_space<vmem>>, vector<16xf32>,
        %parallel_loop3A_469 = arith.constant 32 : i32
        %parallel_loop3A_470 = arith.addi %parallel_loop3A_448, %parallel_loop3A_469 : i32
        %parallel_loop3A_471 = arith.index_cast %parallel_loop3A_470 : i32 to index
        %parallel_loop3A_472 = tpu.vector_load %arg5[%parallel_loop3A_471] {strides = array<i32>} : memref<1344xf32, #tpu.memory_space<vmem>>, vector<16xf32>,
        %parallel_loop3A_473 = arith.constant 32 : i32
        %parallel_loop3A_474 = arith.addi %parallel_loop3A_452, %parallel_loop3A_473 : i32
        %parallel_loop3A_475 = arith.index_cast %parallel_loop3A_474 : i32 to index
        %parallel_loop3A_476 = tpu.vector_load %arg9[%parallel_loop3A_475] {strides = array<i32>} : memref<32768xf32, #tpu.memory_space<vmem>>, vector<16xf32>,
        tpu.vector_store %arg9[%parallel_loop3A_475], %parallel_loop3A_472 {strides = array<i32>} : memref<32768xf32, #tpu.memory_space<vmem>>, vector<16xf32>,
        %parallel_loop3A_477 = arith.constant 48 : i32
        %parallel_loop3A_478 = arith.addi %parallel_loop3A_448, %parallel_loop3A_477 : i32
        %parallel_loop3A_479 = arith.index_cast %parallel_loop3A_478 : i32 to index
        %parallel_loop3A_480 = tpu.vector_load %arg5[%parallel_loop3A_479] {strides = array<i32>} : memref<1344xf32, #tpu.memory_space<vmem>>, vector<16xf32>,
        %parallel_loop3A_481 = arith.constant 48 : i32
        %parallel_loop3A_482 = arith.addi %parallel_loop3A_452, %parallel_loop3A_481 : i32
        %parallel_loop3A_483 = arith.index_cast %parallel_loop3A_482 : i32 to index
        %parallel_loop3A_484 = tpu.vector_load %arg9[%parallel_loop3A_483] {strides = array<i32>} : memref<32768xf32, #tpu.memory_space<vmem>>, vector<16xf32>,
        tpu.vector_store %arg9[%parallel_loop3A_483], %parallel_loop3A_480 {strides = array<i32>} : memref<32768xf32, #tpu.memory_space<vmem>>, vector<16xf32>,
        %parallel_loop3A_485 = vector.extract_strided_slice %parallel_loop3A_84 {offsets = [10], sizes = [1], strides = [1]} : vector<16xi32> to vector<1xi32>
        %parallel_loop3A_486 = vector.extract %parallel_loop3A_485[0] : i32 from vector<1xi32>
        %parallel_loop3A_487 = arith.constant 64 : i32
        %parallel_loop3A_488 = arith.muli %parallel_loop3A_486, %parallel_loop3A_487 : i32
        %parallel_loop3A_489 = arith.constant 10 : i32
        %parallel_loop3A_490 = arith.addi %parallel_loop3A_82, %parallel_loop3A_489 : i32
        %parallel_loop3A_491 = arith.constant 64 : i32
        %parallel_loop3A_492 = arith.muli %parallel_loop3A_490, %parallel_loop3A_491 : i32
        %parallel_loop3A_493 = arith.constant 0 : i32
        %parallel_loop3A_494 = arith.addi %parallel_loop3A_488, %parallel_loop3A_493 : i32
        %parallel_loop3A_495 = arith.index_cast %parallel_loop3A_494 : i32 to index
        %parallel_loop3A_496 = tpu.vector_load %arg5[%parallel_loop3A_495] {strides = array<i32>} : memref<1344xf32, #tpu.memory_space<vmem>>, vector<16xf32>,
        %parallel_loop3A_497 = arith.constant 0 : i32
        %parallel_loop3A_498 = arith.addi %parallel_loop3A_492, %parallel_loop3A_497 : i32
        %parallel_loop3A_499 = arith.index_cast %parallel_loop3A_498 : i32 to index
        %parallel_loop3A_500 = tpu.vector_load %arg9[%parallel_loop3A_499] {strides = array<i32>} : memref<32768xf32, #tpu.memory_space<vmem>>, vector<16xf32>,
        tpu.vector_store %arg9[%parallel_loop3A_499], %parallel_loop3A_496 {strides = array<i32>} : memref<32768xf32, #tpu.memory_space<vmem>>, vector<16xf32>,
        %parallel_loop3A_501 = arith.constant 16 : i32
        %parallel_loop3A_502 = arith.addi %parallel_loop3A_488, %parallel_loop3A_501 : i32
        %parallel_loop3A_503 = arith.index_cast %parallel_loop3A_502 : i32 to index
        %parallel_loop3A_504 = tpu.vector_load %arg5[%parallel_loop3A_503] {strides = array<i32>} : memref<1344xf32, #tpu.memory_space<vmem>>, vector<16xf32>,
        %parallel_loop3A_505 = arith.constant 16 : i32
        %parallel_loop3A_506 = arith.addi %parallel_loop3A_492, %parallel_loop3A_505 : i32
        %parallel_loop3A_507 = arith.index_cast %parallel_loop3A_506 : i32 to index
        %parallel_loop3A_508 = tpu.vector_load %arg9[%parallel_loop3A_507] {strides = array<i32>} : memref<32768xf32, #tpu.memory_space<vmem>>, vector<16xf32>,
        tpu.vector_store %arg9[%parallel_loop3A_507], %parallel_loop3A_504 {strides = array<i32>} : memref<32768xf32, #tpu.memory_space<vmem>>, vector<16xf32>,
        %parallel_loop3A_509 = arith.constant 32 : i32
        %parallel_loop3A_510 = arith.addi %parallel_loop3A_488, %parallel_loop3A_509 : i32
        %parallel_loop3A_511 = arith.index_cast %parallel_loop3A_510 : i32 to index
        %parallel_loop3A_512 = tpu.vector_load %arg5[%parallel_loop3A_511] {strides = array<i32>} : memref<1344xf32, #tpu.memory_space<vmem>>, vector<16xf32>,
        %parallel_loop3A_513 = arith.constant 32 : i32
        %parallel_loop3A_514 = arith.addi %parallel_loop3A_492, %parallel_loop3A_513 : i32
        %parallel_loop3A_515 = arith.index_cast %parallel_loop3A_514 : i32 to index
        %parallel_loop3A_516 = tpu.vector_load %arg9[%parallel_loop3A_515] {strides = array<i32>} : memref<32768xf32, #tpu.memory_space<vmem>>, vector<16xf32>,
        tpu.vector_store %arg9[%parallel_loop3A_515], %parallel_loop3A_512 {strides = array<i32>} : memref<32768xf32, #tpu.memory_space<vmem>>, vector<16xf32>,
        %parallel_loop3A_517 = arith.constant 48 : i32
        %parallel_loop3A_518 = arith.addi %parallel_loop3A_488, %parallel_loop3A_517 : i32
        %parallel_loop3A_519 = arith.index_cast %parallel_loop3A_518 : i32 to index
        %parallel_loop3A_520 = tpu.vector_load %arg5[%parallel_loop3A_519] {strides = array<i32>} : memref<1344xf32, #tpu.memory_space<vmem>>, vector<16xf32>,
        %parallel_loop3A_521 = arith.constant 48 : i32
        %parallel_loop3A_522 = arith.addi %parallel_loop3A_492, %parallel_loop3A_521 : i32
        %parallel_loop3A_523 = arith.index_cast %parallel_loop3A_522 : i32 to index
        %parallel_loop3A_524 = tpu.vector_load %arg9[%parallel_loop3A_523] {strides = array<i32>} : memref<32768xf32, #tpu.memory_space<vmem>>, vector<16xf32>,
        tpu.vector_store %arg9[%parallel_loop3A_523], %parallel_loop3A_520 {strides = array<i32>} : memref<32768xf32, #tpu.memory_space<vmem>>, vector<16xf32>,
        %parallel_loop3A_525 = vector.extract_strided_slice %parallel_loop3A_84 {offsets = [11], sizes = [1], strides = [1]} : vector<16xi32> to vector<1xi32>
        %parallel_loop3A_526 = vector.extract %parallel_loop3A_525[0] : i32 from vector<1xi32>
        %parallel_loop3A_527 = arith.constant 64 : i32
        %parallel_loop3A_528 = arith.muli %parallel_loop3A_526, %parallel_loop3A_527 : i32
        %parallel_loop3A_529 = arith.constant 11 : i32
        %parallel_loop3A_530 = arith.addi %parallel_loop3A_82, %parallel_loop3A_529 : i32
        %parallel_loop3A_531 = arith.constant 64 : i32
        %parallel_loop3A_532 = arith.muli %parallel_loop3A_530, %parallel_loop3A_531 : i32
        %parallel_loop3A_533 = arith.constant 0 : i32
        %parallel_loop3A_534 = arith.addi %parallel_loop3A_528, %parallel_loop3A_533 : i32
        %parallel_loop3A_535 = arith.index_cast %parallel_loop3A_534 : i32 to index
        %parallel_loop3A_536 = tpu.vector_load %arg5[%parallel_loop3A_535] {strides = array<i32>} : memref<1344xf32, #tpu.memory_space<vmem>>, vector<16xf32>,
        %parallel_loop3A_537 = arith.constant 0 : i32
        %parallel_loop3A_538 = arith.addi %parallel_loop3A_532, %parallel_loop3A_537 : i32
        %parallel_loop3A_539 = arith.index_cast %parallel_loop3A_538 : i32 to index
        %parallel_loop3A_540 = tpu.vector_load %arg9[%parallel_loop3A_539] {strides = array<i32>} : memref<32768xf32, #tpu.memory_space<vmem>>, vector<16xf32>,
        tpu.vector_store %arg9[%parallel_loop3A_539], %parallel_loop3A_536 {strides = array<i32>} : memref<32768xf32, #tpu.memory_space<vmem>>, vector<16xf32>,
        %parallel_loop3A_541 = arith.constant 16 : i32
        %parallel_loop3A_542 = arith.addi %parallel_loop3A_528, %parallel_loop3A_541 : i32
        %parallel_loop3A_543 = arith.index_cast %parallel_loop3A_542 : i32 to index
        %parallel_loop3A_544 = tpu.vector_load %arg5[%parallel_loop3A_543] {strides = array<i32>} : memref<1344xf32, #tpu.memory_space<vmem>>, vector<16xf32>,
        %parallel_loop3A_545 = arith.constant 16 : i32
        %parallel_loop3A_546 = arith.addi %parallel_loop3A_532, %parallel_loop3A_545 : i32
        %parallel_loop3A_547 = arith.index_cast %parallel_loop3A_546 : i32 to index
        %parallel_loop3A_548 = tpu.vector_load %arg9[%parallel_loop3A_547] {strides = array<i32>} : memref<32768xf32, #tpu.memory_space<vmem>>, vector<16xf32>,
        tpu.vector_store %arg9[%parallel_loop3A_547], %parallel_loop3A_544 {strides = array<i32>} : memref<32768xf32, #tpu.memory_space<vmem>>, vector<16xf32>,
        %parallel_loop3A_549 = arith.constant 32 : i32
        %parallel_loop3A_550 = arith.addi %parallel_loop3A_528, %parallel_loop3A_549 : i32
        %parallel_loop3A_551 = arith.index_cast %parallel_loop3A_550 : i32 to index
        %parallel_loop3A_552 = tpu.vector_load %arg5[%parallel_loop3A_551] {strides = array<i32>} : memref<1344xf32, #tpu.memory_space<vmem>>, vector<16xf32>,
        %parallel_loop3A_553 = arith.constant 32 : i32
        %parallel_loop3A_554 = arith.addi %parallel_loop3A_532, %parallel_loop3A_553 : i32
        %parallel_loop3A_555 = arith.index_cast %parallel_loop3A_554 : i32 to index
        %parallel_loop3A_556 = tpu.vector_load %arg9[%parallel_loop3A_555] {strides = array<i32>} : memref<32768xf32, #tpu.memory_space<vmem>>, vector<16xf32>,
        tpu.vector_store %arg9[%parallel_loop3A_555], %parallel_loop3A_552 {strides = array<i32>} : memref<32768xf32, #tpu.memory_space<vmem>>, vector<16xf32>,
        %parallel_loop3A_557 = arith.constant 48 : i32
        %parallel_loop3A_558 = arith.addi %parallel_loop3A_528, %parallel_loop3A_557 : i32
        %parallel_loop3A_559 = arith.index_cast %parallel_loop3A_558 : i32 to index
        %parallel_loop3A_560 = tpu.vector_load %arg5[%parallel_loop3A_559] {strides = array<i32>} : memref<1344xf32, #tpu.memory_space<vmem>>, vector<16xf32>,
        %parallel_loop3A_561 = arith.constant 48 : i32
        %parallel_loop3A_562 = arith.addi %parallel_loop3A_532, %parallel_loop3A_561 : i32
        %parallel_loop3A_563 = arith.index_cast %parallel_loop3A_562 : i32 to index
        %parallel_loop3A_564 = tpu.vector_load %arg9[%parallel_loop3A_563] {strides = array<i32>} : memref<32768xf32, #tpu.memory_space<vmem>>, vector<16xf32>,
        tpu.vector_store %arg9[%parallel_loop3A_563], %parallel_loop3A_560 {strides = array<i32>} : memref<32768xf32, #tpu.memory_space<vmem>>, vector<16xf32>,
        %parallel_loop3A_565 = vector.extract_strided_slice %parallel_loop3A_84 {offsets = [12], sizes = [1], strides = [1]} : vector<16xi32> to vector<1xi32>
        %parallel_loop3A_566 = vector.extract %parallel_loop3A_565[0] : i32 from vector<1xi32>
        %parallel_loop3A_567 = arith.constant 64 : i32
        %parallel_loop3A_568 = arith.muli %parallel_loop3A_566, %parallel_loop3A_567 : i32
        %parallel_loop3A_569 = arith.constant 12 : i32
        %parallel_loop3A_570 = arith.addi %parallel_loop3A_82, %parallel_loop3A_569 : i32
        %parallel_loop3A_571 = arith.constant 64 : i32
        %parallel_loop3A_572 = arith.muli %parallel_loop3A_570, %parallel_loop3A_571 : i32
        %parallel_loop3A_573 = arith.constant 0 : i32
        %parallel_loop3A_574 = arith.addi %parallel_loop3A_568, %parallel_loop3A_573 : i32
        %parallel_loop3A_575 = arith.index_cast %parallel_loop3A_574 : i32 to index
        %parallel_loop3A_576 = tpu.vector_load %arg5[%parallel_loop3A_575] {strides = array<i32>} : memref<1344xf32, #tpu.memory_space<vmem>>, vector<16xf32>,
        %parallel_loop3A_577 = arith.constant 0 : i32
        %parallel_loop3A_578 = arith.addi %parallel_loop3A_572, %parallel_loop3A_577 : i32
        %parallel_loop3A_579 = arith.index_cast %parallel_loop3A_578 : i32 to index
        %parallel_loop3A_580 = tpu.vector_load %arg9[%parallel_loop3A_579] {strides = array<i32>} : memref<32768xf32, #tpu.memory_space<vmem>>, vector<16xf32>,
        tpu.vector_store %arg9[%parallel_loop3A_579], %parallel_loop3A_576 {strides = array<i32>} : memref<32768xf32, #tpu.memory_space<vmem>>, vector<16xf32>,
        %parallel_loop3A_581 = arith.constant 16 : i32
        %parallel_loop3A_582 = arith.addi %parallel_loop3A_568, %parallel_loop3A_581 : i32
        %parallel_loop3A_583 = arith.index_cast %parallel_loop3A_582 : i32 to index
        %parallel_loop3A_584 = tpu.vector_load %arg5[%parallel_loop3A_583] {strides = array<i32>} : memref<1344xf32, #tpu.memory_space<vmem>>, vector<16xf32>,
        %parallel_loop3A_585 = arith.constant 16 : i32
        %parallel_loop3A_586 = arith.addi %parallel_loop3A_572, %parallel_loop3A_585 : i32
        %parallel_loop3A_587 = arith.index_cast %parallel_loop3A_586 : i32 to index
        %parallel_loop3A_588 = tpu.vector_load %arg9[%parallel_loop3A_587] {strides = array<i32>} : memref<32768xf32, #tpu.memory_space<vmem>>, vector<16xf32>,
        tpu.vector_store %arg9[%parallel_loop3A_587], %parallel_loop3A_584 {strides = array<i32>} : memref<32768xf32, #tpu.memory_space<vmem>>, vector<16xf32>,
        %parallel_loop3A_589 = arith.constant 32 : i32
        %parallel_loop3A_590 = arith.addi %parallel_loop3A_568, %parallel_loop3A_589 : i32
        %parallel_loop3A_591 = arith.index_cast %parallel_loop3A_590 : i32 to index
        %parallel_loop3A_592 = tpu.vector_load %arg5[%parallel_loop3A_591] {strides = array<i32>} : memref<1344xf32, #tpu.memory_space<vmem>>, vector<16xf32>,
        %parallel_loop3A_593 = arith.constant 32 : i32
        %parallel_loop3A_594 = arith.addi %parallel_loop3A_572, %parallel_loop3A_593 : i32
        %parallel_loop3A_595 = arith.index_cast %parallel_loop3A_594 : i32 to index
        %parallel_loop3A_596 = tpu.vector_load %arg9[%parallel_loop3A_595] {strides = array<i32>} : memref<32768xf32, #tpu.memory_space<vmem>>, vector<16xf32>,
        tpu.vector_store %arg9[%parallel_loop3A_595], %parallel_loop3A_592 {strides = array<i32>} : memref<32768xf32, #tpu.memory_space<vmem>>, vector<16xf32>,
        %parallel_loop3A_597 = arith.constant 48 : i32
        %parallel_loop3A_598 = arith.addi %parallel_loop3A_568, %parallel_loop3A_597 : i32
        %parallel_loop3A_599 = arith.index_cast %parallel_loop3A_598 : i32 to index
        %parallel_loop3A_600 = tpu.vector_load %arg5[%parallel_loop3A_599] {strides = array<i32>} : memref<1344xf32, #tpu.memory_space<vmem>>, vector<16xf32>,
        %parallel_loop3A_601 = arith.constant 48 : i32
        %parallel_loop3A_602 = arith.addi %parallel_loop3A_572, %parallel_loop3A_601 : i32
        %parallel_loop3A_603 = arith.index_cast %parallel_loop3A_602 : i32 to index
        %parallel_loop3A_604 = tpu.vector_load %arg9[%parallel_loop3A_603] {strides = array<i32>} : memref<32768xf32, #tpu.memory_space<vmem>>, vector<16xf32>,
        tpu.vector_store %arg9[%parallel_loop3A_603], %parallel_loop3A_600 {strides = array<i32>} : memref<32768xf32, #tpu.memory_space<vmem>>, vector<16xf32>,
        %parallel_loop3A_605 = vector.extract_strided_slice %parallel_loop3A_84 {offsets = [13], sizes = [1], strides = [1]} : vector<16xi32> to vector<1xi32>
        %parallel_loop3A_606 = vector.extract %parallel_loop3A_605[0] : i32 from vector<1xi32>
        %parallel_loop3A_607 = arith.constant 64 : i32
        %parallel_loop3A_608 = arith.muli %parallel_loop3A_606, %parallel_loop3A_607 : i32
        %parallel_loop3A_609 = arith.constant 13 : i32
        %parallel_loop3A_610 = arith.addi %parallel_loop3A_82, %parallel_loop3A_609 : i32
        %parallel_loop3A_611 = arith.constant 64 : i32
        %parallel_loop3A_612 = arith.muli %parallel_loop3A_610, %parallel_loop3A_611 : i32
        %parallel_loop3A_613 = arith.constant 0 : i32
        %parallel_loop3A_614 = arith.addi %parallel_loop3A_608, %parallel_loop3A_613 : i32
        %parallel_loop3A_615 = arith.index_cast %parallel_loop3A_614 : i32 to index
        %parallel_loop3A_616 = tpu.vector_load %arg5[%parallel_loop3A_615] {strides = array<i32>} : memref<1344xf32, #tpu.memory_space<vmem>>, vector<16xf32>,
        %parallel_loop3A_617 = arith.constant 0 : i32
        %parallel_loop3A_618 = arith.addi %parallel_loop3A_612, %parallel_loop3A_617 : i32
        %parallel_loop3A_619 = arith.index_cast %parallel_loop3A_618 : i32 to index
        %parallel_loop3A_620 = tpu.vector_load %arg9[%parallel_loop3A_619] {strides = array<i32>} : memref<32768xf32, #tpu.memory_space<vmem>>, vector<16xf32>,
        tpu.vector_store %arg9[%parallel_loop3A_619], %parallel_loop3A_616 {strides = array<i32>} : memref<32768xf32, #tpu.memory_space<vmem>>, vector<16xf32>,
        %parallel_loop3A_621 = arith.constant 16 : i32
        %parallel_loop3A_622 = arith.addi %parallel_loop3A_608, %parallel_loop3A_621 : i32
        %parallel_loop3A_623 = arith.index_cast %parallel_loop3A_622 : i32 to index
        %parallel_loop3A_624 = tpu.vector_load %arg5[%parallel_loop3A_623] {strides = array<i32>} : memref<1344xf32, #tpu.memory_space<vmem>>, vector<16xf32>,
        %parallel_loop3A_625 = arith.constant 16 : i32
        %parallel_loop3A_626 = arith.addi %parallel_loop3A_612, %parallel_loop3A_625 : i32
        %parallel_loop3A_627 = arith.index_cast %parallel_loop3A_626 : i32 to index
        %parallel_loop3A_628 = tpu.vector_load %arg9[%parallel_loop3A_627] {strides = array<i32>} : memref<32768xf32, #tpu.memory_space<vmem>>, vector<16xf32>,
        tpu.vector_store %arg9[%parallel_loop3A_627], %parallel_loop3A_624 {strides = array<i32>} : memref<32768xf32, #tpu.memory_space<vmem>>, vector<16xf32>,
        %parallel_loop3A_629 = arith.constant 32 : i32
        %parallel_loop3A_630 = arith.addi %parallel_loop3A_608, %parallel_loop3A_629 : i32
        %parallel_loop3A_631 = arith.index_cast %parallel_loop3A_630 : i32 to index
        %parallel_loop3A_632 = tpu.vector_load %arg5[%parallel_loop3A_631] {strides = array<i32>} : memref<1344xf32, #tpu.memory_space<vmem>>, vector<16xf32>,
        %parallel_loop3A_633 = arith.constant 32 : i32
        %parallel_loop3A_634 = arith.addi %parallel_loop3A_612, %parallel_loop3A_633 : i32
        %parallel_loop3A_635 = arith.index_cast %parallel_loop3A_634 : i32 to index
        %parallel_loop3A_636 = tpu.vector_load %arg9[%parallel_loop3A_635] {strides = array<i32>} : memref<32768xf32, #tpu.memory_space<vmem>>, vector<16xf32>,
        tpu.vector_store %arg9[%parallel_loop3A_635], %parallel_loop3A_632 {strides = array<i32>} : memref<32768xf32, #tpu.memory_space<vmem>>, vector<16xf32>,
        %parallel_loop3A_637 = arith.constant 48 : i32
        %parallel_loop3A_638 = arith.addi %parallel_loop3A_608, %parallel_loop3A_637 : i32
        %parallel_loop3A_639 = arith.index_cast %parallel_loop3A_638 : i32 to index
        %parallel_loop3A_640 = tpu.vector_load %arg5[%parallel_loop3A_639] {strides = array<i32>} : memref<1344xf32, #tpu.memory_space<vmem>>, vector<16xf32>,
        %parallel_loop3A_641 = arith.constant 48 : i32
        %parallel_loop3A_642 = arith.addi %parallel_loop3A_612, %parallel_loop3A_641 : i32
        %parallel_loop3A_643 = arith.index_cast %parallel_loop3A_642 : i32 to index
        %parallel_loop3A_644 = tpu.vector_load %arg9[%parallel_loop3A_643] {strides = array<i32>} : memref<32768xf32, #tpu.memory_space<vmem>>, vector<16xf32>,
        tpu.vector_store %arg9[%parallel_loop3A_643], %parallel_loop3A_640 {strides = array<i32>} : memref<32768xf32, #tpu.memory_space<vmem>>, vector<16xf32>,
        %parallel_loop3A_645 = vector.extract_strided_slice %parallel_loop3A_84 {offsets = [14], sizes = [1], strides = [1]} : vector<16xi32> to vector<1xi32>
        %parallel_loop3A_646 = vector.extract %parallel_loop3A_645[0] : i32 from vector<1xi32>
        %parallel_loop3A_647 = arith.constant 64 : i32
        %parallel_loop3A_648 = arith.muli %parallel_loop3A_646, %parallel_loop3A_647 : i32
        %parallel_loop3A_649 = arith.constant 14 : i32
        %parallel_loop3A_650 = arith.addi %parallel_loop3A_82, %parallel_loop3A_649 : i32
        %parallel_loop3A_651 = arith.constant 64 : i32
        %parallel_loop3A_652 = arith.muli %parallel_loop3A_650, %parallel_loop3A_651 : i32
        %parallel_loop3A_653 = arith.constant 0 : i32
        %parallel_loop3A_654 = arith.addi %parallel_loop3A_648, %parallel_loop3A_653 : i32
        %parallel_loop3A_655 = arith.index_cast %parallel_loop3A_654 : i32 to index
        %parallel_loop3A_656 = tpu.vector_load %arg5[%parallel_loop3A_655] {strides = array<i32>} : memref<1344xf32, #tpu.memory_space<vmem>>, vector<16xf32>,
        %parallel_loop3A_657 = arith.constant 0 : i32
        %parallel_loop3A_658 = arith.addi %parallel_loop3A_652, %parallel_loop3A_657 : i32
        %parallel_loop3A_659 = arith.index_cast %parallel_loop3A_658 : i32 to index
        %parallel_loop3A_660 = tpu.vector_load %arg9[%parallel_loop3A_659] {strides = array<i32>} : memref<32768xf32, #tpu.memory_space<vmem>>, vector<16xf32>,
        tpu.vector_store %arg9[%parallel_loop3A_659], %parallel_loop3A_656 {strides = array<i32>} : memref<32768xf32, #tpu.memory_space<vmem>>, vector<16xf32>,
        %parallel_loop3A_661 = arith.constant 16 : i32
        %parallel_loop3A_662 = arith.addi %parallel_loop3A_648, %parallel_loop3A_661 : i32
        %parallel_loop3A_663 = arith.index_cast %parallel_loop3A_662 : i32 to index
        %parallel_loop3A_664 = tpu.vector_load %arg5[%parallel_loop3A_663] {strides = array<i32>} : memref<1344xf32, #tpu.memory_space<vmem>>, vector<16xf32>,
        %parallel_loop3A_665 = arith.constant 16 : i32
        %parallel_loop3A_666 = arith.addi %parallel_loop3A_652, %parallel_loop3A_665 : i32
        %parallel_loop3A_667 = arith.index_cast %parallel_loop3A_666 : i32 to index
        %parallel_loop3A_668 = tpu.vector_load %arg9[%parallel_loop3A_667] {strides = array<i32>} : memref<32768xf32, #tpu.memory_space<vmem>>, vector<16xf32>,
        tpu.vector_store %arg9[%parallel_loop3A_667], %parallel_loop3A_664 {strides = array<i32>} : memref<32768xf32, #tpu.memory_space<vmem>>, vector<16xf32>,
        %parallel_loop3A_669 = arith.constant 32 : i32
        %parallel_loop3A_670 = arith.addi %parallel_loop3A_648, %parallel_loop3A_669 : i32
        %parallel_loop3A_671 = arith.index_cast %parallel_loop3A_670 : i32 to index
        %parallel_loop3A_672 = tpu.vector_load %arg5[%parallel_loop3A_671] {strides = array<i32>} : memref<1344xf32, #tpu.memory_space<vmem>>, vector<16xf32>,
        %parallel_loop3A_673 = arith.constant 32 : i32
        %parallel_loop3A_674 = arith.addi %parallel_loop3A_652, %parallel_loop3A_673 : i32
        %parallel_loop3A_675 = arith.index_cast %parallel_loop3A_674 : i32 to index
        %parallel_loop3A_676 = tpu.vector_load %arg9[%parallel_loop3A_675] {strides = array<i32>} : memref<32768xf32, #tpu.memory_space<vmem>>, vector<16xf32>,
        tpu.vector_store %arg9[%parallel_loop3A_675], %parallel_loop3A_672 {strides = array<i32>} : memref<32768xf32, #tpu.memory_space<vmem>>, vector<16xf32>,
        %parallel_loop3A_677 = arith.constant 48 : i32
        %parallel_loop3A_678 = arith.addi %parallel_loop3A_648, %parallel_loop3A_677 : i32
        %parallel_loop3A_679 = arith.index_cast %parallel_loop3A_678 : i32 to index
        %parallel_loop3A_680 = tpu.vector_load %arg5[%parallel_loop3A_679] {strides = array<i32>} : memref<1344xf32, #tpu.memory_space<vmem>>, vector<16xf32>,
        %parallel_loop3A_681 = arith.constant 48 : i32
        %parallel_loop3A_682 = arith.addi %parallel_loop3A_652, %parallel_loop3A_681 : i32
        %parallel_loop3A_683 = arith.index_cast %parallel_loop3A_682 : i32 to index
        %parallel_loop3A_684 = tpu.vector_load %arg9[%parallel_loop3A_683] {strides = array<i32>} : memref<32768xf32, #tpu.memory_space<vmem>>, vector<16xf32>,
        tpu.vector_store %arg9[%parallel_loop3A_683], %parallel_loop3A_680 {strides = array<i32>} : memref<32768xf32, #tpu.memory_space<vmem>>, vector<16xf32>,
        %parallel_loop3A_685 = vector.extract_strided_slice %parallel_loop3A_84 {offsets = [15], sizes = [1], strides = [1]} : vector<16xi32> to vector<1xi32>
        %parallel_loop3A_686 = vector.extract %parallel_loop3A_685[0] : i32 from vector<1xi32>
        %parallel_loop3A_687 = arith.constant 64 : i32
        %parallel_loop3A_688 = arith.muli %parallel_loop3A_686, %parallel_loop3A_687 : i32
        %parallel_loop3A_689 = arith.constant 15 : i32
        %parallel_loop3A_690 = arith.addi %parallel_loop3A_82, %parallel_loop3A_689 : i32
        %parallel_loop3A_691 = arith.constant 64 : i32
        %parallel_loop3A_692 = arith.muli %parallel_loop3A_690, %parallel_loop3A_691 : i32
        %parallel_loop3A_693 = arith.constant 0 : i32
        %parallel_loop3A_694 = arith.addi %parallel_loop3A_688, %parallel_loop3A_693 : i32
        %parallel_loop3A_695 = arith.index_cast %parallel_loop3A_694 : i32 to index
        %parallel_loop3A_696 = tpu.vector_load %arg5[%parallel_loop3A_695] {strides = array<i32>} : memref<1344xf32, #tpu.memory_space<vmem>>, vector<16xf32>,
        %parallel_loop3A_697 = arith.constant 0 : i32
        %parallel_loop3A_698 = arith.addi %parallel_loop3A_692, %parallel_loop3A_697 : i32
        %parallel_loop3A_699 = arith.index_cast %parallel_loop3A_698 : i32 to index
        %parallel_loop3A_700 = tpu.vector_load %arg9[%parallel_loop3A_699] {strides = array<i32>} : memref<32768xf32, #tpu.memory_space<vmem>>, vector<16xf32>,
        tpu.vector_store %arg9[%parallel_loop3A_699], %parallel_loop3A_696 {strides = array<i32>} : memref<32768xf32, #tpu.memory_space<vmem>>, vector<16xf32>,
        %parallel_loop3A_701 = arith.constant 16 : i32
        %parallel_loop3A_702 = arith.addi %parallel_loop3A_688, %parallel_loop3A_701 : i32
        %parallel_loop3A_703 = arith.index_cast %parallel_loop3A_702 : i32 to index
        %parallel_loop3A_704 = tpu.vector_load %arg5[%parallel_loop3A_703] {strides = array<i32>} : memref<1344xf32, #tpu.memory_space<vmem>>, vector<16xf32>,
        %parallel_loop3A_705 = arith.constant 16 : i32
        %parallel_loop3A_706 = arith.addi %parallel_loop3A_692, %parallel_loop3A_705 : i32
        %parallel_loop3A_707 = arith.index_cast %parallel_loop3A_706 : i32 to index
        %parallel_loop3A_708 = tpu.vector_load %arg9[%parallel_loop3A_707] {strides = array<i32>} : memref<32768xf32, #tpu.memory_space<vmem>>, vector<16xf32>,
        tpu.vector_store %arg9[%parallel_loop3A_707], %parallel_loop3A_704 {strides = array<i32>} : memref<32768xf32, #tpu.memory_space<vmem>>, vector<16xf32>,
        %parallel_loop3A_709 = arith.constant 32 : i32
        %parallel_loop3A_710 = arith.addi %parallel_loop3A_688, %parallel_loop3A_709 : i32
        %parallel_loop3A_711 = arith.index_cast %parallel_loop3A_710 : i32 to index
        %parallel_loop3A_712 = tpu.vector_load %arg5[%parallel_loop3A_711] {strides = array<i32>} : memref<1344xf32, #tpu.memory_space<vmem>>, vector<16xf32>,
        %parallel_loop3A_713 = arith.constant 32 : i32
        %parallel_loop3A_714 = arith.addi %parallel_loop3A_692, %parallel_loop3A_713 : i32
        %parallel_loop3A_715 = arith.index_cast %parallel_loop3A_714 : i32 to index
        %parallel_loop3A_716 = tpu.vector_load %arg9[%parallel_loop3A_715] {strides = array<i32>} : memref<32768xf32, #tpu.memory_space<vmem>>, vector<16xf32>,
        tpu.vector_store %arg9[%parallel_loop3A_715], %parallel_loop3A_712 {strides = array<i32>} : memref<32768xf32, #tpu.memory_space<vmem>>, vector<16xf32>,
        %parallel_loop3A_717 = arith.constant 48 : i32
        %parallel_loop3A_718 = arith.addi %parallel_loop3A_688, %parallel_loop3A_717 : i32
        %parallel_loop3A_719 = arith.index_cast %parallel_loop3A_718 : i32 to index
        %parallel_loop3A_720 = tpu.vector_load %arg5[%parallel_loop3A_719] {strides = array<i32>} : memref<1344xf32, #tpu.memory_space<vmem>>, vector<16xf32>,
        %parallel_loop3A_721 = arith.constant 48 : i32
        %parallel_loop3A_722 = arith.addi %parallel_loop3A_692, %parallel_loop3A_721 : i32
        %parallel_loop3A_723 = arith.index_cast %parallel_loop3A_722 : i32 to index
        %parallel_loop3A_724 = tpu.vector_load %arg9[%parallel_loop3A_723] {strides = array<i32>} : memref<32768xf32, #tpu.memory_space<vmem>>, vector<16xf32>,
        tpu.vector_store %arg9[%parallel_loop3A_723], %parallel_loop3A_720 {strides = array<i32>} : memref<32768xf32, #tpu.memory_space<vmem>>, vector<16xf32>,
      } {sc.loop_unroll_factor = 1 : i64, sc.parallel_access}
      %mul3A_73 = arith.constant 512 : i32
      %mul3A_74 = arith.muli %add3A_52, %mul3A_73 : i32
      %add3A_75 = arith.addi %mul3A_2, %mul3A_74 : i32
      %mul3A_76 = arith.constant 64 : i32
      %mul3A_77 = arith.muli %add3A_75, %mul3A_76 : i32
      %dma_start3A_78 = tpu.memref_slice %arg4[%mul3A_77] : memref<67108864xf32, #tpu.memory_space<hbm>> -> memref<32768xf32, #tpu.memory_space<hbm>>
      %dma_start3A_79 = tpu.memref_slice %arg4[%mul3A_77] : memref<67108864xf32, #tpu.memory_space<hbm>> -> memref<32768xf32, #tpu.memory_space<hbm>>
      tpu.enqueue_dma source(%arg9 : memref<32768xf32, #tpu.memory_space<vmem>>) target(%dma_start3A_79 : memref<32768xf32, #tpu.memory_space<hbm>>) target_semaphore(%arg11 : memref<!tpu.dma_semaphore, #tpu.memory_space<semaphore_mem>>)
    }
    %scan3A_10 = arith.constant 32 : i32
    %add3A_11 = arith.constant 31744 : i32
    %add3A_12 = arith.addi %mul3A_2, %add3A_11 : i32
    %mul3A_13 = arith.constant 64 : i32
    %mul3A_14 = arith.muli %add3A_12, %mul3A_13 : i32
    %dma_wait3A = tpu.memref_slice %arg4[%mul3A_14] : memref<67108864xf32, #tpu.memory_space<hbm>> -> memref<32768xf32, #tpu.memory_space<hbm>>
    %dma_wait3A_15 = tpu.memref_slice %arg4[%mul3A_14] : memref<67108864xf32, #tpu.memory_space<hbm>> -> memref<32768xf32, #tpu.memory_space<hbm>>
    tpu.wait_dma2 semaphore(%arg11 : memref<!tpu.dma_semaphore, #tpu.memory_space<semaphore_mem>>) src(%arg8 : memref<32768xf32, #tpu.memory_space<vmem>>) dst(%dma_wait3A_15 : memref<32768xf32, #tpu.memory_space<hbm>>)
    %add3A_16 = arith.constant 32256 : i32
    %add3A_17 = arith.addi %mul3A_2, %add3A_16 : i32
    %mul3A_18 = arith.constant 64 : i32
    %mul3A_19 = arith.muli %add3A_17, %mul3A_18 : i32
    %dma_wait3A_20 = tpu.memref_slice %arg4[%mul3A_19] : memref<67108864xf32, #tpu.memory_space<hbm>> -> memref<32768xf32, #tpu.memory_space<hbm>>
    %dma_wait3A_21 = tpu.memref_slice %arg4[%mul3A_19] : memref<67108864xf32, #tpu.memory_space<hbm>> -> memref<32768xf32, #tpu.memory_space<hbm>>
    tpu.wait_dma2 semaphore(%arg11 : memref<!tpu.dma_semaphore, #tpu.memory_space<semaphore_mem>>) src(%arg9 : memref<32768xf32, #tpu.memory_space<vmem>>) dst(%dma_wait3A_21 : memref<32768xf32, #tpu.memory_space<hbm>>)
    return
  }
}

</mosaic_0001>

<sc_bundles>
// kernel: _emb_sc.3.cloned.1.call-start
scs
__scs_entry_jumppad:
0x0: {  	(pc) =	sbr.rel $0x88, $3  }
0x1: {  	(tag) =	ssettag $0x0;
	lr =	simm.s32 $0x1  }
0x2: {  	[smem:$0x3F9F] =	sst lr;
	_ =	strace $0xD0000000  }
0x3: {  	_ = 	snop  }
0x4: {  	_ = 	snop  }
0x5: {  	_ = 	snop  }
0x6: {  	_ = 	snop  }
0x7: {  	_ = 	snop  }
__scs_overlays_trampoline_lowered:
0x8: {  	[smem:$0x3FAE] =	sst s0  }
0x9: {  	[smem:$0x3FAF] =	sst s1  }
0xa: {  	[smem:$0x3FB0] =	sst s2  }
0xb: {  	[smem:$0x3FB1] =	sst s3  }
0xc: {  	[smem:$0x3FB2] =	sst s4  }
0xd: {  	[smem:$0x3FB3] =	sst s5  }
0xe: {  	[smem:$0x3FB4] =	sst s6  }
0xf: {  	[smem:$0x3FB5] =	sst s7  }
0x10: {  	[smem:$0x3FB6] =	sst s8  }
0x11: {  	[smem:$0x3FB7] =	sst s9;
	s0 =	simm.s32 @!p0 $0x0  }
0x12: {  	s1 =	sld [smem:$0x3F9D];
	s0 =	simm.s32 @p0 $0x1  }
0x13: {  	[smem:$0x3FB8] =	sst s0;
	s0 =	simm.s32 @!p1 $0x0  }
0x14: {  	s2 =	sld [smem:$0x3F9C];
	s0 =	simm.s32 @p1 $0x1  }
0x15: {  	[smem:$0x3FB9] =	sst s0;
	s0 =	simm.s32 @!p2 $0x0  }
0x16: {  	s3 =	sld [smem:$0x3FDB];
	s0 =	simm.s32 @p2 $0x1  }
0x17: {  	s4 =	simm.s32 $0x1BF5;
	[smem:$0x3FBB] =	sst s0  }
0x18: {  	s0 =	sld [smem:$0x3F9E];
	_ =	swait.ge [sflag:s4], $0x0  }
0x19: {  	s7 =	sld [smem:$0x3F9F]  }
0x1a: {  	s8 =	sadd.s32 $0xFFFFE003, lr  }
0x1b: {  	s9 =	sadd.s32 $0xFFFFFEF7, lr;
	s5 =	simm.s32 $0xFFFFFFFF;
	p2 =	slt.u32 s8, $0xFFFFF086  }
0x1c: {  	p1 =	slt.u32 s9, $0xF7A;
	s5 =	simm.s32 @!p2 $0x0  }
0x1d: {  	s5 =	simm.s32 @p1 $0x1;
	p0 =	seq.s32 s7, s2  }
0x1e: {  	s7 =	smul.u32 @!p0 $0xF7A, s2;
	p2 =	seq.s32 @!p0 s5, $0x0  }
0x1f: {  	s9 =	smul.u32 $0xF7A, s1;
	s8 =	simm.s32 @!p0 $0x1BF5;
	p2 =	por !p2, p0  }
0x20: {  	[sflag:s8] =	ssyncset.s32 @!p0 $0xFFFFF086;
	s6 =	sadd.s32 @!p0 s3, s7;
	s7 =	simm.s32 @!p0 $0x108  }
0x21: {  	s3 =	sadd.s32 s3, s9;
	s6 =	sadd.s32 @!p0 $0x88, s6;
	s7 =	simm.s32 @p2 $0x1082  }
0x22: {  	[simem:s7], [sflag:s8] =	dma.local @!p0 [hbm:s6], $0xF7A  }
0x23: {  	s9 =	sor.u32 $0xD0000000, s2;
	s6 =	simm.s32 $0x108;
	_ =	swait.ge @!p0 [sflag:s8], $0x0  }
0x24: {  	s3 =	sadd.s32 $0x88, s3;
	s6 =	simm.s32 @!p1 $0x1082;
	[sflag:s4] =	ssyncset.s32 $0xFFFFF086  }
0x25: {  	[simem:s6], [sflag:s4] =	dma.local [hbm:s3], $0xF7A  }
0x26: {  	[smem:$0x3F9F] =	sst s1;
	(tag) =	ssettag s2;
	_ =	strace s9  }
0x27: {  	s1 =	sld [smem:$0x3FAF]  }
0x28: {  	s2 =	sld [smem:$0x3FB0]  }
0x29: {  	s4 =	sld [smem:$0x3FB2]  }
0x2a: {  	p0 =	seq.s32 s5, $0x0;
	s5 =	sld [smem:$0x3FB3]  }
0x2b: {  	s6 =	sld [smem:$0x3FB4]  }
0x2c: {  	s7 =	sld [smem:$0x3FB5]  }
0x2d: {  	s3 =	simm.s32 $0x108;
	s8 =	sld [smem:$0x3FB6]  }
0x2e: {  	s3 =	simm.s32 @!p0 $0x1082;
	s9 =	sld [smem:$0x3FB7]  }
0x2f: {  	lr =	sadd.s32 s0, s3;
	s0 =	sld [smem:$0x3FAE]  }
0x30: {  	s3 =	sld [smem:$0x3FB1]  }
0x31: {  	[smem:$0x3FBA] =	sst s10  }
0x32: {  	s10 =	sld [smem:$0x3FB8];
	_ =	sdelay $0x3  }
0x33: {  	p0 =	seq.s32 s10, $0x1;
	s10 =	sld [smem:$0x3FBA];
	_ =	sdelay $0x3  }
0x34: {  	[smem:$0x3FBA] =	sst s10  }
0x35: {  	s10 =	sld [smem:$0x3FB9];
	_ =	sdelay $0x3  }
0x36: {  	p1 =	seq.s32 s10, $0x1;
	s10 =	sld [smem:$0x3FBA];
	_ =	sdelay $0x3  }
0x37: {  	[smem:$0x3FBA] =	sst s10  }
0x38: {  	s10 =	sld [smem:$0x3FBB]  }
0x39: {  	_ = 	snop;
	(pc) =	sbr.ind lr, $3  }
0x3a: {  	_ = 	snop  }
0x3b: {  	_ = 	snop  }
0x3c: {  	p2 =	seq.s32 s10, $0x1;
	s10 =	sld [smem:$0x3FBA]  }
0x3d: {  	_ =	shalt  }
0x3e: {  	_ =	shalt  }
0x3f: {  	_ =	shalt  }
0x40: {  	_ =	shalt  }
0x41: {  	_ =	shalt  }
0x42: {  	_ =	shalt  }
0x43: {  	_ =	shalt  }
0x44: {  	_ =	shalt  }
0x45: {  	_ =	shalt  }
0x46: {  	_ =	shalt  }
0x47: {  	_ =	shalt  }
0x48: {  	_ =	shalt  }
0x49: {  	_ =	shalt  }
0x4a: {  	_ =	shalt  }
0x4b: {  	_ =	shalt  }
0x4c: {  	_ =	shalt  }
0x4d: {  	_ =	shalt  }
0x4e: {  	_ =	shalt  }
0x4f: {  	_ =	shalt  }
0x50: {  	_ =	shalt  }
0x51: {  	_ =	shalt  }
0x52: {  	_ =	shalt  }
0x53: {  	_ =	shalt  }
0x54: {  	_ =	shalt  }
0x55: {  	_ =	shalt  }
0x56: {  	_ =	shalt  }
0x57: {  	_ =	shalt  }
0x58: {  	_ =	shalt  }
0x59: {  	_ =	shalt  }
0x5a: {  	_ =	shalt  }
0x5b: {  	_ =	shalt  }
0x5c: {  	_ =	shalt  }
0x5d: {  	_ =	shalt  }
0x5e: {  	_ =	shalt  }
0x5f: {  	_ =	shalt  }
0x60: {  	_ =	shalt  }
0x61: {  	_ =	shalt  }
0x62: {  	_ =	shalt  }
0x63: {  	_ =	shalt  }
0x64: {  	_ =	shalt  }
0x65: {  	_ =	shalt  }
0x66: {  	_ =	shalt  }
0x67: {  	_ =	shalt  }
0x68: {  	_ =	shalt  }
0x69: {  	_ =	shalt  }
0x6a: {  	_ =	shalt  }
0x6b: {  	_ =	shalt  }
0x6c: {  	_ =	shalt  }
0x6d: {  	_ =	shalt  }
0x6e: {  	_ =	shalt  }
0x6f: {  	_ =	shalt  }
0x70: {  	_ =	shalt  }
0x71: {  	_ =	shalt  }
0x72: {  	_ =	shalt  }
0x73: {  	_ =	shalt  }
0x74: {  	_ =	shalt  }
0x75: {  	_ =	shalt  }
0x76: {  	_ =	shalt  }
0x77: {  	_ =	shalt  }
0x78: {  	_ =	shalt  }
0x79: {  	_ =	shalt  }
0x7a: {  	_ =	shalt  }
0x7b: {  	_ =	shalt  }
0x7c: {  	_ =	shalt  }
0x7d: {  	_ =	shalt  }
0x7e: {  	_ =	shalt  }
0x7f: {  	_ =	shalt  }
0x80: {  	_ =	shalt  }
0x81: {  	_ =	shalt  }
0x82: {  	_ =	shalt  }
0x83: {  	_ =	shalt  }
0x84: {  	_ =	shalt  }
0x85: {  	_ =	shalt  }
0x86: {  	_ =	shalt  }
0x87: {  	_ =	shalt  }
.Lfunc_end0:
.L_simem_size_0:
called_computation_lowered:
.L_overlay_start_0:
0x88: {  	s2 =	sld [smem:$0x3FD9]  }
0x89: {  	s3 =	sld [smem:$0x3FFE];
	_ =	sdelay $0x1  }
0x8a: {  	s1 =	srdreg.scid  }
0x8b: {  	s0 =	sand.u32 $0x1, s1  }
0x8c: {  	s18 =	sshll.u32 s0, $0xA;
	s2 =	sadd.s32 s3, s2  }
0x8d: {  	s2 =	sadd.s32 s2, s18  }
0x8e: {  	[smem:$0x3FC6] =	sst s2  }
0x8f: {  	_ = 	snop  }
0x90: {  	s2 =	sld [smem:$0x3FC9]  }
0x91: {  	s19 =	sld [smem:$0x3FC8]  }
0x92: {  	s4 =	sld [smem:$0x3FD0];
	(tm) =	ssettm $0x1  }
0x93: {  	s5 =	sld [smem:$0x3FFB];
	_ =	sdelay $0x3  }
0x94: {  	_ =	strace s5  }
0x95: {  	s5 =	sld [smem:$0x3FFC];
	_ =	sdelay $0x3  }
0x96: {  	_ =	strace s5  }
0x97: {  	s5 =	sld [smem:$0x3FFD];
	_ =	sdelay $0x3  }
0x98: {  	_ =	strace s5  }
0x99: {  	_ =	strace $0x8FFFFFFF  }
0x9a: {  	s20 =	sld [smem:$0x3FDB];
	_ =	sdelay $0x1  }
0x9b: {  	s6 =	simm.s32 $_scs_section_size  }
0x9c: {  	s7 =	simm.s32 $_size__tile_overlayer_lowered;
	s8 =	simm.s32 $_tile_overlayer_lowered  }
0x9d: {  	s23 =	simm.s32 $0x1BFF;
	s22 =	sshll.u32 s8, $0x1;
	s5 =	sadd.s32 s6, s20  }
0x9e: {  	s9 =	simm.s32 $0x0;
	s21 =	sshll.u32 s7, $0x1;
	s7 =	sadd.s32 s22, s5  }
0x9f: {  	[timem:s9], [sflag:s23] =	dma.local [hbm:s7], s21  }
0xa0: {  	_ =	swait.ge [sflag:s23], s21  }
0xa1: {  	s6 =	ssub.s32 $0x0, s21;
	[sflag:s23] =	ssyncset.done $0x0  }
0xa2: {  	[sflag:s23] =	ssyncadd.s32 s6;
	_ =	sdelay $0x1  }
0xa3: {  	s24 =	simm.s32 $0x1B8B  }
0xa4: {  	_ =	swait.ge [sflag:s24], $0x1  }
0xa5: {  	[sflag:s24] =	ssyncset.done $0x0  }
0xa6: {  	s25 =	simm.s32 $0x1B8E;
	[sflag:s24] =	ssyncadd.s32 $0xFFFFFFFF  }
0xa7: {  	s26 =	simm.s32 $execute0_lowered;
	[smem:$0x3FD2] =	sst s25  }
0xa8: {  	s6 =	sshll.u32 s26, $0x1;
	_ =	strace $0x80000046;
	[dreg:$0x1] =	wrdreg $0xFFFFFFFF  }
0xa9: {  	s28 =	simm.s32 $_size_execute0_lowered;
	s5 =	sadd.s32 s5, s6;
	[dreg:$0x0] =	wrdreg $0x0  }
0xaa: {  	s6 =	sshll.u32 s28, $0x1;
	[dreg:$0x2] =	wrdreg s5  }
0xab: {  	[dreg:$0x3] =	wrdreg s6  }
0xac: {  	[dreg:$0x4] =	wrdreg $0xC0  }
0xad: {  	_ =	task [dreg:s9], $0x5FFFF  }
0xae: {  	[dreg:$0x1] =	wrdreg $0xFFFFFFFF  }
0xaf: {  	[dreg:$0x0] =	wrdreg $0x60  }
0xb0: {  	[dreg:$0x2] =	wrdreg s2  }
0xb1: {  	[dreg:$0x3] =	wrdreg s19  }
0xb2: {  	[dreg:$0x4] =	wrdreg s4  }
0xb3: {  	[dreg:$0x5] =	wrdreg $0x9  }
0xb4: {  	_ =	task.clear_ibuf [dreg:s9], $0x6FFFF;
	_ =	strace $0x90000046  }
0xb5: {  	s29 =	simm.s32 $0x9;
	_ =	strace $0x80000048  }
0xb6: {  	_ =	swait.ge [sflag:s29], $0x1  }
0xb7: {  	[sflag:s29] =	ssyncadd.s32 $0xFFFFFFFF  }
0xb8: {  	_ =	strace $0x90000048  }
0xb9: {  	_ =	sfence  }
0xba: {  	s30 =	sld [smem:$0x0];
	_ =	sdelay $0x2  }
0xbb: {  	s31 =	sshll.u32 s1, $0xD;
	s1 =	sshrl.u32 s1, $0x2  }
0xbc: {  	s3 =	sand.u32 $0x4000, s31;
	s1 =	sadd.s32 s1, s30  }
0xbd: {  	s0 =	sor.u32 s3, s0;
	s1 =	sshll.u32 s1, $0x11  }
0xbe: {  	s0 =	sor.u32 s1, s0  }
0xbf: {  	s0 =	sadd.s32 $0x8F2B, s0  }
0xc0: {  	[sflag:s0] =	ssyncadd.remote.s32 $0x1  }
0xc1: {  	_ =	sfence.sel $0xFFFF  }
0xc2: {  	[dreg:$0x0] =	wrdreg $0xFFFFFFFF;
	(pc) =	sbr.abs _section_cstart, $3  }
0xc3: {  	[dreg:$0x1] =	wrdreg $0xFFFFFFFF  }
0xc4: {  	_ =	task.clear_ibuf [dreg:s9], $0x2FFFF;
	_ =	strace $0x9FFFFFFF  }
0xc5: {  	(tm) =	ssettm $0x7FFFFFFF  }
tec
execute0_lowered:
.L_overlay_start_1:
0x0: {  	(tag) =	ssettag $0x1  }
0x1: {  	s5 =	rddreg [dreg:$0x0];
	s1 =	srdreg.scid  }
0x2: {  	s0 =	rddreg [dreg:$0x2];
	s6 =	simm.s32 $0x0;
	s1 =	sand.u32 $0x1, s1  }
0x3: {  	s3 =	stileid.u32;
	[smem:$0x7FF] =	sst s6;
	s2 =	ssub.s32 $0x2, s1  }
0x4: {  	s3 =	sshll.u32 s3, $0x10;
	s1 =	sshll.u32 s1, $0xF;
	s4 =	sshrl.u32 s2, $0x1  }
0x5: {  	_ =	strace $0x80000047;
	s7 =	sor.u32 s1, s3;
	s28 =	ssub.s32 s2, s4  }
0x6: {  	s29 =	sshrl.u32 s7, $0x3;
	[dreg:$0x4] =	wrdreg s7;
	s30 =	sor.u32 $0x400, s7  }
0x7: {  	s3 =	sshll.u32 s7, $0x3;
	s2 =	sadd.s32 s5, s29;
	[dreg:$0x7] =	wrdreg s30  }
0x8: {  	s0 =	sadd.s32 s0, s3;
	[dreg:$0x5] =	wrdreg s2  }
0x9: {  	s31 =	smax.u32 s28, $0x1;
	[dreg:$0x6] =	wrdreg s0  }
0xa: {  	[dreg:$0x8] =	wrdreg s31;
	s2 =	simm.s32 $0x0  }
.LBB2_1:
0xb: {  	[dreg:$0x9] =	wrdreg s2  }
0xc: {  	s0 =	rddreg [dreg:$0x1];
	s30 =	simm.s32 $0x3  }
0xd: {  	[tilespmem:s6], [sflag:$0x3] =	stream.linear.gather [hbm4b:s0+s6], $0x580, $0x38;
	[tilespmem:$0x10980] =	vst v63  }
0xe: {  	_ =	swait.ge [sflag:s30], $0x580  }
0xf: {  	s1 =	simm.s32 $0x580;
	[sflag:s30] =	ssyncset.done $0x0  }
0x10: {  	s18 =	simm.s32 $0x0;
	s31 =	rddreg [dreg:$0x5];
	[sflag:s30] =	ssyncadd.s32 $0xFFFFFA80  }
0x11: {  	[tilespmem:s1], [sflag:$0x1] =	stream.linear.gather [hbm4b:s31+s6], $0x200, $0x38;
	[tilespmem:$0x10980] =	vst v63  }
.LBB2_2:
0x12: {  	s0 =	sshllo.u32 s18, $0x1;
	s1 =	rddreg [dreg:$0x4]  }
0x13: {  	[dreg:$0xa] =	wrdreg s0;
	s0 =	sshll.u32 s0, $0x9  }
0x14: {  	s0 =	sadd.s32 s1, s0  }
0x15: {  	s17 =	rddreg [dreg:$0x0];
	s0 =	sshrl.u32 s0, $0x3  }
0x16: {  	s19 =	simm.s32 $0x780;
	s20 =	simm.s32 $0x1;
	s0 =	sadd.s32 s17, s0  }
0x17: {  	[tilespmem:s19], [sflag:$0x1] =	stream.linear.gather [hbm4b:s0+s6], $0x200, $0x38;
	[tilespmem:$0x10980] =	vst v63  }
0x18: {  	_ =	swait.ge [sflag:s20], $0x200  }
0x19: {  	p0 =	seq.s32 s18, $0x0;
	[sflag:s20] =	ssyncset.done $0x0  }
0x1a: {  	s0 =	simm.s32 @!p0 $0x2;
	[sflag:s20] =	ssyncadd.s32 $0xFFFFFE00  }
0x1b: {  	_ =	swait.ge @!p0 [sflag:s0], $0x8000  }
0x1c: {  	[sflag:s0] =	ssyncset.done @!p0 $0x0  }
0x1d: {  	s21 =	simm.s32 $0x0;
	[sflag:s0] =	ssyncadd.s32 @!p0 $0xFFFF8000  }
0x1e: {  	v0 =	vld [tilespmem:s21+$0x580];
	_ =	sdelay $0x4  }
0x1f: {  	v0 =	vshll.u32 v0, $0x8  }
0x20: {  	v5 =	vshra.s32 v0, $0x2  }
0x21: {  	(v2sf) =	vpush v5, $0x0;
	_ =	sdelay $0xe  }
0x22: {  	s22 =	spop (v2sf)  }
0x23: {  	v0 =	vld [tilespmem:s22+$0x0];
	_ =	sdelay $0x3  }
0x24: {  	s25 =	simm.s32 $0xB80  }
0x25: {  	[tilespmem:s25+$0xFFFFFE00] =	vst v0  }
0x26: {  	v0 =	vld [tilespmem:s22+$0x10];
	_ =	sdelay $0x1  }
0x27: {  	(v2sf) =	vpush v5, $0x1;
	_ =	sdelay $0x2  }
0x28: {  	[tilespmem:s25+$0xFFFFFE10] =	vst v0  }
0x29: {  	v0 =	vld [tilespmem:s22+$0x20];
	_ =	sdelay $0x4  }
0x2a: {  	[tilespmem:s25+$0xFFFFFE20] =	vst v0  }
0x2b: {  	v0 =	vld [tilespmem:s22+$0x30];
	_ =	sdelay $0x4  }
0x2c: {  	s23 =	spop (v2sf);
	[tilespmem:s25+$0xFFFFFE30] =	vst v0  }
0x2d: {  	v0 =	vld [tilespmem:s23+$0x0];
	_ =	sdelay $0x4  }
0x2e: {  	[tilespmem:s25+$0xFFFFFE40] =	vst v0  }
0x2f: {  	v0 =	vld [tilespmem:s23+$0x10];
	_ =	sdelay $0x1  }
0x30: {  	(v2sf) =	vpush v5, $0x2;
	_ =	sdelay $0x2  }
0x31: {  	[tilespmem:s25+$0xFFFFFE50] =	vst v0  }
0x32: {  	v0 =	vld [tilespmem:s23+$0x20];
	_ =	sdelay $0x3  }
0x33: {  	s24 =	simm.s32 $0x10  }
0x34: {  	v1 =	vld [tilespmem:s24+$0x580];
	[tilespmem:s25+$0xFFFFFE60] =	vst v0  }
0x35: {  	v0 =	vld [tilespmem:s23+$0x30];
	_ =	sdelay $0x4  }
0x36: {  	v1 =	vshll.u32 v1, $0x8;
	s26 =	spop (v2sf);
	[tilespmem:s25+$0xFFFFFE70] =	vst v0  }
0x37: {  	v1 =	vshra.s32 v1, $0x2;
	v0 =	vld [tilespmem:s26+$0x0]  }
0x38: {  	(v2sf) =	vpush v1, $0x0;
	_ =	sdelay $0x3  }
0x39: {  	[tilespmem:s25+$0xFFFFFE80] =	vst v0  }
0x3a: {  	v0 =	vld [tilespmem:s26+$0x10];
	_ =	sdelay $0x1  }
0x3b: {  	(v2sf) =	vpush v5, $0x3;
	_ =	sdelay $0x2  }
0x3c: {  	[tilespmem:s25+$0xFFFFFE90] =	vst v0  }
0x3d: {  	v0 =	vld [tilespmem:s26+$0x20];
	_ =	sdelay $0x3  }
0x3e: {  	s28 =	spop (v2sf)  }
0x3f: {  	v2 =	vld [tilespmem:s28+$0x0];
	[tilespmem:s25+$0xFFFFFEA0] =	vst v0  }
0x40: {  	v0 =	vld [tilespmem:s26+$0x30];
	_ =	sdelay $0x2  }
0x41: {  	s20 =	simm.s32 $0xF80  }
0x42: {  	[tilespmem:s20+$0xFFFFFE00] =	vst v2  }
0x43: {  	v2 =	vld [tilespmem:s28+$0x10];
	s29 =	spop (v2sf);
	[tilespmem:s25+$0xFFFFFEB0] =	vst v0  }
0x44: {  	v0 =	vld [tilespmem:s29+$0x0]  }
0x45: {  	(v2sf) =	vpush v1, $0x1;
	_ =	sdelay $0x2  }
0x46: {  	[tilespmem:s20+$0xFFFFFE10] =	vst v2  }
0x47: {  	v2 =	vld [tilespmem:s28+$0x20];
	[tilespmem:s25+$0xFFFFFEC0] =	vst v0  }
0x48: {  	v0 =	vld [tilespmem:s29+$0x10];
	_ =	sdelay $0x1  }
0x49: {  	(v2sf) =	vpush v5, $0x4;
	_ =	sdelay $0x1  }
0x4a: {  	[tilespmem:s20+$0xFFFFFE20] =	vst v2  }
0x4b: {  	v2 =	vld [tilespmem:s28+$0x30];
	[tilespmem:s25+$0xFFFFFED0] =	vst v0  }
0x4c: {  	v0 =	vld [tilespmem:s29+$0x20];
	_ =	sdelay $0x3  }
0x4d: {  	s30 =	spop (v2sf);
	[tilespmem:s20+$0xFFFFFE30] =	vst v2  }
0x4e: {  	v2 =	vld [tilespmem:s30+$0x0];
	[tilespmem:s25+$0xFFFFFEE0] =	vst v0  }
0x4f: {  	v0 =	vld [tilespmem:s29+$0x30];
	_ =	sdelay $0x3  }
0x50: {  	[tilespmem:s20+$0xFFFFFE40] =	vst v2  }
0x51: {  	s31 =	spop (v2sf);
	v2 =	vld [tilespmem:s30+$0x10];
	[tilespmem:s25+$0xFFFFFEF0] =	vst v0  }
0x52: {  	v0 =	vld [tilespmem:s31+$0x0]  }
0x53: {  	(v2sf) =	vpush v1, $0x2;
	_ =	sdelay $0x2  }
0x54: {  	[tilespmem:s20+$0xFFFFFE50] =	vst v2  }
0x55: {  	v2 =	vld [tilespmem:s30+$0x20];
	[tilespmem:s25+$0xFFFFFF00] =	vst v0  }
0x56: {  	v0 =	vld [tilespmem:s31+$0x10];
	_ =	sdelay $0x1  }
0x57: {  	(v2sf) =	vpush v5, $0x5  }
0x58: {  	s2 =	simm.s32 $0x20  }
0x59: {  	v3 =	vld [tilespmem:s2+$0x580];
	[tilespmem:s20+$0xFFFFFE60] =	vst v2  }
0x5a: {  	v2 =	vld [tilespmem:s30+$0x30];
	[tilespmem:s25+$0xFFFFFF10] =	vst v0  }
0x5b: {  	v4 =	vld [tilespmem:s31+$0x20];
	_ =	sdelay $0x3  }
0x5c: {  	s2 =	spop (v2sf);
	[tilespmem:s20+$0xFFFFFE70] =	vst v2;
	v0 =	vshll.u32 v3, $0x8  }
0x5d: {  	v2 =	vld [tilespmem:s2+$0x0];
	v0 =	vshra.s32 v0, $0x2;
	[tilespmem:s25+$0xFFFFFF20] =	vst v4  }
0x5e: {  	(v2sf) =	vpush v0, $0x0;
	v3 =	vld [tilespmem:s31+$0x30];
	_ =	sdelay $0x3  }
0x5f: {  	[tilespmem:s20+$0xFFFFFE80] =	vst v2  }
0x60: {  	s3 =	spop (v2sf);
	v2 =	vld [tilespmem:s2+$0x10];
	[tilespmem:s25+$0xFFFFFF30] =	vst v3  }
0x61: {  	v3 =	vld [tilespmem:s3+$0x0]  }
0x62: {  	(v2sf) =	vpush v1, $0x3;
	_ =	sdelay $0x2  }
0x63: {  	[tilespmem:s20+$0xFFFFFE90] =	vst v2  }
0x64: {  	v2 =	vld [tilespmem:s2+$0x20];
	[tilespmem:s25+$0xFFFFFF40] =	vst v3  }
0x65: {  	v3 =	vld [tilespmem:s3+$0x10];
	_ =	sdelay $0x1  }
0x66: {  	(v2sf) =	vpush v5, $0x6  }
0x67: {  	s4 =	spop (v2sf)  }
0x68: {  	[tilespmem:s20+$0xFFFFFEA0] =	vst v2;
	v4 =	vld [tilespmem:s4+$0x0]  }
0x69: {  	v2 =	vld [tilespmem:s2+$0x30];
	[tilespmem:s25+$0xFFFFFF50] =	vst v3  }
0x6a: {  	v3 =	vld [tilespmem:s3+$0x20];
	_ =	sdelay $0x1  }
0x6b: {  	s21 =	simm.s32 $0x1380  }
0x6c: {  	[tilespmem:s21+$0xFFFFFE00] =	vst v4  }
0x6d: {  	s5 =	spop (v2sf);
	[tilespmem:s20+$0xFFFFFEB0] =	vst v2;
	v4 =	vld [tilespmem:s4+$0x10]  }
0x6e: {  	v2 =	vld [tilespmem:s5+$0x0];
	[tilespmem:s25+$0xFFFFFF60] =	vst v3  }
0x6f: {  	(v2sf) =	vpush v0, $0x1;
	v3 =	vld [tilespmem:s3+$0x30];
	_ =	sdelay $0x2  }
0x70: {  	[tilespmem:s21+$0xFFFFFE10] =	vst v4  }
0x71: {  	[tilespmem:s20+$0xFFFFFEC0] =	vst v2;
	v4 =	vld [tilespmem:s4+$0x20]  }
0x72: {  	s6 =	spop (v2sf);
	v2 =	vld [tilespmem:s5+$0x10];
	[tilespmem:s25+$0xFFFFFF70] =	vst v3  }
0x73: {  	v3 =	vld [tilespmem:s6+$0x0]  }
0x74: {  	(v2sf) =	vpush v1, $0x4;
	_ =	sdelay $0x1  }
0x75: {  	[tilespmem:s21+$0xFFFFFE20] =	vst v4  }
0x76: {  	[tilespmem:s20+$0xFFFFFED0] =	vst v2;
	v4 =	vld [tilespmem:s4+$0x30]  }
0x77: {  	v2 =	vld [tilespmem:s5+$0x20];
	[tilespmem:s25+$0xFFFFFF80] =	vst v3  }
0x78: {  	v3 =	vld [tilespmem:s6+$0x10];
	_ =	sdelay $0x1  }
0x79: {  	(v2sf) =	vpush v5, $0x7  }
0x7a: {  	s7 =	spop (v2sf);
	[tilespmem:s21+$0xFFFFFE30] =	vst v4  }
0x7b: {  	[tilespmem:s20+$0xFFFFFEE0] =	vst v2;
	v4 =	vld [tilespmem:s7+$0x0]  }
0x7c: {  	v2 =	vld [tilespmem:s5+$0x30];
	[tilespmem:s25+$0xFFFFFF90] =	vst v3  }
0x7d: {  	v3 =	vld [tilespmem:s6+$0x20];
	_ =	sdelay $0x2  }
0x7e: {  	[tilespmem:s21+$0xFFFFFE40] =	vst v4  }
0x7f: {  	s8 =	spop (v2sf);
	[tilespmem:s20+$0xFFFFFEF0] =	vst v2;
	v4 =	vld [tilespmem:s7+$0x10]  }
0x80: {  	v2 =	vld [tilespmem:s8+$0x0];
	[tilespmem:s25+$0xFFFFFFA0] =	vst v3  }
0x81: {  	(v2sf) =	vpush v0, $0x2;
	v3 =	vld [tilespmem:s6+$0x30];
	_ =	sdelay $0x2  }
0x82: {  	[tilespmem:s21+$0xFFFFFE50] =	vst v4  }
0x83: {  	[tilespmem:s20+$0xFFFFFF00] =	vst v2;
	v4 =	vld [tilespmem:s7+$0x20]  }
0x84: {  	s9 =	spop (v2sf);
	v2 =	vld [tilespmem:s8+$0x10];
	[tilespmem:s25+$0xFFFFFFB0] =	vst v3  }
0x85: {  	v3 =	vld [tilespmem:s9+$0x0]  }
0x86: {  	(v2sf) =	vpush v1, $0x5  }
0x87: {  	s3 =	simm.s32 $0x30  }
0x88: {  	v6 =	vld [tilespmem:s3+$0x580];
	[tilespmem:s21+$0xFFFFFE60] =	vst v4  }
0x89: {  	[tilespmem:s20+$0xFFFFFF10] =	vst v2;
	v4 =	vld [tilespmem:s7+$0x30]  }
0x8a: {  	v7 =	vld [tilespmem:s8+$0x20];
	[tilespmem:s25+$0xFFFFFFC0] =	vst v3  }
0x8b: {  	v3 =	vld [tilespmem:s9+$0x10];
	_ =	sdelay $0x1  }
0x8c: {  	(v2sf) =	vpush v5, $0x8  }
0x8d: {  	s10 =	spop (v2sf);
	v2 =	vshll.u32 v6, $0x8;
	[tilespmem:s21+$0xFFFFFE70] =	vst v4  }
0x8e: {  	v2 =	vshra.s32 v2, $0x2;
	[tilespmem:s20+$0xFFFFFF20] =	vst v7;
	v4 =	vld [tilespmem:s10+$0x0]  }
0x8f: {  	(v2sf) =	vpush v2, $0x0;
	v6 =	vld [tilespmem:s8+$0x30];
	[tilespmem:s25+$0xFFFFFFD0] =	vst v3  }
0x90: {  	v3 =	vld [tilespmem:s9+$0x20];
	_ =	sdelay $0x2  }
0x91: {  	[tilespmem:s21+$0xFFFFFE80] =	vst v4  }
0x92: {  	s11 =	spop (v2sf);
	[tilespmem:s20+$0xFFFFFF30] =	vst v6;
	v4 =	vld [tilespmem:s10+$0x10]  }
0x93: {  	v6 =	vld [tilespmem:s11+$0x0];
	[tilespmem:s25+$0xFFFFFFE0] =	vst v3  }
0x94: {  	(v2sf) =	vpush v0, $0x3;
	v3 =	vld [tilespmem:s9+$0x30];
	_ =	sdelay $0x2  }
0x95: {  	[tilespmem:s21+$0xFFFFFE90] =	vst v4  }
0x96: {  	[tilespmem:s20+$0xFFFFFF40] =	vst v6;
	v4 =	vld [tilespmem:s10+$0x20]  }
0x97: {  	s12 =	spop (v2sf);
	v6 =	vld [tilespmem:s11+$0x10];
	[tilespmem:s25+$0xFFFFFFF0] =	vst v3  }
0x98: {  	v3 =	vld [tilespmem:s12+$0x0]  }
0x99: {  	(v2sf) =	vpush v1, $0x6  }
0x9a: {  	s13 =	spop (v2sf)  }
0x9b: {  	v7 =	vld [tilespmem:s13+$0x0];
	[tilespmem:s21+$0xFFFFFEA0] =	vst v4  }
0x9c: {  	[tilespmem:s20+$0xFFFFFF50] =	vst v6;
	v4 =	vld [tilespmem:s10+$0x30]  }
0x9d: {  	v6 =	vld [tilespmem:s11+$0x20];
	[tilespmem:s25+$0x0] =	vst v3  }
0x9e: {  	v3 =	vld [tilespmem:s12+$0x10]  }
0x9f: {  	s22 =	simm.s32 $0x1780  }
0xa0: {  	(v2sf) =	vpush v5, $0x9;
	[tilespmem:s22+$0xFFFFFE00] =	vst v7  }
0xa1: {  	s14 =	spop (v2sf);
	v7 =	vld [tilespmem:s13+$0x10];
	[tilespmem:s21+$0xFFFFFEB0] =	vst v4  }
0xa2: {  	[tilespmem:s20+$0xFFFFFF60] =	vst v6;
	v4 =	vld [tilespmem:s14+$0x0]  }
0xa3: {  	(v2sf) =	vpush v2, $0x1;
	v6 =	vld [tilespmem:s11+$0x30];
	[tilespmem:s25+$0x10] =	vst v3  }
0xa4: {  	v3 =	vld [tilespmem:s12+$0x20];
	_ =	sdelay $0x1  }
0xa5: {  	[tilespmem:s22+$0xFFFFFE10] =	vst v7  }
0xa6: {  	v7 =	vld [tilespmem:s13+$0x20];
	[tilespmem:s21+$0xFFFFFEC0] =	vst v4  }
0xa7: {  	s15 =	spop (v2sf);
	[tilespmem:s20+$0xFFFFFF70] =	vst v6;
	v4 =	vld [tilespmem:s14+$0x10]  }
0xa8: {  	v6 =	vld [tilespmem:s15+$0x0];
	[tilespmem:s25+$0x20] =	vst v3  }
0xa9: {  	(v2sf) =	vpush v0, $0x4;
	v3 =	vld [tilespmem:s12+$0x30];
	_ =	sdelay $0x1  }
0xaa: {  	[tilespmem:s22+$0xFFFFFE20] =	vst v7  }
0xab: {  	v7 =	vld [tilespmem:s13+$0x30];
	[tilespmem:s21+$0xFFFFFED0] =	vst v4  }
0xac: {  	[tilespmem:s20+$0xFFFFFF80] =	vst v6;
	v4 =	vld [tilespmem:s14+$0x20]  }
0xad: {  	s16 =	spop (v2sf);
	v6 =	vld [tilespmem:s15+$0x10];
	[tilespmem:s25+$0x30] =	vst v3  }
0xae: {  	v3 =	vld [tilespmem:s16+$0x0]  }
0xaf: {  	(v2sf) =	vpush v1, $0x7  }
0xb0: {  	s17 =	spop (v2sf);
	[tilespmem:s22+$0xFFFFFE30] =	vst v7  }
0xb1: {  	v7 =	vld [tilespmem:s17+$0x0];
	[tilespmem:s21+$0xFFFFFEE0] =	vst v4  }
0xb2: {  	[tilespmem:s20+$0xFFFFFF90] =	vst v6;
	v4 =	vld [tilespmem:s14+$0x30]  }
0xb3: {  	v6 =	vld [tilespmem:s15+$0x20];
	[tilespmem:s25+$0x40] =	vst v3  }
0xb4: {  	v3 =	vld [tilespmem:s16+$0x10];
	_ =	sdelay $0x1  }
0xb5: {  	(v2sf) =	vpush v5, $0xA;
	[tilespmem:s22+$0xFFFFFE40] =	vst v7  }
0xb6: {  	s19 =	spop (v2sf);
	v7 =	vld [tilespmem:s17+$0x10];
	[tilespmem:s21+$0xFFFFFEF0] =	vst v4  }
0xb7: {  	[tilespmem:s20+$0xFFFFFFA0] =	vst v6;
	v4 =	vld [tilespmem:s19+$0x0]  }
0xb8: {  	(v2sf) =	vpush v2, $0x2;
	v6 =	vld [tilespmem:s15+$0x30];
	[tilespmem:s25+$0x50] =	vst v3  }
0xb9: {  	v3 =	vld [tilespmem:s16+$0x20];
	_ =	sdelay $0x1  }
0xba: {  	[tilespmem:s22+$0xFFFFFE50] =	vst v7  }
0xbb: {  	v7 =	vld [tilespmem:s17+$0x20];
	[tilespmem:s21+$0xFFFFFF00] =	vst v4  }
0xbc: {  	s23 =	spop (v2sf);
	[tilespmem:s20+$0xFFFFFFB0] =	vst v6;
	v4 =	vld [tilespmem:s19+$0x10]  }
0xbd: {  	v6 =	vld [tilespmem:s23+$0x0];
	[tilespmem:s25+$0x60] =	vst v3  }
0xbe: {  	(v2sf) =	vpush v0, $0x5;
	v3 =	vld [tilespmem:s16+$0x30]  }
0xbf: {  	s24 =	simm.s32 $0x40  }
0xc0: {  	v8 =	vld [tilespmem:s24+$0x580];
	[tilespmem:s22+$0xFFFFFE60] =	vst v7  }
0xc1: {  	v7 =	vld [tilespmem:s17+$0x30];
	[tilespmem:s21+$0xFFFFFF10] =	vst v4  }
0xc2: {  	[tilespmem:s20+$0xFFFFFFC0] =	vst v6;
	v4 =	vld [tilespmem:s19+$0x20]  }
0xc3: {  	s26 =	spop (v2sf);
	v6 =	vld [tilespmem:s23+$0x10];
	[tilespmem:s25+$0x70] =	vst v3  }
0xc4: {  	v9 =	vld [tilespmem:s26+$0x0]  }
0xc5: {  	(v2sf) =	vpush v1, $0x8  }
0xc6: {  	s28 =	spop (v2sf);
	[tilespmem:s22+$0xFFFFFE70] =	vst v7;
	v3 =	vshll.u32 v8, $0x8  }
0xc7: {  	v7 =	vld [tilespmem:s28+$0x0];
	[tilespmem:s21+$0xFFFFFF20] =	vst v4;
	v3 =	vshra.s32 v3, $0x2  }
0xc8: {  	[tilespmem:s20+$0xFFFFFFD0] =	vst v6;
	v4 =	vld [tilespmem:s19+$0x30];
	(v2sf) =	vpush v3, $0x0  }
0xc9: {  	v6 =	vld [tilespmem:s23+$0x20];
	[tilespmem:s25+$0x80] =	vst v9  }
0xca: {  	v8 =	vld [tilespmem:s26+$0x10];
	_ =	sdelay $0x1  }
0xcb: {  	[tilespmem:s22+$0xFFFFFE80] =	vst v7;
	(v2sf) =	vpush v5, $0xB  }
0xcc: {  	s29 =	spop (v2sf);
	v7 =	vld [tilespmem:s28+$0x10];
	[tilespmem:s21+$0xFFFFFF30] =	vst v4  }
0xcd: {  	[tilespmem:s20+$0xFFFFFFE0] =	vst v6;
	v4 =	vld [tilespmem:s29+$0x0]  }
0xce: {  	v6 =	vld [tilespmem:s23+$0x30];
	(v2sf) =	vpush v2, $0x3;
	[tilespmem:s25+$0x90] =	vst v8  }
0xcf: {  	v8 =	vld [tilespmem:s26+$0x20];
	_ =	sdelay $0x1  }
0xd0: {  	[tilespmem:s22+$0xFFFFFE90] =	vst v7  }
0xd1: {  	v7 =	vld [tilespmem:s28+$0x20];
	[tilespmem:s21+$0xFFFFFF40] =	vst v4  }
0xd2: {  	s30 =	spop (v2sf);
	[tilespmem:s20+$0xFFFFFFF0] =	vst v6;
	v4 =	vld [tilespmem:s29+$0x10]  }
0xd3: {  	v6 =	vld [tilespmem:s30+$0x0];
	[tilespmem:s25+$0xA0] =	vst v8  }
0xd4: {  	(v2sf) =	vpush v0, $0x6;
	v8 =	vld [tilespmem:s26+$0x30]  }
0xd5: {  	s31 =	spop (v2sf)  }
0xd6: {  	[tilespmem:s22+$0xFFFFFEA0] =	vst v7;
	v9 =	vld [tilespmem:s31+$0x0]  }
0xd7: {  	v7 =	vld [tilespmem:s28+$0x30];
	[tilespmem:s21+$0xFFFFFF50] =	vst v4  }
0xd8: {  	[tilespmem:s20+$0x0] =	vst v6;
	v4 =	vld [tilespmem:s29+$0x20]  }
0xd9: {  	v6 =	vld [tilespmem:s30+$0x10];
	s5 =	spop (v2sf);
	[tilespmem:s25+$0xB0] =	vst v8  }
0xda: {  	s23 =	simm.s32 $0x1B80;
	v8 =	vld [tilespmem:s5+$0x0]  }
0xdb: {  	(v2sf) =	vpush v1, $0x9;
	[tilespmem:s23+$0xFFFFFE00] =	vst v9  }
0xdc: {  	[tilespmem:s22+$0xFFFFFEB0] =	vst v7;
	s4 =	spop (v2sf);
	v9 =	vld [tilespmem:s31+$0x10]  }
0xdd: {  	v7 =	vld [tilespmem:s4+$0x0];
	[tilespmem:s21+$0xFFFFFF60] =	vst v4  }
0xde: {  	(v2sf) =	vpush v3, $0x1;
	[tilespmem:s20+$0x10] =	vst v6;
	v4 =	vld [tilespmem:s29+$0x30]  }
0xdf: {  	v6 =	vld [tilespmem:s30+$0x20];
	[tilespmem:s25+$0xC0] =	vst v8  }
0xe0: {  	v8 =	vld [tilespmem:s5+$0x10]  }
0xe1: {  	[tilespmem:s23+$0xFFFFFE10] =	vst v9  }
0xe2: {  	(v2sf) =	vpush v5, $0xC;
	[tilespmem:s22+$0xFFFFFEC0] =	vst v7;
	v9 =	vld [tilespmem:s31+$0x20]  }
0xe3: {  	s6 =	spop (v2sf);
	v7 =	vld [tilespmem:s4+$0x10];
	[tilespmem:s21+$0xFFFFFF70] =	vst v4  }
0xe4: {  	[tilespmem:s20+$0x20] =	vst v6;
	v4 =	vld [tilespmem:s6+$0x0]  }
0xe5: {  	(v2sf) =	vpush v2, $0x4;
	v6 =	vld [tilespmem:s30+$0x30];
	[tilespmem:s25+$0xD0] =	vst v8  }
0xe6: {  	v8 =	vld [tilespmem:s5+$0x20]  }
0xe7: {  	[tilespmem:s23+$0xFFFFFE20] =	vst v9  }
0xe8: {  	[tilespmem:s22+$0xFFFFFED0] =	vst v7;
	v9 =	vld [tilespmem:s31+$0x30]  }
0xe9: {  	v7 =	vld [tilespmem:s4+$0x20];
	[tilespmem:s21+$0xFFFFFF80] =	vst v4  }
0xea: {  	[tilespmem:s20+$0x30] =	vst v6;
	s7 =	spop (v2sf);
	v4 =	vld [tilespmem:s6+$0x10]  }
0xeb: {  	v6 =	vld [tilespmem:s7+$0x0];
	[tilespmem:s25+$0xE0] =	vst v8  }
0xec: {  	(v2sf) =	vpush v0, $0x7;
	v8 =	vld [tilespmem:s5+$0x30]  }
0xed: {  	s8 =	spop (v2sf);
	[tilespmem:s23+$0xFFFFFE30] =	vst v9  }
0xee: {  	[tilespmem:s22+$0xFFFFFEE0] =	vst v7;
	v9 =	vld [tilespmem:s8+$0x0]  }
0xef: {  	v7 =	vld [tilespmem:s4+$0x30];
	[tilespmem:s21+$0xFFFFFF90] =	vst v4  }
0xf0: {  	[tilespmem:s20+$0x40] =	vst v6;
	v4 =	vld [tilespmem:s6+$0x20]  }
0xf1: {  	s9 =	spop (v2sf);
	v6 =	vld [tilespmem:s7+$0x10];
	[tilespmem:s25+$0xF0] =	vst v8  }
0xf2: {  	v8 =	vld [tilespmem:s9+$0x0]  }
0xf3: {  	(v2sf) =	vpush v1, $0xA;
	[tilespmem:s23+$0xFFFFFE40] =	vst v9  }
0xf4: {  	s10 =	spop (v2sf);
	[tilespmem:s22+$0xFFFFFEF0] =	vst v7;
	v9 =	vld [tilespmem:s8+$0x10]  }
0xf5: {  	v7 =	vld [tilespmem:s10+$0x0];
	[tilespmem:s21+$0xFFFFFFA0] =	vst v4  }
0xf6: {  	(v2sf) =	vpush v3, $0x2;
	[tilespmem:s20+$0x50] =	vst v6;
	v4 =	vld [tilespmem:s6+$0x30]  }
0xf7: {  	v6 =	vld [tilespmem:s7+$0x20];
	[tilespmem:s25+$0x100] =	vst v8  }
0xf8: {  	v8 =	vld [tilespmem:s9+$0x10]  }
0xf9: {  	[tilespmem:s23+$0xFFFFFE50] =	vst v9  }
0xfa: {  	(v2sf) =	vpush v5, $0xD;
	[tilespmem:s22+$0xFFFFFF00] =	vst v7;
	v9 =	vld [tilespmem:s8+$0x20]  }
0xfb: {  	s11 =	spop (v2sf);
	v7 =	vld [tilespmem:s10+$0x10];
	[tilespmem:s21+$0xFFFFFFB0] =	vst v4  }
0xfc: {  	[tilespmem:s20+$0x60] =	vst v6;
	v4 =	vld [tilespmem:s11+$0x0]  }
0xfd: {  	(v2sf) =	vpush v2, $0x5;
	v6 =	vld [tilespmem:s7+$0x30];
	[tilespmem:s25+$0x110] =	vst v8  }
0xfe: {  	s12 =	simm.s32 $0x50;
	v8 =	vld [tilespmem:s9+$0x20]  }
0xff: {  	v10 =	vld [tilespmem:s12+$0x580];
	[tilespmem:s23+$0xFFFFFE60] =	vst v9  }
0x100: {  	[tilespmem:s22+$0xFFFFFF10] =	vst v7;
	v9 =	vld [tilespmem:s8+$0x30]  }
0x101: {  	v7 =	vld [tilespmem:s10+$0x20];
	[tilespmem:s21+$0xFFFFFFC0] =	vst v4  }
0x102: {  	s13 =	spop (v2sf);
	[tilespmem:s20+$0x70] =	vst v6;
	v11 =	vld [tilespmem:s11+$0x10]  }
0x103: {  	v6 =	vld [tilespmem:s13+$0x0];
	[tilespmem:s25+$0x120] =	vst v8  }
0x104: {  	(v2sf) =	vpush v0, $0x8;
	v8 =	vld [tilespmem:s9+$0x30]  }
0x105: {  	s14 =	spop (v2sf);
	v4 =	vshll.u32 v10, $0x8;
	[tilespmem:s23+$0xFFFFFE70] =	vst v9  }
0x106: {  	v4 =	vshra.s32 v4, $0x2;
	[tilespmem:s22+$0xFFFFFF20] =	vst v7;
	v9 =	vld [tilespmem:s14+$0x0]  }
0x107: {  	(v2sf) =	vpush v4, $0x0;
	v7 =	vld [tilespmem:s10+$0x30];
	[tilespmem:s21+$0xFFFFFFD0] =	vst v11  }
0x108: {  	[tilespmem:s20+$0x80] =	vst v6;
	v10 =	vld [tilespmem:s11+$0x20]  }
0x109: {  	s15 =	spop (v2sf);
	v6 =	vld [tilespmem:s13+$0x10];
	[tilespmem:s25+$0x130] =	vst v8  }
0x10a: {  	v8 =	vld [tilespmem:s15+$0x0]  }
0x10b: {  	(v2sf) =	vpush v1, $0xB;
	[tilespmem:s23+$0xFFFFFE80] =	vst v9  }
0x10c: {  	s16 =	spop (v2sf);
	[tilespmem:s22+$0xFFFFFF30] =	vst v7;
	v9 =	vld [tilespmem:s14+$0x10]  }
0x10d: {  	v7 =	vld [tilespmem:s16+$0x0];
	[tilespmem:s21+$0xFFFFFFE0] =	vst v10  }
0x10e: {  	(v2sf) =	vpush v3, $0x3;
	[tilespmem:s20+$0x90] =	vst v6;
	v10 =	vld [tilespmem:s11+$0x30]  }
0x10f: {  	v11 =	vld [tilespmem:s13+$0x20];
	[tilespmem:s25+$0x140] =	vst v8  }
0x110: {  	s17 =	simm.s32 $0x60;
	v8 =	vld [tilespmem:s15+$0x10]  }
0x111: {  	v6 =	vld [tilespmem:s17+$0x580];
	[tilespmem:s23+$0xFFFFFE90] =	vst v9  }
0x112: {  	(v2sf) =	vpush v5, $0xE;
	[tilespmem:s22+$0xFFFFFF40] =	vst v7;
	v9 =	vld [tilespmem:s14+$0x20]  }
0x113: {  	s19 =	spop (v2sf);
	v7 =	vld [tilespmem:s16+$0x10];
	[tilespmem:s21+$0xFFFFFFF0] =	vst v10  }
0x114: {  	[tilespmem:s20+$0xA0] =	vst v11;
	v10 =	vld [tilespmem:s19+$0x0]  }
0x115: {  	(v2sf) =	vpush v2, $0x6;
	v11 =	vld [tilespmem:s13+$0x30];
	[tilespmem:s25+$0x150] =	vst v8  }
0x116: {  	s26 =	spop (v2sf);
	v8 =	vld [tilespmem:s15+$0x20]  }
0x117: {  	v12 =	vld [tilespmem:s26+$0x0];
	[tilespmem:s23+$0xFFFFFEA0] =	vst v9  }
0x118: {  	[tilespmem:s22+$0xFFFFFF50] =	vst v7;
	v9 =	vld [tilespmem:s14+$0x30]  }
0x119: {  	v7 =	vld [tilespmem:s16+$0x20];
	[tilespmem:s21+$0x0] =	vst v10  }
0x11a: {  	s28 =	spop (v2sf);
	[tilespmem:s20+$0xB0] =	vst v11;
	v10 =	vld [tilespmem:s19+$0x10]  }
0x11b: {  	s24 =	simm.s32 $0x1F80;
	v11 =	vld [tilespmem:s28+$0x0];
	[tilespmem:s25+$0x160] =	vst v8  }
0x11c: {  	(v2sf) =	vpush v0, $0x9;
	[tilespmem:s24+$0xFFFFFE00] =	vst v12;
	v8 =	vld [tilespmem:s15+$0x30]  }
0x11d: {  	s29 =	spop (v2sf);
	v12 =	vld [tilespmem:s26+$0x10];
	[tilespmem:s23+$0xFFFFFEB0] =	vst v9  }
0x11e: {  	[tilespmem:s22+$0xFFFFFF60] =	vst v7;
	v9 =	vld [tilespmem:s29+$0x0]  }
0x11f: {  	(v2sf) =	vpush v4, $0x1;
	v7 =	vld [tilespmem:s16+$0x30];
	[tilespmem:s21+$0x10] =	vst v10  }
0x120: {  	[tilespmem:s20+$0xC0] =	vst v11;
	v10 =	vld [tilespmem:s19+$0x20]  }
0x121: {  	s30 =	spop (v2sf);
	v11 =	vld [tilespmem:s28+$0x10];
	[tilespmem:s25+$0x170] =	vst v8  }
0x122: {  	[tilespmem:s24+$0xFFFFFE10] =	vst v12;
	v8 =	vld [tilespmem:s30+$0x0]  }
0x123: {  	(v2sf) =	vpush v1, $0xC;
	v12 =	vld [tilespmem:s26+$0x20];
	[tilespmem:s23+$0xFFFFFEC0] =	vst v9  }
0x124: {  	s7 =	spop (v2sf);
	[tilespmem:s22+$0xFFFFFF70] =	vst v7;
	v9 =	vld [tilespmem:s29+$0x10]  }
0x125: {  	v7 =	vld [tilespmem:s7+$0x0];
	[tilespmem:s21+$0x20] =	vst v10  }
0x126: {  	(v2sf) =	vpush v3, $0x4;
	[tilespmem:s20+$0xD0] =	vst v11;
	v10 =	vld [tilespmem:s19+$0x30]  }
0x127: {  	v11 =	vld [tilespmem:s28+$0x20];
	[tilespmem:s25+$0x180] =	vst v8  }
0x128: {  	[tilespmem:s24+$0xFFFFFE20] =	vst v12;
	v8 =	vld [tilespmem:s30+$0x10]  }
0x129: {  	v12 =	vld [tilespmem:s26+$0x30];
	[tilespmem:s23+$0xFFFFFED0] =	vst v9  }
0x12a: {  	(v2sf) =	vpush v5, $0xF;
	[tilespmem:s22+$0xFFFFFF80] =	vst v7;
	v9 =	vld [tilespmem:s29+$0x20]  }
0x12b: {  	s31 =	spop (v2sf);
	v5 =	vld [tilespmem:s7+$0x10];
	[tilespmem:s21+$0x30] =	vst v10  }
0x12c: {  	(v2sf) =	vpush v2, $0x7;
	[tilespmem:s20+$0xE0] =	vst v11;
	v7 =	vld [tilespmem:s31+$0x0]  }
0x12d: {  	v10 =	vld [tilespmem:s28+$0x30];
	[tilespmem:s25+$0x190] =	vst v8  }
0x12e: {  	s5 =	spop (v2sf);
	[tilespmem:s24+$0xFFFFFE30] =	vst v12;
	v8 =	vld [tilespmem:s30+$0x20]  }
0x12f: {  	v11 =	vld [tilespmem:s5+$0x0];
	[tilespmem:s23+$0xFFFFFEE0] =	vst v9  }
0x130: {  	[tilespmem:s22+$0xFFFFFF90] =	vst v5;
	v9 =	vld [tilespmem:s29+$0x30]  }
0x131: {  	v5 =	vld [tilespmem:s7+$0x20];
	[tilespmem:s21+$0x40] =	vst v7  }
0x132: {  	s6 =	spop (v2sf);
	[tilespmem:s20+$0xF0] =	vst v10;
	v7 =	vld [tilespmem:s31+$0x10]  }
0x133: {  	v10 =	vld [tilespmem:s6+$0x0];
	[tilespmem:s25+$0x1A0] =	vst v8  }
0x134: {  	(v2sf) =	vpush v0, $0xA;
	[tilespmem:s24+$0xFFFFFE40] =	vst v11;
	v8 =	vld [tilespmem:s30+$0x30]  }
0x135: {  	s3 =	spop (v2sf);
	v11 =	vld [tilespmem:s5+$0x10];
	[tilespmem:s23+$0xFFFFFEF0] =	vst v9  }
0x136: {  	[tilespmem:s22+$0xFFFFFFA0] =	vst v5;
	v9 =	vld [tilespmem:s3+$0x0]  }
0x137: {  	(v2sf) =	vpush v4, $0x2;
	v63 =	vld [tilespmem:s7+$0x30];
	[tilespmem:s21+$0x50] =	vst v7  }
0x138: {  	[tilespmem:s20+$0x100] =	vst v10;
	v7 =	vld [tilespmem:s31+$0x20]  }
0x139: {  	s1 =	spop (v2sf);
	v13 =	vld [tilespmem:s6+$0x10];
	[tilespmem:s25+$0x1B0] =	vst v8  }
0x13a: {  	[tilespmem:s24+$0xFFFFFE50] =	vst v11;
	v11 =	vld [tilespmem:s1+$0x0]  }
0x13b: {  	s2 =	spop (v2sf);
	(v2sf) =	vpush v1, $0xD;
	v14 =	vld [tilespmem:s5+$0x20];
	[tilespmem:s23+$0xFFFFFF00] =	vst v9  }
0x13c: {  	[tilespmem:s22+$0xFFFFFFB0] =	vst v63;
	v5 =	vld [tilespmem:s3+$0x10]  }
0x13d: {  	[tilespmem:s21+$0x60] =	vst v7;
	v8 =	vld [tilespmem:s2+$0x0]  }
0x13e: {  	(v2sf) =	vpush v3, $0x5;
	[tilespmem:s20+$0x110] =	vst v13;
	v10 =	vld [tilespmem:s31+$0x30]  }
0x13f: {  	v9 =	vld [tilespmem:s6+$0x20];
	[tilespmem:s25+$0x1C0] =	vst v11  }
0x140: {  	s0 =	simm.s32 $0x1C0;
	[tilespmem:s24+$0xFFFFFE60] =	vst v14;
	v7 =	vld [tilespmem:s1+$0x10]  }
.LBB2_3:
0x141: {  	p1 =	sne.s32 s0, $0x7C0;
	v11 =	vld [tilespmem:s5+$0x30];
	[tilespmem:s23+$0xFFFFFF10] =	vst v5  }
0x142: {  	v12 =	vld [tilespmem:s3+$0x20];
	[tilespmem:s22+$0xFFFFFFC0] =	vst v8  }
0x143: {  	v8 =	vld [tilespmem:s2+$0x10];
	[tilespmem:s21+$0x70] =	vst v10;
	s4 =	spop (v2sf)  }
0x144: {  	v10 =	vld [tilespmem:s4+$0x0];
	[tilespmem:s20+$0x120] =	vst v9  }
0x145: {  	(v2sf) =	vpush v2, $0x8;
	v9 =	vld [tilespmem:s6+$0x30];
	[tilespmem:s25+$0x1D0] =	vst v7  }
0x146: {  	v5 =	vshll.u32 v6, $0x8;
	[tilespmem:s24+$0xFFFFFE70] =	vst v11;
	s5 =	spop (v2sf);
	v6 =	vld [tilespmem:s1+$0x20]  }
0x147: {  	v5 =	vshra.s32 v5, $0x2;
	v7 =	vld [tilespmem:s5+$0x0];
	[tilespmem:s23+$0xFFFFFF20] =	vst v12  }
0x148: {  	(v2sf) =	vpush v5, $0x0;
	v11 =	vld [tilespmem:s3+$0x30];
	[tilespmem:s22+$0xFFFFFFD0] =	vst v8  }
0x149: {  	v8 =	vld [tilespmem:s2+$0x20];
	[tilespmem:s21+$0x80] =	vst v10  }
0x14a: {  	v10 =	vld [tilespmem:s4+$0x10];
	[tilespmem:s20+$0x130] =	vst v9;
	s3 =	spop (v2sf)  }
0x14b: {  	v9 =	vld [tilespmem:s3+$0x0];
	[tilespmem:s25+$0x1E0] =	vst v6  }
0x14c: {  	[tilespmem:s24+$0xFFFFFE80] =	vst v7;
	(v2sf) =	vpush v0, $0xB;
	v6 =	vld [tilespmem:s1+$0x30]  }
0x14d: {  	v7 =	vld [tilespmem:s5+$0x10];
	[tilespmem:s23+$0xFFFFFF30] =	vst v11;
	s6 =	spop (v2sf)  }
0x14e: {  	v11 =	vld [tilespmem:s6+$0x0];
	[tilespmem:s22+$0xFFFFFFE0] =	vst v8  }
0x14f: {  	(v2sf) =	vpush v4, $0x3;
	v8 =	vld [tilespmem:s2+$0x30];
	[tilespmem:s21+$0x90] =	vst v10  }
0x150: {  	v10 =	vld [tilespmem:s4+$0x20];
	[tilespmem:s20+$0x140] =	vst v9  }
0x151: {  	s1 =	sshra.s32 s0, $0x2;
	v9 =	vld [tilespmem:s3+$0x10];
	[tilespmem:s25+$0x1F0] =	vst v6;
	s25 =	smov.u32 s20;
	s20 =	smov.u32 s21  }
0x152: {  	s21 =	smov.u32 s22;
	s22 =	smov.u32 s23;
	s23 =	smov.u32 s24;
	v6 =	vld [tilespmem:s1+$0x580];
	[tilespmem:s24+$0xFFFFFE90] =	vst v7  }
0x153: {  	v7 =	vld [tilespmem:s5+$0x20];
	[tilespmem:s22+$0xFFFFFF40] =	vst v11;
	(v2sf) =	vpush v1, $0xE  }
0x154: {  	v11 =	vld [tilespmem:s6+$0x10];
	[tilespmem:s21+$0xFFFFFFF0] =	vst v8;
	s8 =	spop (v2sf)  }
0x155: {  	v8 =	vld [tilespmem:s8+$0x0];
	[tilespmem:s20+$0xA0] =	vst v10  }
0x156: {  	(v2sf) =	vpush v3, $0x6;
	v10 =	vld [tilespmem:s4+$0x30];
	[tilespmem:s25+$0x150] =	vst v9  }
0x157: {  	s7 =	spop (v2sf);
	v9 =	vld [tilespmem:s3+$0x20]  }
0x158: {  	v12 =	vld [tilespmem:s7+$0x0];
	[tilespmem:s24+$0xFFFFFEA0] =	vst v7  }
0x159: {  	v7 =	vld [tilespmem:s5+$0x30];
	[tilespmem:s22+$0xFFFFFF50] =	vst v11  }
0x15a: {  	v11 =	vld [tilespmem:s6+$0x20];
	[tilespmem:s21+$0x0] =	vst v8  }
0x15b: {  	v8 =	vld [tilespmem:s8+$0x10];
	[tilespmem:s20+$0xB0] =	vst v10;
	s1 =	spop (v2sf)  }
0x15c: {  	s24 =	sadd.s32 $0x400, s24;
	v10 =	vld [tilespmem:s1+$0x0];
	[tilespmem:s25+$0x160] =	vst v9  }
0x15d: {  	[tilespmem:s24+$0xFFFFFE00] =	vst v12;
	(v2sf) =	vpush v2, $0x9;
	v9 =	vld [tilespmem:s3+$0x30]  }
0x15e: {  	v12 =	vld [tilespmem:s7+$0x10];
	[tilespmem:s23+$0xFFFFFEB0] =	vst v7;
	s3 =	spop (v2sf)  }
0x15f: {  	v7 =	vld [tilespmem:s3+$0x0];
	[tilespmem:s22+$0xFFFFFF60] =	vst v11  }
0x160: {  	(v2sf) =	vpush v5, $0x1;
	v11 =	vld [tilespmem:s6+$0x30];
	[tilespmem:s21+$0x10] =	vst v8  }
0x161: {  	v8 =	vld [tilespmem:s8+$0x20];
	[tilespmem:s20+$0xC0] =	vst v10  }
0x162: {  	v10 =	vld [tilespmem:s1+$0x10];
	[tilespmem:s25+$0x170] =	vst v9;
	s2 =	spop (v2sf)  }
0x163: {  	[tilespmem:s24+$0xFFFFFE10] =	vst v12;
	v9 =	vld [tilespmem:s2+$0x0]  }
0x164: {  	v12 =	vld [tilespmem:s7+$0x20];
	[tilespmem:s23+$0xFFFFFEC0] =	vst v7;
	(v2sf) =	vpush v0, $0xC  }
0x165: {  	v7 =	vld [tilespmem:s3+$0x10];
	[tilespmem:s22+$0xFFFFFF70] =	vst v11;
	s4 =	spop (v2sf)  }
0x166: {  	v11 =	vld [tilespmem:s4+$0x0];
	[tilespmem:s21+$0x20] =	vst v8  }
0x167: {  	(v2sf) =	vpush v4, $0x4;
	v8 =	vld [tilespmem:s8+$0x30];
	[tilespmem:s20+$0xD0] =	vst v10  }
0x168: {  	v10 =	vld [tilespmem:s1+$0x20];
	[tilespmem:s25+$0x180] =	vst v9  }
0x169: {  	[tilespmem:s24+$0xFFFFFE20] =	vst v12;
	v9 =	vld [tilespmem:s2+$0x10]  }
0x16a: {  	v12 =	vld [tilespmem:s7+$0x30];
	[tilespmem:s23+$0xFFFFFED0] =	vst v7  }
0x16b: {  	v7 =	vld [tilespmem:s3+$0x20];
	[tilespmem:s22+$0xFFFFFF80] =	vst v11;
	(v2sf) =	vpush v1, $0xF;
	v1 =	vmovc v0;
	v0 =	vmovc v2;
	v2 =	vmov v3;
	v3 =	vmov v4  }
0x16c: {  	v4 =	vmov v5;
	v11 =	vld [tilespmem:s4+$0x10];
	[tilespmem:s21+$0x30] =	vst v8;
	s7 =	spop (v2sf)  }
0x16d: {  	v5 =	vld [tilespmem:s7+$0x0];
	[tilespmem:s20+$0xE0] =	vst v10  }
0x16e: {  	(v2sf) =	vpush v2, $0x7;
	v8 =	vld [tilespmem:s1+$0x30];
	[tilespmem:s25+$0x190] =	vst v9  }
0x16f: {  	[tilespmem:s24+$0xFFFFFE30] =	vst v12;
	s5 =	spop (v2sf);
	v9 =	vld [tilespmem:s2+$0x20]  }
0x170: {  	v10 =	vld [tilespmem:s5+$0x0];
	[tilespmem:s23+$0xFFFFFEE0] =	vst v7  }
0x171: {  	v7 =	vld [tilespmem:s3+$0x30];
	[tilespmem:s22+$0xFFFFFF90] =	vst v11  }
0x172: {  	v11 =	vld [tilespmem:s4+$0x20];
	[tilespmem:s21+$0x40] =	vst v5  }
0x173: {  	v5 =	vld [tilespmem:s7+$0x10];
	[tilespmem:s20+$0xF0] =	vst v8;
	s6 =	spop (v2sf)  }
0x174: {  	v8 =	vld [tilespmem:s6+$0x0];
	[tilespmem:s25+$0x1A0] =	vst v9  }
0x175: {  	[tilespmem:s24+$0xFFFFFE40] =	vst v10;
	(v2sf) =	vpush v0, $0xA;
	v9 =	vld [tilespmem:s2+$0x30]  }
0x176: {  	v10 =	vld [tilespmem:s5+$0x10];
	[tilespmem:s23+$0xFFFFFEF0] =	vst v7;
	s3 =	spop (v2sf)  }
0x177: {  	v7 =	vld [tilespmem:s3+$0x0];
	[tilespmem:s22+$0xFFFFFFA0] =	vst v11  }
0x178: {  	(v2sf) =	vpush v4, $0x2;
	v11 =	vld [tilespmem:s4+$0x30];
	[tilespmem:s21+$0x50] =	vst v5  }
0x179: {  	v12 =	vld [tilespmem:s7+$0x20];
	[tilespmem:s20+$0x100] =	vst v8  }
0x17a: {  	v13 =	vld [tilespmem:s6+$0x10];
	[tilespmem:s25+$0x1B0] =	vst v9;
	s1 =	spop (v2sf)  }
0x17b: {  	[tilespmem:s24+$0xFFFFFE50] =	vst v10;
	v14 =	vld [tilespmem:s1+$0x0]  }
0x17c: {  	v15 =	vld [tilespmem:s5+$0x20];
	[tilespmem:s23+$0xFFFFFF00] =	vst v7;
	(v2sf) =	vpush v1, $0xD  }
.Ltmp0:
0x17d: {  	v5 =	vld [tilespmem:s3+$0x10];
	[tilespmem:s22+$0xFFFFFFB0] =	vst v11;
	s2 =	spop (v2sf);
	(pc) =	sbr.rel @p1 .LBB2_3-.Ltmp0, $4  }
0x17e: {  	v8 =	vld [tilespmem:s2+$0x0];
	[tilespmem:s21+$0x60] =	vst v12  }
0x17f: {  	(v2sf) =	vpush v3, $0x5;
	v10 =	vld [tilespmem:s7+$0x30];
	[tilespmem:s20+$0x110] =	vst v13  }
0x180: {  	v9 =	vld [tilespmem:s6+$0x20];
	[tilespmem:s25+$0x1C0] =	vst v14  }
0x181: {  	s0 =	sadd.s32 $0x40, s0;
	[tilespmem:s24+$0xFFFFFE60] =	vst v15;
	v7 =	vld [tilespmem:s1+$0x10]  }
0x182: {  	_ =	sdelay $0x1  }
0x183: {  	v11 =	vld [tilespmem:s5+$0x30]  }
0x184: {  	[tilespmem:s23+$0xFFFFFF10] =	vst v5;
	v45 =	vshll.u32 v6, $0x8  }
0x185: {  	v12 =	vld [tilespmem:s3+$0x20];
	[tilespmem:s22+$0xFFFFFFC0] =	vst v8;
	v5 =	vshra.s32 v45, $0x2;
	s0 =	spop (v2sf);
	(v2sf) =	vpush v2, $0x8  }
0x186: {  	v8 =	vld [tilespmem:s2+$0x10];
	[tilespmem:s21+$0x70] =	vst v10;
	s4 =	spop (v2sf);
	(v2sf) =	vpush v5, $0x0  }
0x187: {  	v10 =	vld [tilespmem:s0+$0x0];
	[tilespmem:s20+$0x120] =	vst v9  }
0x188: {  	v9 =	vld [tilespmem:s6+$0x30];
	[tilespmem:s24+$0xFFFFFE70] =	vst v11  }
0x189: {  	[tilespmem:s25+$0x1D0] =	vst v7;
	v46 =	vld [tilespmem:s4+$0x0]  }
0x18a: {  	v49 =	vld [tilespmem:s1+$0x20];
	[tilespmem:s23+$0xFFFFFF20] =	vst v12  }
0x18b: {  	v47 =	vld [tilespmem:s3+$0x30];
	[tilespmem:s22+$0xFFFFFFD0] =	vst v8  }
0x18c: {  	v8 =	vld [tilespmem:s2+$0x20];
	[tilespmem:s21+$0x80] =	vst v10  }
0x18d: {  	v10 =	vld [tilespmem:s0+$0x10];
	[tilespmem:s20+$0x130] =	vst v9;
	s10 =	spop (v2sf)  }
0x18e: {  	(v2sf) =	vpush v0, $0xB;
	v48 =	vld [tilespmem:s10+$0x0];
	[tilespmem:s24+$0xFFFFFE80] =	vst v46  }
0x18f: {  	(v2sf) =	vpush v4, $0x3;
	[tilespmem:s25+$0x1E0] =	vst v49;
	v6 =	vld [tilespmem:s4+$0x10]  }
0x190: {  	v9 =	vld [tilespmem:s1+$0x30];
	[tilespmem:s23+$0xFFFFFF30] =	vst v47;
	s11 =	spop (v2sf)  }
0x191: {  	v11 =	vld [tilespmem:s11+$0x0];
	[tilespmem:s22+$0xFFFFFFE0] =	vst v8  }
0x192: {  	v8 =	vld [tilespmem:s2+$0x30];
	[tilespmem:s21+$0x90] =	vst v10  }
0x193: {  	v10 =	vld [tilespmem:s0+$0x20];
	[tilespmem:s20+$0x140] =	vst v48  }
0x194: {  	v7 =	vld [tilespmem:s10+$0x10];
	[tilespmem:s24+$0xFFFFFE90] =	vst v6;
	s12 =	spop (v2sf)  }
0x195: {  	[tilespmem:s25+$0x1F0] =	vst v9;
	v6 =	vld [tilespmem:s4+$0x20];
	s7 =	spop (v2sf)  }
0x196: {  	(v2sf) =	vpush v1, $0xE;
	[tilespmem:s23+$0xFFFFFF40] =	vst v11;
	v50 =	vld [tilespmem:s7+$0x0]  }
0x197: {  	v11 =	vld [tilespmem:s11+$0x10];
	[tilespmem:s22+$0xFFFFFFF0] =	vst v8  }
0x198: {  	v8 =	vld [tilespmem:s12+$0x0];
	[tilespmem:s21+$0xA0] =	vst v10  }
0x199: {  	(v2sf) =	vpush v3, $0x6;
	v10 =	vld [tilespmem:s0+$0x30];
	[tilespmem:s20+$0x150] =	vst v7  }
0x19a: {  	s25 =	sadd.s32 $0x400, s24;
	v7 =	vld [tilespmem:s10+$0x20];
	[tilespmem:s24+$0xFFFFFEA0] =	vst v6  }
0x19b: {  	v6 =	vld [tilespmem:s4+$0x30];
	[tilespmem:s25+$0xFFFFFE00] =	vst v50  }
0x19c: {  	[tilespmem:s23+$0xFFFFFF50] =	vst v11;
	v9 =	vld [tilespmem:s7+$0x10]  }
0x19d: {  	s3 =	spop (v2sf);
	(v2sf) =	vpush v2, $0x9;
	v11 =	vld [tilespmem:s11+$0x20];
	[tilespmem:s22+$0x0] =	vst v8  }
0x19e: {  	s13 =	spop (v2sf);
	(v2sf) =	vpush v5, $0x1;
	v8 =	vld [tilespmem:s12+$0x10];
	[tilespmem:s21+$0xB0] =	vst v10  }
0x19f: {  	v10 =	vld [tilespmem:s3+$0x0];
	[tilespmem:s20+$0x160] =	vst v7  }
0x1a0: {  	v7 =	vld [tilespmem:s10+$0x30];
	[tilespmem:s24+$0xFFFFFEB0] =	vst v6  }
0x1a1: {  	v6 =	vld [tilespmem:s13+$0x0];
	[tilespmem:s25+$0xFFFFFE10] =	vst v9  }
0x1a2: {  	[tilespmem:s23+$0xFFFFFF60] =	vst v11;
	v52 =	vld [tilespmem:s7+$0x20]  }
0x1a3: {  	v11 =	vld [tilespmem:s11+$0x30];
	[tilespmem:s22+$0x10] =	vst v8  }
0x1a4: {  	v8 =	vld [tilespmem:s12+$0x20];
	[tilespmem:s21+$0xC0] =	vst v10  }
0x1a5: {  	s28 =	spop (v2sf);
	v10 =	vld [tilespmem:s3+$0x10];
	[tilespmem:s20+$0x170] =	vst v7  }
0x1a6: {  	v51 =	vld [tilespmem:s28+$0x0];
	[tilespmem:s24+$0xFFFFFEC0] =	vst v6  }
0x1a7: {  	v13 =	vld [tilespmem:s13+$0x10];
	[tilespmem:s25+$0xFFFFFE20] =	vst v52  }
0x1a8: {  	s0 =	spop (v2sf);
	[tilespmem:s23+$0xFFFFFF70] =	vst v11;
	v55 =	vld [tilespmem:s7+$0x30]  }
0x1a9: {  	v11 =	vld [tilespmem:s0+$0x0];
	[tilespmem:s22+$0x20] =	vst v8  }
0x1aa: {  	(v2sf) =	vpush v0, $0xC;
	v8 =	vld [tilespmem:s12+$0x30];
	[tilespmem:s21+$0xD0] =	vst v10  }
0x1ab: {  	(v2sf) =	vpush v4, $0x4;
	v53 =	vld [tilespmem:s3+$0x20];
	[tilespmem:s20+$0x180] =	vst v51  }
0x1ac: {  	v54 =	vld [tilespmem:s28+$0x10];
	s8 =	spop (v2sf)  }
0x1ad: {  	s15 =	spop (v2sf);
	[tilespmem:s25+$0xFFFFFE30] =	vst v55  }
0x1ae: {  	v9 =	vld [tilespmem:s15+$0x0];
	_ =	sdelay $0x4  }
0x1af: {  	(v2sf) =	vpush v1, $0xF;
	[tilespmem:s25+$0xFFFFFE40] =	vst v9  }
0x1b0: {  	(v2sf) =	vpush v3, $0x7;
	v56 =	vld [tilespmem:s15+$0x10]  }
0x1b1: {  	(v2sf) =	vpush v2, $0xA  }
0x1b2: {  	(v2sf) =	vpush v5, $0x2;
	_ =	sdelay $0x2  }
0x1b3: {  	[tilespmem:s25+$0xFFFFFE50] =	vst v56  }
0x1b4: {  	v1 =	vld [tilespmem:s15+$0x20];
	_ =	sdelay $0x4  }
0x1b5: {  	[tilespmem:s25+$0xFFFFFE60] =	vst v1  }
0x1b6: {  	s2 =	spop (v2sf);
	v1 =	vld [tilespmem:s15+$0x30]  }
0x1b7: {  	s16 =	spop (v2sf)  }
0x1b8: {  	s26 =	spop (v2sf)  }
0x1b9: {  	s14 =	spop (v2sf)  }
0x1ba: {  	s11 =	spop (v2sf)  }
0x1bb: {  	s17 =	spop (v2sf);
	[tilespmem:s25+$0xFFFFFE70] =	vst v1  }
0x1bc: {  	v1 =	vld [tilespmem:s17+$0x0];
	_ =	sdelay $0x3  }
0x1bd: {  	(v2sf) =	vpush v0, $0xD  }
0x1be: {  	(v2sf) =	vpush v4, $0x5;
	[tilespmem:s25+$0xFFFFFE80] =	vst v1  }
0x1bf: {  	(v2sf) =	vpush v3, $0x8;
	v1 =	vld [tilespmem:s17+$0x10]  }
0x1c0: {  	(v2sf) =	vpush v2, $0xB  }
0x1c1: {  	(v2sf) =	vpush v5, $0x3;
	_ =	sdelay $0x2  }
0x1c2: {  	[tilespmem:s25+$0xFFFFFE90] =	vst v1  }
0x1c3: {  	v1 =	vld [tilespmem:s17+$0x20];
	_ =	sdelay $0x4  }
0x1c4: {  	[tilespmem:s25+$0xFFFFFEA0] =	vst v1  }
0x1c5: {  	v1 =	vld [tilespmem:s17+$0x30]  }
0x1c6: {  	s31 =	spop (v2sf)  }
0x1c7: {  	s19 =	spop (v2sf)  }
0x1c8: {  	s12 =	spop (v2sf)  }
0x1c9: {  	s17 =	spop (v2sf)  }
0x1ca: {  	s7 =	spop (v2sf);
	[tilespmem:s25+$0xFFFFFEB0] =	vst v1  }
0x1cb: {  	v1 =	vld [tilespmem:s7+$0x0];
	_ =	sdelay $0x3  }
0x1cc: {  	(v2sf) =	vpush v0, $0xE  }
0x1cd: {  	(v2sf) =	vpush v4, $0x6;
	[tilespmem:s25+$0xFFFFFEC0] =	vst v1  }
0x1ce: {  	(v2sf) =	vpush v3, $0x9;
	v1 =	vld [tilespmem:s7+$0x10]  }
0x1cf: {  	(v2sf) =	vpush v2, $0xC  }
0x1d0: {  	(v2sf) =	vpush v5, $0x4;
	_ =	sdelay $0x1  }
0x1d1: {  	[tilespmem:s24+$0xFFFFFED0] =	vst v13  }
0x1d2: {  	v57 =	vld [tilespmem:s13+$0x20];
	[tilespmem:s25+$0xFFFFFED0] =	vst v1  }
0x1d3: {  	v1 =	vld [tilespmem:s7+$0x20];
	_ =	sdelay $0x3  }
0x1d4: {  	[tilespmem:s24+$0xFFFFFEE0] =	vst v57  }
0x1d5: {  	v9 =	vld [tilespmem:s13+$0x30];
	[tilespmem:s25+$0xFFFFFEE0] =	vst v1  }
0x1d6: {  	v1 =	vld [tilespmem:s7+$0x30]  }
0x1d7: {  	s30 =	spop (v2sf)  }
0x1d8: {  	s13 =	spop (v2sf)  }
0x1d9: {  	s15 =	spop (v2sf)  }
0x1da: {  	[tilespmem:s24+$0xFFFFFEF0] =	vst v9;
	s10 =	spop (v2sf)  }
0x1db: {  	v9 =	vld [tilespmem:s16+$0x0];
	s9 =	spop (v2sf);
	[tilespmem:s25+$0xFFFFFEF0] =	vst v1  }
0x1dc: {  	v1 =	vld [tilespmem:s9+$0x0];
	_ =	sdelay $0x3  }
0x1dd: {  	[tilespmem:s24+$0xFFFFFF00] =	vst v9;
	(v2sf) =	vpush v0, $0xF  }
0x1de: {  	v58 =	vld [tilespmem:s16+$0x10];
	(v2sf) =	vpush v4, $0x7;
	[tilespmem:s25+$0xFFFFFF00] =	vst v1  }
0x1df: {  	(v2sf) =	vpush v3, $0xA;
	v1 =	vld [tilespmem:s9+$0x10]  }
0x1e0: {  	(v2sf) =	vpush v2, $0xD  }
0x1e1: {  	(v2sf) =	vpush v5, $0x5;
	_ =	sdelay $0x1  }
0x1e2: {  	[tilespmem:s24+$0xFFFFFF10] =	vst v58  }
0x1e3: {  	v0 =	vld [tilespmem:s16+$0x20];
	[tilespmem:s25+$0xFFFFFF10] =	vst v1  }
0x1e4: {  	v1 =	vld [tilespmem:s9+$0x20];
	_ =	sdelay $0x3  }
0x1e5: {  	[tilespmem:s24+$0xFFFFFF20] =	vst v0  }
0x1e6: {  	v0 =	vld [tilespmem:s16+$0x30];
	[tilespmem:s25+$0xFFFFFF20] =	vst v1  }
0x1e7: {  	v1 =	vld [tilespmem:s9+$0x30]  }
0x1e8: {  	s29 =	spop (v2sf)  }
0x1e9: {  	s7 =	spop (v2sf)  }
0x1ea: {  	s5 =	spop (v2sf)  }
0x1eb: {  	[tilespmem:s24+$0xFFFFFF30] =	vst v0;
	s9 =	spop (v2sf)  }
0x1ec: {  	v0 =	vld [tilespmem:s19+$0x0];
	s16 =	spop (v2sf);
	[tilespmem:s25+$0xFFFFFF30] =	vst v1  }
0x1ed: {  	v1 =	vld [tilespmem:s16+$0x0];
	_ =	sdelay $0x3  }
0x1ee: {  	[tilespmem:s24+$0xFFFFFF40] =	vst v0  }
0x1ef: {  	(v2sf) =	vpush v4, $0x8;
	v0 =	vld [tilespmem:s19+$0x10];
	[tilespmem:s25+$0xFFFFFF40] =	vst v1  }
0x1f0: {  	(v2sf) =	vpush v3, $0xB;
	v1 =	vld [tilespmem:s16+$0x10]  }
0x1f1: {  	(v2sf) =	vpush v2, $0xE  }
0x1f2: {  	(v2sf) =	vpush v5, $0x6;
	_ =	sdelay $0x1  }
0x1f3: {  	[tilespmem:s24+$0xFFFFFF50] =	vst v0  }
0x1f4: {  	v0 =	vld [tilespmem:s19+$0x20];
	[tilespmem:s25+$0xFFFFFF50] =	vst v1  }
0x1f5: {  	v1 =	vld [tilespmem:s16+$0x20];
	_ =	sdelay $0x3  }
0x1f6: {  	[tilespmem:s24+$0xFFFFFF60] =	vst v0  }
0x1f7: {  	v0 =	vld [tilespmem:s19+$0x30];
	[tilespmem:s25+$0xFFFFFF60] =	vst v1  }
0x1f8: {  	v1 =	vld [tilespmem:s16+$0x30];
	_ =	sdelay $0x1  }
0x1f9: {  	s4 =	spop (v2sf)  }
0x1fa: {  	s1 =	spop (v2sf)  }
0x1fb: {  	[tilespmem:s24+$0xFFFFFF70] =	vst v0;
	s6 =	spop (v2sf)  }
0x1fc: {  	v0 =	vld [tilespmem:s13+$0x0];
	s16 =	spop (v2sf);
	[tilespmem:s25+$0xFFFFFF70] =	vst v1  }
0x1fd: {  	v1 =	vld [tilespmem:s16+$0x0];
	_ =	sdelay $0x1  }
0x1fe: {  	[tilespmem:s23+$0xFFFFFF80] =	vst v11  }
0x1ff: {  	v59 =	vld [tilespmem:s0+$0x10]  }
0x200: {  	[tilespmem:s24+$0xFFFFFF80] =	vst v0  }
0x201: {  	v0 =	vld [tilespmem:s13+$0x10];
	(v2sf) =	vpush v4, $0x9;
	[tilespmem:s25+$0xFFFFFF80] =	vst v1  }
0x202: {  	(v2sf) =	vpush v3, $0xC;
	v1 =	vld [tilespmem:s16+$0x10]  }
0x203: {  	(v2sf) =	vpush v2, $0xF  }
0x204: {  	[tilespmem:s23+$0xFFFFFF90] =	vst v59;
	(v2sf) =	vpush v5, $0x7  }
0x205: {  	v60 =	vld [tilespmem:s0+$0x20]  }
0x206: {  	[tilespmem:s24+$0xFFFFFF90] =	vst v0  }
0x207: {  	v0 =	vld [tilespmem:s13+$0x20];
	[tilespmem:s25+$0xFFFFFF90] =	vst v1  }
0x208: {  	v1 =	vld [tilespmem:s16+$0x20];
	_ =	sdelay $0x1  }
0x209: {  	[tilespmem:s23+$0xFFFFFFA0] =	vst v60  }
0x20a: {  	v2 =	vld [tilespmem:s0+$0x30]  }
0x20b: {  	[tilespmem:s24+$0xFFFFFFA0] =	vst v0  }
0x20c: {  	v0 =	vld [tilespmem:s13+$0x30];
	[tilespmem:s25+$0xFFFFFFA0] =	vst v1  }
0x20d: {  	v1 =	vld [tilespmem:s16+$0x30];
	_ =	sdelay $0x1  }
0x20e: {  	[tilespmem:s23+$0xFFFFFFB0] =	vst v2;
	s13 =	spop (v2sf)  }
0x20f: {  	v2 =	vld [tilespmem:s14+$0x0];
	s16 =	spop (v2sf)  }
0x210: {  	[tilespmem:s24+$0xFFFFFFB0] =	vst v0;
	s0 =	spop (v2sf)  }
0x211: {  	v0 =	vld [tilespmem:s7+$0x0];
	s19 =	spop (v2sf);
	[tilespmem:s25+$0xFFFFFFB0] =	vst v1  }
0x212: {  	v1 =	vld [tilespmem:s19+$0x0];
	_ =	sdelay $0x1  }
0x213: {  	[tilespmem:s23+$0xFFFFFFC0] =	vst v2  }
0x214: {  	v2 =	vld [tilespmem:s14+$0x10]  }
0x215: {  	[tilespmem:s24+$0xFFFFFFC0] =	vst v0  }
0x216: {  	v0 =	vld [tilespmem:s7+$0x10];
	[tilespmem:s25+$0xFFFFFFC0] =	vst v1  }
0x217: {  	(v2sf) =	vpush v4, $0xA;
	v1 =	vld [tilespmem:s19+$0x10]  }
0x218: {  	(v2sf) =	vpush v3, $0xD  }
0x219: {  	[tilespmem:s23+$0xFFFFFFD0] =	vst v2;
	(v2sf) =	vpush v5, $0x8  }
0x21a: {  	v2 =	vld [tilespmem:s14+$0x20]  }
0x21b: {  	[tilespmem:s24+$0xFFFFFFD0] =	vst v0  }
0x21c: {  	v0 =	vld [tilespmem:s7+$0x20];
	[tilespmem:s25+$0xFFFFFFD0] =	vst v1  }
0x21d: {  	v1 =	vld [tilespmem:s19+$0x20];
	_ =	sdelay $0x1  }
0x21e: {  	[tilespmem:s23+$0xFFFFFFE0] =	vst v2  }
0x21f: {  	v2 =	vld [tilespmem:s14+$0x30]  }
0x220: {  	[tilespmem:s24+$0xFFFFFFE0] =	vst v0  }
0x221: {  	v0 =	vld [tilespmem:s7+$0x30];
	[tilespmem:s25+$0xFFFFFFE0] =	vst v1  }
0x222: {  	v1 =	vld [tilespmem:s19+$0x30];
	_ =	sdelay $0x1  }
0x223: {  	[tilespmem:s23+$0xFFFFFFF0] =	vst v2  }
0x224: {  	v2 =	vld [tilespmem:s12+$0x0];
	s7 =	spop (v2sf)  }
0x225: {  	[tilespmem:s24+$0xFFFFFFF0] =	vst v0;
	s14 =	spop (v2sf)  }
0x226: {  	v0 =	vld [tilespmem:s4+$0x0];
	s19 =	spop (v2sf);
	[tilespmem:s25+$0xFFFFFFF0] =	vst v1  }
0x227: {  	v1 =	vld [tilespmem:s19+$0x0];
	_ =	sdelay $0x1  }
0x228: {  	[tilespmem:s23+$0x0] =	vst v2  }
0x229: {  	v2 =	vld [tilespmem:s12+$0x10]  }
0x22a: {  	[tilespmem:s24+$0x0] =	vst v0  }
0x22b: {  	v0 =	vld [tilespmem:s4+$0x10];
	[tilespmem:s25+$0x0] =	vst v1  }
0x22c: {  	(v2sf) =	vpush v4, $0xB;
	v1 =	vld [tilespmem:s19+$0x10]  }
0x22d: {  	(v2sf) =	vpush v3, $0xE  }
0x22e: {  	[tilespmem:s23+$0x10] =	vst v2;
	(v2sf) =	vpush v5, $0x9  }
0x22f: {  	v2 =	vld [tilespmem:s12+$0x20]  }
0x230: {  	[tilespmem:s24+$0x10] =	vst v0  }
0x231: {  	v0 =	vld [tilespmem:s4+$0x20];
	[tilespmem:s25+$0x10] =	vst v1  }
0x232: {  	v1 =	vld [tilespmem:s19+$0x20];
	_ =	sdelay $0x1  }
0x233: {  	[tilespmem:s23+$0x20] =	vst v2  }
0x234: {  	v2 =	vld [tilespmem:s12+$0x30]  }
0x235: {  	[tilespmem:s24+$0x20] =	vst v0  }
0x236: {  	v0 =	vld [tilespmem:s4+$0x30];
	[tilespmem:s25+$0x20] =	vst v1  }
0x237: {  	v1 =	vld [tilespmem:s19+$0x30];
	_ =	sdelay $0x1  }
0x238: {  	[tilespmem:s23+$0x30] =	vst v2  }
0x239: {  	[tilespmem:s22+$0x30] =	vst v8;
	v2 =	vld [tilespmem:s15+$0x0];
	s4 =	spop (v2sf)  }
0x23a: {  	v8 =	vld [tilespmem:s8+$0x0];
	[tilespmem:s24+$0x30] =	vst v0;
	s12 =	spop (v2sf)  }
0x23b: {  	v0 =	vld [tilespmem:s13+$0x0];
	s19 =	spop (v2sf);
	[tilespmem:s25+$0x30] =	vst v1  }
0x23c: {  	v1 =	vld [tilespmem:s19+$0x0];
	_ =	sdelay $0x1  }
0x23d: {  	[tilespmem:s23+$0x40] =	vst v2  }
0x23e: {  	[tilespmem:s22+$0x40] =	vst v8;
	v2 =	vld [tilespmem:s15+$0x10]  }
0x23f: {  	v8 =	vld [tilespmem:s8+$0x10];
	[tilespmem:s24+$0x40] =	vst v0  }
0x240: {  	v0 =	vld [tilespmem:s13+$0x10];
	[tilespmem:s25+$0x40] =	vst v1  }
0x241: {  	(v2sf) =	vpush v4, $0xC;
	v1 =	vld [tilespmem:s19+$0x10]  }
0x242: {  	(v2sf) =	vpush v3, $0xF  }
0x243: {  	[tilespmem:s23+$0x50] =	vst v2;
	(v2sf) =	vpush v5, $0xA  }
0x244: {  	[tilespmem:s22+$0x50] =	vst v8;
	v2 =	vld [tilespmem:s15+$0x20]  }
0x245: {  	v61 =	vld [tilespmem:s8+$0x20];
	[tilespmem:s24+$0x50] =	vst v0  }
0x246: {  	v0 =	vld [tilespmem:s13+$0x20];
	[tilespmem:s25+$0x50] =	vst v1  }
0x247: {  	v1 =	vld [tilespmem:s19+$0x20];
	_ =	sdelay $0x1  }
0x248: {  	[tilespmem:s23+$0x60] =	vst v2  }
0x249: {  	[tilespmem:s22+$0x60] =	vst v61;
	v2 =	vld [tilespmem:s15+$0x30]  }
0x24a: {  	v3 =	vld [tilespmem:s8+$0x30];
	[tilespmem:s24+$0x60] =	vst v0  }
0x24b: {  	v0 =	vld [tilespmem:s13+$0x30];
	[tilespmem:s25+$0x60] =	vst v1  }
0x24c: {  	v1 =	vld [tilespmem:s19+$0x30];
	_ =	sdelay $0x1  }
0x24d: {  	[tilespmem:s23+$0x70] =	vst v2  }
0x24e: {  	v2 =	vld [tilespmem:s5+$0x0];
	[tilespmem:s22+$0x70] =	vst v3;
	s15 =	spop (v2sf)  }
0x24f: {  	v3 =	vld [tilespmem:s11+$0x0];
	[tilespmem:s24+$0x70] =	vst v0;
	s8 =	spop (v2sf)  }
0x250: {  	v0 =	vld [tilespmem:s7+$0x0];
	s19 =	spop (v2sf);
	[tilespmem:s25+$0x70] =	vst v1  }
0x251: {  	v1 =	vld [tilespmem:s19+$0x0];
	_ =	sdelay $0x1  }
0x252: {  	[tilespmem:s23+$0x80] =	vst v2  }
0x253: {  	v2 =	vld [tilespmem:s5+$0x10];
	[tilespmem:s22+$0x80] =	vst v3  }
0x254: {  	v3 =	vld [tilespmem:s11+$0x10];
	[tilespmem:s24+$0x80] =	vst v0  }
0x255: {  	v0 =	vld [tilespmem:s7+$0x10];
	[tilespmem:s25+$0x80] =	vst v1  }
0x256: {  	v1 =	vld [tilespmem:s19+$0x10]  }
0x257: {  	(v2sf) =	vpush v4, $0xD  }
0x258: {  	[tilespmem:s23+$0x90] =	vst v2;
	(v2sf) =	vpush v5, $0xB  }
0x259: {  	v2 =	vld [tilespmem:s5+$0x20];
	[tilespmem:s22+$0x90] =	vst v3  }
0x25a: {  	v3 =	vld [tilespmem:s11+$0x20];
	[tilespmem:s24+$0x90] =	vst v0  }
0x25b: {  	v0 =	vld [tilespmem:s7+$0x20];
	[tilespmem:s25+$0x90] =	vst v1  }
0x25c: {  	v1 =	vld [tilespmem:s19+$0x20];
	_ =	sdelay $0x1  }
0x25d: {  	[tilespmem:s23+$0xA0] =	vst v2  }
0x25e: {  	v2 =	vld [tilespmem:s5+$0x30];
	[tilespmem:s22+$0xA0] =	vst v3  }
0x25f: {  	v3 =	vld [tilespmem:s11+$0x30];
	[tilespmem:s24+$0xA0] =	vst v0  }
0x260: {  	v0 =	vld [tilespmem:s7+$0x30];
	[tilespmem:s25+$0xA0] =	vst v1  }
0x261: {  	v1 =	vld [tilespmem:s19+$0x30];
	_ =	sdelay $0x1  }
0x262: {  	[tilespmem:s23+$0xB0] =	vst v2  }
0x263: {  	v2 =	vld [tilespmem:s1+$0x0];
	[tilespmem:s22+$0xB0] =	vst v3  }
0x264: {  	v3 =	vld [tilespmem:s17+$0x0];
	[tilespmem:s24+$0xB0] =	vst v0;
	s5 =	spop (v2sf)  }
0x265: {  	v0 =	vld [tilespmem:s4+$0x0];
	s19 =	spop (v2sf);
	[tilespmem:s25+$0xB0] =	vst v1  }
0x266: {  	v1 =	vld [tilespmem:s19+$0x0];
	_ =	sdelay $0x1  }
0x267: {  	[tilespmem:s23+$0xC0] =	vst v2  }
0x268: {  	v2 =	vld [tilespmem:s1+$0x10];
	[tilespmem:s22+$0xC0] =	vst v3  }
0x269: {  	v3 =	vld [tilespmem:s17+$0x10];
	[tilespmem:s24+$0xC0] =	vst v0  }
0x26a: {  	v0 =	vld [tilespmem:s4+$0x10];
	[tilespmem:s25+$0xC0] =	vst v1  }
0x26b: {  	v1 =	vld [tilespmem:s19+$0x10]  }
0x26c: {  	(v2sf) =	vpush v4, $0xE  }
0x26d: {  	[tilespmem:s23+$0xD0] =	vst v2;
	(v2sf) =	vpush v5, $0xC  }
0x26e: {  	v2 =	vld [tilespmem:s1+$0x20];
	[tilespmem:s22+$0xD0] =	vst v3  }
0x26f: {  	v3 =	vld [tilespmem:s17+$0x20];
	[tilespmem:s24+$0xD0] =	vst v0  }
0x270: {  	v0 =	vld [tilespmem:s4+$0x20];
	[tilespmem:s25+$0xD0] =	vst v1  }
0x271: {  	v1 =	vld [tilespmem:s19+$0x20]  }
0x272: {  	[tilespmem:s21+$0xE0] =	vst v53  }
0x273: {  	v7 =	vld [tilespmem:s3+$0x30];
	[tilespmem:s23+$0xE0] =	vst v2  }
0x274: {  	v2 =	vld [tilespmem:s1+$0x30];
	[tilespmem:s22+$0xE0] =	vst v3  }
0x275: {  	v3 =	vld [tilespmem:s17+$0x30];
	[tilespmem:s24+$0xE0] =	vst v0  }
0x276: {  	v0 =	vld [tilespmem:s4+$0x30];
	[tilespmem:s25+$0xE0] =	vst v1  }
0x277: {  	v1 =	vld [tilespmem:s19+$0x30]  }
0x278: {  	[tilespmem:s21+$0xF0] =	vst v7  }
0x279: {  	v7 =	vld [tilespmem:s2+$0x0];
	[tilespmem:s23+$0xF0] =	vst v2  }
0x27a: {  	v2 =	vld [tilespmem:s16+$0x0];
	[tilespmem:s22+$0xF0] =	vst v3  }
0x27b: {  	v3 =	vld [tilespmem:s10+$0x0];
	[tilespmem:s24+$0xF0] =	vst v0;
	s11 =	spop (v2sf)  }
0x27c: {  	v0 =	vld [tilespmem:s15+$0x0];
	s13 =	spop (v2sf);
	[tilespmem:s25+$0xF0] =	vst v1  }
0x27d: {  	v1 =	vld [tilespmem:s13+$0x0]  }
0x27e: {  	[tilespmem:s21+$0x100] =	vst v7  }
0x27f: {  	v7 =	vld [tilespmem:s2+$0x10];
	[tilespmem:s23+$0x100] =	vst v2  }
0x280: {  	v2 =	vld [tilespmem:s16+$0x10];
	[tilespmem:s22+$0x100] =	vst v3  }
0x281: {  	v3 =	vld [tilespmem:s10+$0x10];
	[tilespmem:s24+$0x100] =	vst v0  }
0x282: {  	v0 =	vld [tilespmem:s15+$0x10];
	[tilespmem:s25+$0x100] =	vst v1  }
0x283: {  	v1 =	vld [tilespmem:s13+$0x10]  }
0x284: {  	[tilespmem:s21+$0x110] =	vst v7;
	(v2sf) =	vpush v4, $0xF  }
0x285: {  	v62 =	vld [tilespmem:s2+$0x20];
	[tilespmem:s23+$0x110] =	vst v2;
	(v2sf) =	vpush v5, $0xD  }
0x286: {  	v2 =	vld [tilespmem:s16+$0x20];
	[tilespmem:s22+$0x110] =	vst v3  }
0x287: {  	v3 =	vld [tilespmem:s10+$0x20];
	[tilespmem:s24+$0x110] =	vst v0  }
0x288: {  	v0 =	vld [tilespmem:s15+$0x20];
	[tilespmem:s25+$0x110] =	vst v1  }
0x289: {  	v1 =	vld [tilespmem:s13+$0x20]  }
0x28a: {  	[tilespmem:s21+$0x120] =	vst v62  }
0x28b: {  	v4 =	vld [tilespmem:s2+$0x30];
	[tilespmem:s23+$0x120] =	vst v2  }
0x28c: {  	v2 =	vld [tilespmem:s16+$0x30];
	[tilespmem:s22+$0x120] =	vst v3  }
0x28d: {  	v3 =	vld [tilespmem:s10+$0x30];
	[tilespmem:s24+$0x120] =	vst v0  }
0x28e: {  	v0 =	vld [tilespmem:s15+$0x30];
	[tilespmem:s25+$0x120] =	vst v1  }
0x28f: {  	v1 =	vld [tilespmem:s13+$0x30]  }
0x290: {  	[tilespmem:s21+$0x130] =	vst v4  }
0x291: {  	v4 =	vld [tilespmem:s31+$0x0];
	[tilespmem:s23+$0x130] =	vst v2  }
0x292: {  	v2 =	vld [tilespmem:s14+$0x0];
	[tilespmem:s22+$0x130] =	vst v3  }
0x293: {  	v3 =	vld [tilespmem:s9+$0x0];
	[tilespmem:s24+$0x130] =	vst v0;
	s16 =	spop (v2sf)  }
0x294: {  	v0 =	vld [tilespmem:s5+$0x0];
	s17 =	spop (v2sf);
	[tilespmem:s25+$0x130] =	vst v1  }
0x295: {  	v1 =	vld [tilespmem:s17+$0x0]  }
0x296: {  	[tilespmem:s21+$0x140] =	vst v4  }
0x297: {  	v4 =	vld [tilespmem:s31+$0x10];
	[tilespmem:s23+$0x140] =	vst v2  }
0x298: {  	v2 =	vld [tilespmem:s14+$0x10];
	[tilespmem:s22+$0x140] =	vst v3  }
0x299: {  	v3 =	vld [tilespmem:s9+$0x10];
	[tilespmem:s24+$0x140] =	vst v0  }
0x29a: {  	v0 =	vld [tilespmem:s5+$0x10];
	[tilespmem:s25+$0x140] =	vst v1  }
0x29b: {  	v1 =	vld [tilespmem:s17+$0x10]  }
0x29c: {  	[tilespmem:s21+$0x150] =	vst v4  }
0x29d: {  	(v2sf) =	vpush v5, $0xE;
	v4 =	vld [tilespmem:s31+$0x20];
	[tilespmem:s23+$0x150] =	vst v2  }
0x29e: {  	v2 =	vld [tilespmem:s14+$0x20];
	[tilespmem:s22+$0x150] =	vst v3  }
0x29f: {  	v3 =	vld [tilespmem:s9+$0x20];
	[tilespmem:s24+$0x150] =	vst v0  }
0x2a0: {  	v0 =	vld [tilespmem:s5+$0x20];
	[tilespmem:s25+$0x150] =	vst v1  }
0x2a1: {  	v1 =	vld [tilespmem:s17+$0x20]  }
0x2a2: {  	[tilespmem:s21+$0x160] =	vst v4  }
0x2a3: {  	v4 =	vld [tilespmem:s31+$0x30];
	[tilespmem:s23+$0x160] =	vst v2  }
0x2a4: {  	v2 =	vld [tilespmem:s14+$0x30];
	[tilespmem:s22+$0x160] =	vst v3  }
0x2a5: {  	v3 =	vld [tilespmem:s9+$0x30];
	[tilespmem:s24+$0x160] =	vst v0  }
0x2a6: {  	v0 =	vld [tilespmem:s5+$0x30];
	[tilespmem:s25+$0x160] =	vst v1  }
0x2a7: {  	v1 =	vld [tilespmem:s17+$0x30]  }
0x2a8: {  	[tilespmem:s21+$0x170] =	vst v4  }
0x2a9: {  	v4 =	vld [tilespmem:s30+$0x0];
	[tilespmem:s23+$0x170] =	vst v2  }
0x2aa: {  	v2 =	vld [tilespmem:s12+$0x0];
	[tilespmem:s22+$0x170] =	vst v3  }
0x2ab: {  	v3 =	vld [tilespmem:s6+$0x0];
	[tilespmem:s24+$0x170] =	vst v0  }
0x2ac: {  	s19 =	spop (v2sf);
	v0 =	vld [tilespmem:s11+$0x0];
	[tilespmem:s25+$0x170] =	vst v1  }
0x2ad: {  	v1 =	vld [tilespmem:s19+$0x0]  }
0x2ae: {  	[tilespmem:s21+$0x180] =	vst v4  }
0x2af: {  	v4 =	vld [tilespmem:s30+$0x10];
	[tilespmem:s23+$0x180] =	vst v2  }
0x2b0: {  	v2 =	vld [tilespmem:s12+$0x10];
	[tilespmem:s22+$0x180] =	vst v3  }
0x2b1: {  	v3 =	vld [tilespmem:s6+$0x10];
	[tilespmem:s24+$0x180] =	vst v0  }
0x2b2: {  	v0 =	vld [tilespmem:s11+$0x10];
	[tilespmem:s25+$0x180] =	vst v1  }
0x2b3: {  	[tilespmem:s20+$0x190] =	vst v54;
	v1 =	vld [tilespmem:s19+$0x10]  }
0x2b4: {  	v6 =	vld [tilespmem:s28+$0x20];
	[tilespmem:s21+$0x190] =	vst v4  }
0x2b5: {  	(v2sf) =	vpush v5, $0xF;
	v4 =	vld [tilespmem:s30+$0x20];
	[tilespmem:s23+$0x190] =	vst v2  }
0x2b6: {  	v2 =	vld [tilespmem:s12+$0x20];
	[tilespmem:s22+$0x190] =	vst v3  }
0x2b7: {  	v3 =	vld [tilespmem:s6+$0x20];
	[tilespmem:s24+$0x190] =	vst v0  }
0x2b8: {  	v0 =	vld [tilespmem:s11+$0x20];
	[tilespmem:s25+$0x190] =	vst v1  }
0x2b9: {  	[tilespmem:s20+$0x1A0] =	vst v6;
	v1 =	vld [tilespmem:s19+$0x20]  }
0x2ba: {  	v63 =	vld [tilespmem:s28+$0x30];
	[tilespmem:s21+$0x1A0] =	vst v4  }
0x2bb: {  	v4 =	vld [tilespmem:s30+$0x30];
	[tilespmem:s23+$0x1A0] =	vst v2  }
0x2bc: {  	v2 =	vld [tilespmem:s12+$0x30];
	[tilespmem:s22+$0x1A0] =	vst v3  }
0x2bd: {  	v3 =	vld [tilespmem:s6+$0x30];
	[tilespmem:s24+$0x1A0] =	vst v0  }
0x2be: {  	v0 =	vld [tilespmem:s11+$0x30];
	[tilespmem:s25+$0x1A0] =	vst v1  }
0x2bf: {  	[tilespmem:s20+$0x1B0] =	vst v63;
	v1 =	vld [tilespmem:s19+$0x30]  }
0x2c0: {  	v5 =	vld [tilespmem:s26+$0x0];
	[tilespmem:s21+$0x1B0] =	vst v4  }
0x2c1: {  	v4 =	vld [tilespmem:s29+$0x0];
	[tilespmem:s23+$0x1B0] =	vst v2  }
0x2c2: {  	v2 =	vld [tilespmem:s8+$0x0];
	[tilespmem:s22+$0x1B0] =	vst v3  }
0x2c3: {  	v3 =	vld [tilespmem:s0+$0x0];
	[tilespmem:s24+$0x1B0] =	vst v0  }
0x2c4: {  	s28 =	spop (v2sf);
	v0 =	vld [tilespmem:s16+$0x0];
	[tilespmem:s25+$0x1B0] =	vst v1  }
0x2c5: {  	[tilespmem:s20+$0x1C0] =	vst v5;
	v1 =	vld [tilespmem:s28+$0x0]  }
0x2c6: {  	v5 =	vld [tilespmem:s26+$0x10];
	[tilespmem:s21+$0x1C0] =	vst v4  }
0x2c7: {  	v4 =	vld [tilespmem:s29+$0x10];
	[tilespmem:s23+$0x1C0] =	vst v2  }
0x2c8: {  	v2 =	vld [tilespmem:s8+$0x10];
	[tilespmem:s22+$0x1C0] =	vst v3  }
0x2c9: {  	v3 =	vld [tilespmem:s0+$0x10];
	[tilespmem:s24+$0x1C0] =	vst v0  }
0x2ca: {  	v0 =	vld [tilespmem:s16+$0x10];
	[tilespmem:s25+$0x1C0] =	vst v1  }
0x2cb: {  	[tilespmem:s20+$0x1D0] =	vst v5;
	v1 =	vld [tilespmem:s28+$0x10]  }
0x2cc: {  	v5 =	vld [tilespmem:s26+$0x20];
	[tilespmem:s21+$0x1D0] =	vst v4  }
0x2cd: {  	v4 =	vld [tilespmem:s29+$0x20];
	[tilespmem:s23+$0x1D0] =	vst v2  }
0x2ce: {  	v2 =	vld [tilespmem:s8+$0x20];
	[tilespmem:s22+$0x1D0] =	vst v3  }
0x2cf: {  	v3 =	vld [tilespmem:s0+$0x20];
	[tilespmem:s24+$0x1D0] =	vst v0  }
0x2d0: {  	v0 =	vld [tilespmem:s16+$0x20];
	[tilespmem:s25+$0x1D0] =	vst v1  }
0x2d1: {  	[tilespmem:s20+$0x1E0] =	vst v5;
	v1 =	vld [tilespmem:s28+$0x20]  }
0x2d2: {  	v5 =	vld [tilespmem:s26+$0x30];
	[tilespmem:s21+$0x1E0] =	vst v4  }
0x2d3: {  	v4 =	vld [tilespmem:s29+$0x30];
	[tilespmem:s23+$0x1E0] =	vst v2  }
0x2d4: {  	v2 =	vld [tilespmem:s8+$0x30];
	[tilespmem:s22+$0x1E0] =	vst v3  }
0x2d5: {  	v3 =	vld [tilespmem:s0+$0x30];
	[tilespmem:s24+$0x1E0] =	vst v0  }
0x2d6: {  	v0 =	vld [tilespmem:s16+$0x30];
	[tilespmem:s25+$0x1E0] =	vst v1  }
0x2d7: {  	[tilespmem:s20+$0x1F0] =	vst v5;
	v1 =	vld [tilespmem:s28+$0x30]  }
0x2d8: {  	[tilespmem:s21+$0x1F0] =	vst v4  }
0x2d9: {  	[tilespmem:s23+$0x1F0] =	vst v2  }
0x2da: {  	p1 =	sne.s32 s18, $0x1F;
	[tilespmem:s22+$0x1F0] =	vst v3  }
.Ltmp1:
0x2db: {  	[tilespmem:s24+$0x1F0] =	vst v0;
	(pc) =	sbr.rel @p1 .LBB2_6-.Ltmp1, $4  }
0x2dc: {  	[tilespmem:s25+$0x1F0] =	vst v1  }
0x2dd: {  	s29 =	sshll.u32 s18, $0xD;
	s30 =	rddreg [dreg:$0x6]  }
0x2de: {  	s2 =	simm.s32 $0x0;
	s31 =	simm.s32 $0x980;
	s0 =	sadd.s32 s29, s30  }
0x2df: {  	[hbm4b:s0+s2] =	stream.linear.scatter [tilespmem:s31], [sflag:$0x2], $0x8000, $0x38;
	[tilespmem:$0x10980] =	vst v63  }
.Ltmp2:
0x2e0: {  	(pc) =	sbr.rel .LBB2_7-.Ltmp2, $4  }
0x2e1: {  	s0 =	simm.s32 $0x1  }
0x2e2: {  	_ =	swait.ge [sflag:s0], $0x200  }
0x2e3: {  	[sflag:s0] =	ssyncset.done $0x0  }
0x2e4: {  	[sflag:s0] =	ssyncadd.s32 $0xFFFFFE00  }
.LBB2_6:
0x2e5: {  	s0 =	sshll.u32 s18, $0xA;
	s1 =	rddreg [dreg:$0x7]  }
0x2e6: {  	s0 =	sadd.s32 s0, s1  }
0x2e7: {  	s29 =	rddreg [dreg:$0x0];
	s30 =	simm.s32 $0x580;
	s0 =	sshrl.u32 s0, $0x3  }
.Ltmp3:
0x2e8: {  	s31 =	simm.s32 $0x1;
	s0 =	sadd.s32 s29, s0;
	(pc) =	sbr.rel @p0 .LBB2_8-.Ltmp3, $4  }
0x2e9: {  	[tilespmem:s30], [sflag:$0x1] =	stream.linear.gather [hbm4b:s0+s2], $0x200, $0x38;
	[tilespmem:$0x10980] =	vst v63  }
0x2ea: {  	_ =	swait.ge [sflag:s31], $0x200  }
0x2eb: {  	[sflag:s31] =	ssyncset.done $0x0  }
0x2ec: {  	[sflag:s31] =	ssyncadd.s32 $0xFFFFFE00  }
.LBB2_7:
0x2ed: {  	s0 =	simm.s32 $0x2  }
0x2ee: {  	_ =	swait.ge [sflag:s0], $0x8000  }
0x2ef: {  	[sflag:s0] =	ssyncset.done $0x0  }
0x2f0: {  	[sflag:s0] =	ssyncadd.s32 $0xFFFF8000  }
.LBB2_8:
0x2f1: {  	s0 =	simm.s32 $0x0  }
0x2f2: {  	v0 =	vld [tilespmem:s0+$0x780];
	_ =	sdelay $0x4  }
0x2f3: {  	v0 =	vshll.u32 v0, $0x8  }
0x2f4: {  	v5 =	vshra.s32 v0, $0x2  }
0x2f5: {  	(v2sf) =	vpush v5, $0x0;
	_ =	sdelay $0xe  }
0x2f6: {  	s23 =	spop (v2sf)  }
0x2f7: {  	v0 =	vld [tilespmem:s23+$0x0];
	_ =	sdelay $0x3  }
0x2f8: {  	s25 =	simm.s32 $0x8B80  }
0x2f9: {  	[tilespmem:s25+$0xFFFFFE00] =	vst v0  }
0x2fa: {  	v0 =	vld [tilespmem:s23+$0x10];
	_ =	sdelay $0x1  }
0x2fb: {  	(v2sf) =	vpush v5, $0x1;
	_ =	sdelay $0x2  }
0x2fc: {  	[tilespmem:s25+$0xFFFFFE10] =	vst v0  }
0x2fd: {  	v0 =	vld [tilespmem:s23+$0x20];
	_ =	sdelay $0x4  }
0x2fe: {  	[tilespmem:s25+$0xFFFFFE20] =	vst v0  }
0x2ff: {  	v0 =	vld [tilespmem:s23+$0x30];
	_ =	sdelay $0x4  }
0x300: {  	s24 =	spop (v2sf);
	[tilespmem:s25+$0xFFFFFE30] =	vst v0  }
0x301: {  	v0 =	vld [tilespmem:s24+$0x0];
	_ =	sdelay $0x4  }
0x302: {  	[tilespmem:s25+$0xFFFFFE40] =	vst v0  }
0x303: {  	v0 =	vld [tilespmem:s24+$0x10];
	_ =	sdelay $0x1  }
0x304: {  	(v2sf) =	vpush v5, $0x2;
	_ =	sdelay $0x2  }
0x305: {  	[tilespmem:s25+$0xFFFFFE50] =	vst v0  }
0x306: {  	v0 =	vld [tilespmem:s24+$0x20];
	_ =	sdelay $0x3  }
0x307: {  	s1 =	simm.s32 $0x10  }
0x308: {  	v1 =	vld [tilespmem:s1+$0x780];
	[tilespmem:s25+$0xFFFFFE60] =	vst v0  }
0x309: {  	v0 =	vld [tilespmem:s24+$0x30];
	_ =	sdelay $0x4  }
0x30a: {  	v1 =	vshll.u32 v1, $0x8;
	s26 =	spop (v2sf);
	[tilespmem:s25+$0xFFFFFE70] =	vst v0  }
0x30b: {  	v1 =	vshra.s32 v1, $0x2;
	v0 =	vld [tilespmem:s26+$0x0]  }
0x30c: {  	(v2sf) =	vpush v1, $0x0;
	_ =	sdelay $0x3  }
0x30d: {  	[tilespmem:s25+$0xFFFFFE80] =	vst v0  }
0x30e: {  	v0 =	vld [tilespmem:s26+$0x10];
	_ =	sdelay $0x1  }
0x30f: {  	(v2sf) =	vpush v5, $0x3;
	_ =	sdelay $0x2  }
0x310: {  	[tilespmem:s25+$0xFFFFFE90] =	vst v0  }
0x311: {  	v0 =	vld [tilespmem:s26+$0x20];
	_ =	sdelay $0x3  }
0x312: {  	s28 =	spop (v2sf)  }
0x313: {  	v2 =	vld [tilespmem:s28+$0x0];
	[tilespmem:s25+$0xFFFFFEA0] =	vst v0  }
0x314: {  	v0 =	vld [tilespmem:s26+$0x30];
	_ =	sdelay $0x2  }
0x315: {  	s20 =	simm.s32 $0x8F80  }
0x316: {  	[tilespmem:s20+$0xFFFFFE00] =	vst v2  }
0x317: {  	v2 =	vld [tilespmem:s28+$0x10];
	s29 =	spop (v2sf);
	[tilespmem:s25+$0xFFFFFEB0] =	vst v0  }
0x318: {  	v0 =	vld [tilespmem:s29+$0x0]  }
0x319: {  	(v2sf) =	vpush v1, $0x1;
	_ =	sdelay $0x2  }
0x31a: {  	[tilespmem:s20+$0xFFFFFE10] =	vst v2  }
0x31b: {  	v2 =	vld [tilespmem:s28+$0x20];
	[tilespmem:s25+$0xFFFFFEC0] =	vst v0  }
0x31c: {  	v0 =	vld [tilespmem:s29+$0x10];
	_ =	sdelay $0x1  }
0x31d: {  	(v2sf) =	vpush v5, $0x4;
	_ =	sdelay $0x1  }
0x31e: {  	[tilespmem:s20+$0xFFFFFE20] =	vst v2  }
0x31f: {  	v2 =	vld [tilespmem:s28+$0x30];
	[tilespmem:s25+$0xFFFFFED0] =	vst v0  }
0x320: {  	v0 =	vld [tilespmem:s29+$0x20];
	_ =	sdelay $0x3  }
0x321: {  	s30 =	spop (v2sf);
	[tilespmem:s20+$0xFFFFFE30] =	vst v2  }
0x322: {  	v2 =	vld [tilespmem:s30+$0x0];
	[tilespmem:s25+$0xFFFFFEE0] =	vst v0  }
0x323: {  	v0 =	vld [tilespmem:s29+$0x30];
	_ =	sdelay $0x3  }
0x324: {  	[tilespmem:s20+$0xFFFFFE40] =	vst v2  }
0x325: {  	s31 =	spop (v2sf);
	v2 =	vld [tilespmem:s30+$0x10];
	[tilespmem:s25+$0xFFFFFEF0] =	vst v0  }
0x326: {  	v0 =	vld [tilespmem:s31+$0x0]  }
0x327: {  	(v2sf) =	vpush v1, $0x2;
	_ =	sdelay $0x2  }
0x328: {  	[tilespmem:s20+$0xFFFFFE50] =	vst v2  }
0x329: {  	v2 =	vld [tilespmem:s30+$0x20];
	[tilespmem:s25+$0xFFFFFF00] =	vst v0  }
0x32a: {  	v0 =	vld [tilespmem:s31+$0x10];
	_ =	sdelay $0x1  }
0x32b: {  	(v2sf) =	vpush v5, $0x5  }
0x32c: {  	s2 =	simm.s32 $0x20  }
0x32d: {  	v3 =	vld [tilespmem:s2+$0x780];
	[tilespmem:s20+$0xFFFFFE60] =	vst v2  }
0x32e: {  	v2 =	vld [tilespmem:s30+$0x30];
	[tilespmem:s25+$0xFFFFFF10] =	vst v0  }
0x32f: {  	v4 =	vld [tilespmem:s31+$0x20];
	_ =	sdelay $0x3  }
0x330: {  	s2 =	spop (v2sf);
	[tilespmem:s20+$0xFFFFFE70] =	vst v2;
	v0 =	vshll.u32 v3, $0x8  }
0x331: {  	v2 =	vld [tilespmem:s2+$0x0];
	v0 =	vshra.s32 v0, $0x2;
	[tilespmem:s25+$0xFFFFFF20] =	vst v4  }
0x332: {  	(v2sf) =	vpush v0, $0x0;
	v3 =	vld [tilespmem:s31+$0x30];
	_ =	sdelay $0x3  }
0x333: {  	[tilespmem:s20+$0xFFFFFE80] =	vst v2  }
0x334: {  	s3 =	spop (v2sf);
	v2 =	vld [tilespmem:s2+$0x10];
	[tilespmem:s25+$0xFFFFFF30] =	vst v3  }
0x335: {  	v3 =	vld [tilespmem:s3+$0x0]  }
0x336: {  	(v2sf) =	vpush v1, $0x3;
	_ =	sdelay $0x2  }
0x337: {  	[tilespmem:s20+$0xFFFFFE90] =	vst v2  }
0x338: {  	v2 =	vld [tilespmem:s2+$0x20];
	[tilespmem:s25+$0xFFFFFF40] =	vst v3  }
0x339: {  	v3 =	vld [tilespmem:s3+$0x10];
	_ =	sdelay $0x1  }
0x33a: {  	(v2sf) =	vpush v5, $0x6  }
0x33b: {  	s4 =	spop (v2sf)  }
0x33c: {  	[tilespmem:s20+$0xFFFFFEA0] =	vst v2;
	v4 =	vld [tilespmem:s4+$0x0]  }
0x33d: {  	v2 =	vld [tilespmem:s2+$0x30];
	[tilespmem:s25+$0xFFFFFF50] =	vst v3  }
0x33e: {  	v3 =	vld [tilespmem:s3+$0x20];
	_ =	sdelay $0x1  }
0x33f: {  	s21 =	simm.s32 $0x9380  }
0x340: {  	[tilespmem:s21+$0xFFFFFE00] =	vst v4  }
0x341: {  	s5 =	spop (v2sf);
	[tilespmem:s20+$0xFFFFFEB0] =	vst v2;
	v4 =	vld [tilespmem:s4+$0x10]  }
0x342: {  	v2 =	vld [tilespmem:s5+$0x0];
	[tilespmem:s25+$0xFFFFFF60] =	vst v3  }
0x343: {  	(v2sf) =	vpush v0, $0x1;
	v3 =	vld [tilespmem:s3+$0x30];
	_ =	sdelay $0x2  }
0x344: {  	[tilespmem:s21+$0xFFFFFE10] =	vst v4  }
0x345: {  	[tilespmem:s20+$0xFFFFFEC0] =	vst v2;
	v4 =	vld [tilespmem:s4+$0x20]  }
0x346: {  	s6 =	spop (v2sf);
	v2 =	vld [tilespmem:s5+$0x10];
	[tilespmem:s25+$0xFFFFFF70] =	vst v3  }
0x347: {  	v3 =	vld [tilespmem:s6+$0x0]  }
0x348: {  	(v2sf) =	vpush v1, $0x4;
	_ =	sdelay $0x1  }
0x349: {  	[tilespmem:s21+$0xFFFFFE20] =	vst v4  }
0x34a: {  	[tilespmem:s20+$0xFFFFFED0] =	vst v2;
	v4 =	vld [tilespmem:s4+$0x30]  }
0x34b: {  	v2 =	vld [tilespmem:s5+$0x20];
	[tilespmem:s25+$0xFFFFFF80] =	vst v3  }
0x34c: {  	v3 =	vld [tilespmem:s6+$0x10];
	_ =	sdelay $0x1  }
0x34d: {  	(v2sf) =	vpush v5, $0x7  }
0x34e: {  	s7 =	spop (v2sf);
	[tilespmem:s21+$0xFFFFFE30] =	vst v4  }
0x34f: {  	[tilespmem:s20+$0xFFFFFEE0] =	vst v2;
	v4 =	vld [tilespmem:s7+$0x0]  }
0x350: {  	v2 =	vld [tilespmem:s5+$0x30];
	[tilespmem:s25+$0xFFFFFF90] =	vst v3  }
0x351: {  	v3 =	vld [tilespmem:s6+$0x20];
	_ =	sdelay $0x2  }
0x352: {  	[tilespmem:s21+$0xFFFFFE40] =	vst v4  }
0x353: {  	s8 =	spop (v2sf);
	[tilespmem:s20+$0xFFFFFEF0] =	vst v2;
	v4 =	vld [tilespmem:s7+$0x10]  }
0x354: {  	v2 =	vld [tilespmem:s8+$0x0];
	[tilespmem:s25+$0xFFFFFFA0] =	vst v3  }
0x355: {  	(v2sf) =	vpush v0, $0x2;
	v3 =	vld [tilespmem:s6+$0x30];
	_ =	sdelay $0x2  }
0x356: {  	[tilespmem:s21+$0xFFFFFE50] =	vst v4  }
0x357: {  	[tilespmem:s20+$0xFFFFFF00] =	vst v2;
	v4 =	vld [tilespmem:s7+$0x20]  }
0x358: {  	s9 =	spop (v2sf);
	v2 =	vld [tilespmem:s8+$0x10];
	[tilespmem:s25+$0xFFFFFFB0] =	vst v3  }
0x359: {  	v3 =	vld [tilespmem:s9+$0x0]  }
0x35a: {  	(v2sf) =	vpush v1, $0x5  }
0x35b: {  	s3 =	simm.s32 $0x30  }
0x35c: {  	v6 =	vld [tilespmem:s3+$0x780];
	[tilespmem:s21+$0xFFFFFE60] =	vst v4  }
0x35d: {  	[tilespmem:s20+$0xFFFFFF10] =	vst v2;
	v4 =	vld [tilespmem:s7+$0x30]  }
0x35e: {  	v7 =	vld [tilespmem:s8+$0x20];
	[tilespmem:s25+$0xFFFFFFC0] =	vst v3  }
0x35f: {  	v3 =	vld [tilespmem:s9+$0x10];
	_ =	sdelay $0x1  }
0x360: {  	(v2sf) =	vpush v5, $0x8  }
0x361: {  	s10 =	spop (v2sf);
	v2 =	vshll.u32 v6, $0x8;
	[tilespmem:s21+$0xFFFFFE70] =	vst v4  }
0x362: {  	v2 =	vshra.s32 v2, $0x2;
	[tilespmem:s20+$0xFFFFFF20] =	vst v7;
	v4 =	vld [tilespmem:s10+$0x0]  }
0x363: {  	(v2sf) =	vpush v2, $0x0;
	v6 =	vld [tilespmem:s8+$0x30];
	[tilespmem:s25+$0xFFFFFFD0] =	vst v3  }
0x364: {  	v3 =	vld [tilespmem:s9+$0x20];
	_ =	sdelay $0x2  }
0x365: {  	[tilespmem:s21+$0xFFFFFE80] =	vst v4  }
0x366: {  	s11 =	spop (v2sf);
	[tilespmem:s20+$0xFFFFFF30] =	vst v6;
	v4 =	vld [tilespmem:s10+$0x10]  }
0x367: {  	v6 =	vld [tilespmem:s11+$0x0];
	[tilespmem:s25+$0xFFFFFFE0] =	vst v3  }
0x368: {  	(v2sf) =	vpush v0, $0x3;
	v3 =	vld [tilespmem:s9+$0x30];
	_ =	sdelay $0x2  }
0x369: {  	[tilespmem:s21+$0xFFFFFE90] =	vst v4  }
0x36a: {  	[tilespmem:s20+$0xFFFFFF40] =	vst v6;
	v4 =	vld [tilespmem:s10+$0x20]  }
0x36b: {  	s12 =	spop (v2sf);
	v6 =	vld [tilespmem:s11+$0x10];
	[tilespmem:s25+$0xFFFFFFF0] =	vst v3  }
0x36c: {  	v3 =	vld [tilespmem:s12+$0x0]  }
0x36d: {  	(v2sf) =	vpush v1, $0x6  }
0x36e: {  	s13 =	spop (v2sf)  }
0x36f: {  	v7 =	vld [tilespmem:s13+$0x0];
	[tilespmem:s21+$0xFFFFFEA0] =	vst v4  }
0x370: {  	[tilespmem:s20+$0xFFFFFF50] =	vst v6;
	v4 =	vld [tilespmem:s10+$0x30]  }
0x371: {  	v6 =	vld [tilespmem:s11+$0x20];
	[tilespmem:s25+$0x0] =	vst v3  }
0x372: {  	v3 =	vld [tilespmem:s12+$0x10]  }
0x373: {  	s22 =	simm.s32 $0x9780  }
0x374: {  	(v2sf) =	vpush v5, $0x9;
	[tilespmem:s22+$0xFFFFFE00] =	vst v7  }
0x375: {  	s14 =	spop (v2sf);
	v7 =	vld [tilespmem:s13+$0x10];
	[tilespmem:s21+$0xFFFFFEB0] =	vst v4  }
0x376: {  	[tilespmem:s20+$0xFFFFFF60] =	vst v6;
	v4 =	vld [tilespmem:s14+$0x0]  }
0x377: {  	(v2sf) =	vpush v2, $0x1;
	v6 =	vld [tilespmem:s11+$0x30];
	[tilespmem:s25+$0x10] =	vst v3  }
0x378: {  	v3 =	vld [tilespmem:s12+$0x20];
	_ =	sdelay $0x1  }
0x379: {  	[tilespmem:s22+$0xFFFFFE10] =	vst v7  }
0x37a: {  	v7 =	vld [tilespmem:s13+$0x20];
	[tilespmem:s21+$0xFFFFFEC0] =	vst v4  }
0x37b: {  	s15 =	spop (v2sf);
	[tilespmem:s20+$0xFFFFFF70] =	vst v6;
	v4 =	vld [tilespmem:s14+$0x10]  }
0x37c: {  	v6 =	vld [tilespmem:s15+$0x0];
	[tilespmem:s25+$0x20] =	vst v3  }
0x37d: {  	(v2sf) =	vpush v0, $0x4;
	v3 =	vld [tilespmem:s12+$0x30];
	_ =	sdelay $0x1  }
0x37e: {  	[tilespmem:s22+$0xFFFFFE20] =	vst v7  }
0x37f: {  	v7 =	vld [tilespmem:s13+$0x30];
	[tilespmem:s21+$0xFFFFFED0] =	vst v4  }
0x380: {  	[tilespmem:s20+$0xFFFFFF80] =	vst v6;
	v4 =	vld [tilespmem:s14+$0x20]  }
0x381: {  	s16 =	spop (v2sf);
	v6 =	vld [tilespmem:s15+$0x10];
	[tilespmem:s25+$0x30] =	vst v3  }
0x382: {  	v3 =	vld [tilespmem:s16+$0x0]  }
0x383: {  	(v2sf) =	vpush v1, $0x7  }
0x384: {  	s17 =	spop (v2sf);
	[tilespmem:s22+$0xFFFFFE30] =	vst v7  }
0x385: {  	v7 =	vld [tilespmem:s17+$0x0];
	[tilespmem:s21+$0xFFFFFEE0] =	vst v4  }
0x386: {  	[tilespmem:s20+$0xFFFFFF90] =	vst v6;
	v4 =	vld [tilespmem:s14+$0x30]  }
0x387: {  	v6 =	vld [tilespmem:s15+$0x20];
	[tilespmem:s25+$0x40] =	vst v3  }
0x388: {  	v3 =	vld [tilespmem:s16+$0x10];
	_ =	sdelay $0x1  }
0x389: {  	(v2sf) =	vpush v5, $0xA;
	[tilespmem:s22+$0xFFFFFE40] =	vst v7  }
0x38a: {  	s19 =	spop (v2sf);
	v7 =	vld [tilespmem:s17+$0x10];
	[tilespmem:s21+$0xFFFFFEF0] =	vst v4  }
0x38b: {  	[tilespmem:s20+$0xFFFFFFA0] =	vst v6;
	v4 =	vld [tilespmem:s19+$0x0]  }
0x38c: {  	(v2sf) =	vpush v2, $0x2;
	v6 =	vld [tilespmem:s15+$0x30];
	[tilespmem:s25+$0x50] =	vst v3  }
0x38d: {  	v3 =	vld [tilespmem:s16+$0x20];
	_ =	sdelay $0x1  }
0x38e: {  	[tilespmem:s22+$0xFFFFFE50] =	vst v7  }
0x38f: {  	v7 =	vld [tilespmem:s17+$0x20];
	[tilespmem:s21+$0xFFFFFF00] =	vst v4  }
0x390: {  	s23 =	spop (v2sf);
	[tilespmem:s20+$0xFFFFFFB0] =	vst v6;
	v4 =	vld [tilespmem:s19+$0x10]  }
0x391: {  	v6 =	vld [tilespmem:s23+$0x0];
	[tilespmem:s25+$0x60] =	vst v3  }
0x392: {  	(v2sf) =	vpush v0, $0x5;
	v3 =	vld [tilespmem:s16+$0x30]  }
0x393: {  	s24 =	simm.s32 $0x40  }
0x394: {  	v8 =	vld [tilespmem:s24+$0x780];
	[tilespmem:s22+$0xFFFFFE60] =	vst v7  }
0x395: {  	v7 =	vld [tilespmem:s17+$0x30];
	[tilespmem:s21+$0xFFFFFF10] =	vst v4  }
0x396: {  	[tilespmem:s20+$0xFFFFFFC0] =	vst v6;
	v4 =	vld [tilespmem:s19+$0x20]  }
0x397: {  	s26 =	spop (v2sf);
	v6 =	vld [tilespmem:s23+$0x10];
	[tilespmem:s25+$0x70] =	vst v3  }
0x398: {  	v9 =	vld [tilespmem:s26+$0x0]  }
0x399: {  	(v2sf) =	vpush v1, $0x8  }
0x39a: {  	s28 =	spop (v2sf);
	[tilespmem:s22+$0xFFFFFE70] =	vst v7;
	v3 =	vshll.u32 v8, $0x8  }
0x39b: {  	v7 =	vld [tilespmem:s28+$0x0];
	[tilespmem:s21+$0xFFFFFF20] =	vst v4;
	v3 =	vshra.s32 v3, $0x2  }
0x39c: {  	[tilespmem:s20+$0xFFFFFFD0] =	vst v6;
	v4 =	vld [tilespmem:s19+$0x30];
	(v2sf) =	vpush v3, $0x0  }
0x39d: {  	v6 =	vld [tilespmem:s23+$0x20];
	[tilespmem:s25+$0x80] =	vst v9  }
0x39e: {  	v8 =	vld [tilespmem:s26+$0x10];
	_ =	sdelay $0x1  }
0x39f: {  	[tilespmem:s22+$0xFFFFFE80] =	vst v7;
	(v2sf) =	vpush v5, $0xB  }
0x3a0: {  	s29 =	spop (v2sf);
	v7 =	vld [tilespmem:s28+$0x10];
	[tilespmem:s21+$0xFFFFFF30] =	vst v4  }
0x3a1: {  	[tilespmem:s20+$0xFFFFFFE0] =	vst v6;
	v4 =	vld [tilespmem:s29+$0x0]  }
0x3a2: {  	v6 =	vld [tilespmem:s23+$0x30];
	(v2sf) =	vpush v2, $0x3;
	[tilespmem:s25+$0x90] =	vst v8  }
0x3a3: {  	v8 =	vld [tilespmem:s26+$0x20];
	_ =	sdelay $0x1  }
0x3a4: {  	[tilespmem:s22+$0xFFFFFE90] =	vst v7  }
0x3a5: {  	v7 =	vld [tilespmem:s28+$0x20];
	[tilespmem:s21+$0xFFFFFF40] =	vst v4  }
0x3a6: {  	s30 =	spop (v2sf);
	[tilespmem:s20+$0xFFFFFFF0] =	vst v6;
	v4 =	vld [tilespmem:s29+$0x10]  }
0x3a7: {  	v6 =	vld [tilespmem:s30+$0x0];
	[tilespmem:s25+$0xA0] =	vst v8  }
0x3a8: {  	(v2sf) =	vpush v0, $0x6;
	v8 =	vld [tilespmem:s26+$0x30]  }
0x3a9: {  	s31 =	spop (v2sf)  }
0x3aa: {  	[tilespmem:s22+$0xFFFFFEA0] =	vst v7;
	v9 =	vld [tilespmem:s31+$0x0]  }
0x3ab: {  	v7 =	vld [tilespmem:s28+$0x30];
	[tilespmem:s21+$0xFFFFFF50] =	vst v4  }
0x3ac: {  	[tilespmem:s20+$0x0] =	vst v6;
	v4 =	vld [tilespmem:s29+$0x20]  }
0x3ad: {  	v6 =	vld [tilespmem:s30+$0x10];
	s5 =	spop (v2sf);
	[tilespmem:s25+$0xB0] =	vst v8  }
0x3ae: {  	s23 =	simm.s32 $0x9B80;
	v8 =	vld [tilespmem:s5+$0x0]  }
0x3af: {  	(v2sf) =	vpush v1, $0x9;
	[tilespmem:s23+$0xFFFFFE00] =	vst v9  }
0x3b0: {  	[tilespmem:s22+$0xFFFFFEB0] =	vst v7;
	s4 =	spop (v2sf);
	v9 =	vld [tilespmem:s31+$0x10]  }
0x3b1: {  	v7 =	vld [tilespmem:s4+$0x0];
	[tilespmem:s21+$0xFFFFFF60] =	vst v4  }
0x3b2: {  	(v2sf) =	vpush v3, $0x1;
	[tilespmem:s20+$0x10] =	vst v6;
	v4 =	vld [tilespmem:s29+$0x30]  }
0x3b3: {  	v6 =	vld [tilespmem:s30+$0x20];
	[tilespmem:s25+$0xC0] =	vst v8  }
0x3b4: {  	v8 =	vld [tilespmem:s5+$0x10]  }
0x3b5: {  	[tilespmem:s23+$0xFFFFFE10] =	vst v9  }
0x3b6: {  	(v2sf) =	vpush v5, $0xC;
	[tilespmem:s22+$0xFFFFFEC0] =	vst v7;
	v9 =	vld [tilespmem:s31+$0x20]  }
0x3b7: {  	s6 =	spop (v2sf);
	v7 =	vld [tilespmem:s4+$0x10];
	[tilespmem:s21+$0xFFFFFF70] =	vst v4  }
0x3b8: {  	[tilespmem:s20+$0x20] =	vst v6;
	v4 =	vld [tilespmem:s6+$0x0]  }
0x3b9: {  	(v2sf) =	vpush v2, $0x4;
	v6 =	vld [tilespmem:s30+$0x30];
	[tilespmem:s25+$0xD0] =	vst v8  }
0x3ba: {  	v8 =	vld [tilespmem:s5+$0x20]  }
0x3bb: {  	[tilespmem:s23+$0xFFFFFE20] =	vst v9  }
0x3bc: {  	[tilespmem:s22+$0xFFFFFED0] =	vst v7;
	v9 =	vld [tilespmem:s31+$0x30]  }
0x3bd: {  	v7 =	vld [tilespmem:s4+$0x20];
	[tilespmem:s21+$0xFFFFFF80] =	vst v4  }
0x3be: {  	[tilespmem:s20+$0x30] =	vst v6;
	s7 =	spop (v2sf);
	v4 =	vld [tilespmem:s6+$0x10]  }
0x3bf: {  	v6 =	vld [tilespmem:s7+$0x0];
	[tilespmem:s25+$0xE0] =	vst v8  }
0x3c0: {  	(v2sf) =	vpush v0, $0x7;
	v8 =	vld [tilespmem:s5+$0x30]  }
0x3c1: {  	s8 =	spop (v2sf);
	[tilespmem:s23+$0xFFFFFE30] =	vst v9  }
0x3c2: {  	[tilespmem:s22+$0xFFFFFEE0] =	vst v7;
	v9 =	vld [tilespmem:s8+$0x0]  }
0x3c3: {  	v7 =	vld [tilespmem:s4+$0x30];
	[tilespmem:s21+$0xFFFFFF90] =	vst v4  }
0x3c4: {  	[tilespmem:s20+$0x40] =	vst v6;
	v4 =	vld [tilespmem:s6+$0x20]  }
0x3c5: {  	s9 =	spop (v2sf);
	v6 =	vld [tilespmem:s7+$0x10];
	[tilespmem:s25+$0xF0] =	vst v8  }
0x3c6: {  	v8 =	vld [tilespmem:s9+$0x0]  }
0x3c7: {  	(v2sf) =	vpush v1, $0xA;
	[tilespmem:s23+$0xFFFFFE40] =	vst v9  }
0x3c8: {  	s10 =	spop (v2sf);
	[tilespmem:s22+$0xFFFFFEF0] =	vst v7;
	v9 =	vld [tilespmem:s8+$0x10]  }
0x3c9: {  	v7 =	vld [tilespmem:s10+$0x0];
	[tilespmem:s21+$0xFFFFFFA0] =	vst v4  }
0x3ca: {  	(v2sf) =	vpush v3, $0x2;
	[tilespmem:s20+$0x50] =	vst v6;
	v4 =	vld [tilespmem:s6+$0x30]  }
0x3cb: {  	v6 =	vld [tilespmem:s7+$0x20];
	[tilespmem:s25+$0x100] =	vst v8  }
0x3cc: {  	v8 =	vld [tilespmem:s9+$0x10]  }
0x3cd: {  	[tilespmem:s23+$0xFFFFFE50] =	vst v9  }
0x3ce: {  	(v2sf) =	vpush v5, $0xD;
	[tilespmem:s22+$0xFFFFFF00] =	vst v7;
	v9 =	vld [tilespmem:s8+$0x20]  }
0x3cf: {  	s11 =	spop (v2sf);
	v7 =	vld [tilespmem:s10+$0x10];
	[tilespmem:s21+$0xFFFFFFB0] =	vst v4  }
0x3d0: {  	[tilespmem:s20+$0x60] =	vst v6;
	v4 =	vld [tilespmem:s11+$0x0]  }
0x3d1: {  	(v2sf) =	vpush v2, $0x5;
	v6 =	vld [tilespmem:s7+$0x30];
	[tilespmem:s25+$0x110] =	vst v8  }
0x3d2: {  	s12 =	simm.s32 $0x50;
	v8 =	vld [tilespmem:s9+$0x20]  }
0x3d3: {  	v10 =	vld [tilespmem:s12+$0x780];
	[tilespmem:s23+$0xFFFFFE60] =	vst v9  }
0x3d4: {  	[tilespmem:s22+$0xFFFFFF10] =	vst v7;
	v9 =	vld [tilespmem:s8+$0x30]  }
0x3d5: {  	v7 =	vld [tilespmem:s10+$0x20];
	[tilespmem:s21+$0xFFFFFFC0] =	vst v4  }
0x3d6: {  	s13 =	spop (v2sf);
	[tilespmem:s20+$0x70] =	vst v6;
	v11 =	vld [tilespmem:s11+$0x10]  }
0x3d7: {  	v6 =	vld [tilespmem:s13+$0x0];
	[tilespmem:s25+$0x120] =	vst v8  }
0x3d8: {  	(v2sf) =	vpush v0, $0x8;
	v8 =	vld [tilespmem:s9+$0x30]  }
0x3d9: {  	s14 =	spop (v2sf);
	v4 =	vshll.u32 v10, $0x8;
	[tilespmem:s23+$0xFFFFFE70] =	vst v9  }
0x3da: {  	v4 =	vshra.s32 v4, $0x2;
	[tilespmem:s22+$0xFFFFFF20] =	vst v7;
	v9 =	vld [tilespmem:s14+$0x0]  }
0x3db: {  	(v2sf) =	vpush v4, $0x0;
	v7 =	vld [tilespmem:s10+$0x30];
	[tilespmem:s21+$0xFFFFFFD0] =	vst v11  }
0x3dc: {  	[tilespmem:s20+$0x80] =	vst v6;
	v10 =	vld [tilespmem:s11+$0x20]  }
0x3dd: {  	s15 =	spop (v2sf);
	v6 =	vld [tilespmem:s13+$0x10];
	[tilespmem:s25+$0x130] =	vst v8  }
0x3de: {  	v8 =	vld [tilespmem:s15+$0x0]  }
0x3df: {  	(v2sf) =	vpush v1, $0xB;
	[tilespmem:s23+$0xFFFFFE80] =	vst v9  }
0x3e0: {  	s16 =	spop (v2sf);
	[tilespmem:s22+$0xFFFFFF30] =	vst v7;
	v9 =	vld [tilespmem:s14+$0x10]  }
0x3e1: {  	v7 =	vld [tilespmem:s16+$0x0];
	[tilespmem:s21+$0xFFFFFFE0] =	vst v10  }
0x3e2: {  	(v2sf) =	vpush v3, $0x3;
	[tilespmem:s20+$0x90] =	vst v6;
	v10 =	vld [tilespmem:s11+$0x30]  }
0x3e3: {  	v11 =	vld [tilespmem:s13+$0x20];
	[tilespmem:s25+$0x140] =	vst v8  }
0x3e4: {  	s17 =	simm.s32 $0x60;
	v8 =	vld [tilespmem:s15+$0x10]  }
0x3e5: {  	v6 =	vld [tilespmem:s17+$0x780];
	[tilespmem:s23+$0xFFFFFE90] =	vst v9  }
0x3e6: {  	(v2sf) =	vpush v5, $0xE;
	[tilespmem:s22+$0xFFFFFF40] =	vst v7;
	v9 =	vld [tilespmem:s14+$0x20]  }
0x3e7: {  	s19 =	spop (v2sf);
	v7 =	vld [tilespmem:s16+$0x10];
	[tilespmem:s21+$0xFFFFFFF0] =	vst v10  }
0x3e8: {  	[tilespmem:s20+$0xA0] =	vst v11;
	v10 =	vld [tilespmem:s19+$0x0]  }
0x3e9: {  	(v2sf) =	vpush v2, $0x6;
	v11 =	vld [tilespmem:s13+$0x30];
	[tilespmem:s25+$0x150] =	vst v8  }
0x3ea: {  	s26 =	spop (v2sf);
	v8 =	vld [tilespmem:s15+$0x20]  }
0x3eb: {  	v12 =	vld [tilespmem:s26+$0x0];
	[tilespmem:s23+$0xFFFFFEA0] =	vst v9  }
0x3ec: {  	[tilespmem:s22+$0xFFFFFF50] =	vst v7;
	v9 =	vld [tilespmem:s14+$0x30]  }
0x3ed: {  	v7 =	vld [tilespmem:s16+$0x20];
	[tilespmem:s21+$0x0] =	vst v10  }
0x3ee: {  	s28 =	spop (v2sf);
	[tilespmem:s20+$0xB0] =	vst v11;
	v10 =	vld [tilespmem:s19+$0x10]  }
0x3ef: {  	s24 =	simm.s32 $0x9F80;
	v11 =	vld [tilespmem:s28+$0x0];
	[tilespmem:s25+$0x160] =	vst v8  }
0x3f0: {  	(v2sf) =	vpush v0, $0x9;
	[tilespmem:s24+$0xFFFFFE00] =	vst v12;
	v8 =	vld [tilespmem:s15+$0x30]  }
0x3f1: {  	s29 =	spop (v2sf);
	v12 =	vld [tilespmem:s26+$0x10];
	[tilespmem:s23+$0xFFFFFEB0] =	vst v9  }
0x3f2: {  	[tilespmem:s22+$0xFFFFFF60] =	vst v7;
	v9 =	vld [tilespmem:s29+$0x0]  }
0x3f3: {  	(v2sf) =	vpush v4, $0x1;
	v7 =	vld [tilespmem:s16+$0x30];
	[tilespmem:s21+$0x10] =	vst v10  }
0x3f4: {  	[tilespmem:s20+$0xC0] =	vst v11;
	v10 =	vld [tilespmem:s19+$0x20]  }
0x3f5: {  	s30 =	spop (v2sf);
	v11 =	vld [tilespmem:s28+$0x10];
	[tilespmem:s25+$0x170] =	vst v8  }
0x3f6: {  	[tilespmem:s24+$0xFFFFFE10] =	vst v12;
	v8 =	vld [tilespmem:s30+$0x0]  }
0x3f7: {  	(v2sf) =	vpush v1, $0xC;
	v12 =	vld [tilespmem:s26+$0x20];
	[tilespmem:s23+$0xFFFFFEC0] =	vst v9  }
0x3f8: {  	s7 =	spop (v2sf);
	[tilespmem:s22+$0xFFFFFF70] =	vst v7;
	v9 =	vld [tilespmem:s29+$0x10]  }
0x3f9: {  	v7 =	vld [tilespmem:s7+$0x0];
	[tilespmem:s21+$0x20] =	vst v10  }
0x3fa: {  	(v2sf) =	vpush v3, $0x4;
	[tilespmem:s20+$0xD0] =	vst v11;
	v10 =	vld [tilespmem:s19+$0x30]  }
0x3fb: {  	v11 =	vld [tilespmem:s28+$0x20];
	[tilespmem:s25+$0x180] =	vst v8  }
0x3fc: {  	[tilespmem:s24+$0xFFFFFE20] =	vst v12;
	v8 =	vld [tilespmem:s30+$0x10]  }
0x3fd: {  	v12 =	vld [tilespmem:s26+$0x30];
	[tilespmem:s23+$0xFFFFFED0] =	vst v9  }
0x3fe: {  	(v2sf) =	vpush v5, $0xF;
	[tilespmem:s22+$0xFFFFFF80] =	vst v7;
	v9 =	vld [tilespmem:s29+$0x20]  }
0x3ff: {  	s31 =	spop (v2sf);
	v5 =	vld [tilespmem:s7+$0x10];
	[tilespmem:s21+$0x30] =	vst v10  }
0x400: {  	(v2sf) =	vpush v2, $0x7;
	[tilespmem:s20+$0xE0] =	vst v11;
	v7 =	vld [tilespmem:s31+$0x0]  }
0x401: {  	v10 =	vld [tilespmem:s28+$0x30];
	[tilespmem:s25+$0x190] =	vst v8  }
0x402: {  	s5 =	spop (v2sf);
	[tilespmem:s24+$0xFFFFFE30] =	vst v12;
	v8 =	vld [tilespmem:s30+$0x20]  }
0x403: {  	v11 =	vld [tilespmem:s5+$0x0];
	[tilespmem:s23+$0xFFFFFEE0] =	vst v9  }
0x404: {  	[tilespmem:s22+$0xFFFFFF90] =	vst v5;
	v9 =	vld [tilespmem:s29+$0x30]  }
0x405: {  	v5 =	vld [tilespmem:s7+$0x20];
	[tilespmem:s21+$0x40] =	vst v7  }
0x406: {  	s6 =	spop (v2sf);
	[tilespmem:s20+$0xF0] =	vst v10;
	v7 =	vld [tilespmem:s31+$0x10]  }
0x407: {  	v10 =	vld [tilespmem:s6+$0x0];
	[tilespmem:s25+$0x1A0] =	vst v8  }
0x408: {  	(v2sf) =	vpush v0, $0xA;
	[tilespmem:s24+$0xFFFFFE40] =	vst v11;
	v8 =	vld [tilespmem:s30+$0x30]  }
0x409: {  	s3 =	spop (v2sf);
	v11 =	vld [tilespmem:s5+$0x10];
	[tilespmem:s23+$0xFFFFFEF0] =	vst v9  }
0x40a: {  	[tilespmem:s22+$0xFFFFFFA0] =	vst v5;
	v9 =	vld [tilespmem:s3+$0x0]  }
0x40b: {  	(v2sf) =	vpush v4, $0x2;
	v63 =	vld [tilespmem:s7+$0x30];
	[tilespmem:s21+$0x50] =	vst v7  }
0x40c: {  	[tilespmem:s20+$0x100] =	vst v10;
	v7 =	vld [tilespmem:s31+$0x20]  }
0x40d: {  	s1 =	spop (v2sf);
	v13 =	vld [tilespmem:s6+$0x10];
	[tilespmem:s25+$0x1B0] =	vst v8  }
0x40e: {  	[tilespmem:s24+$0xFFFFFE50] =	vst v11;
	v11 =	vld [tilespmem:s1+$0x0]  }
0x40f: {  	s2 =	spop (v2sf);
	(v2sf) =	vpush v1, $0xD;
	v14 =	vld [tilespmem:s5+$0x20];
	[tilespmem:s23+$0xFFFFFF00] =	vst v9  }
0x410: {  	[tilespmem:s22+$0xFFFFFFB0] =	vst v63;
	v5 =	vld [tilespmem:s3+$0x10]  }
0x411: {  	[tilespmem:s21+$0x60] =	vst v7;
	v8 =	vld [tilespmem:s2+$0x0]  }
0x412: {  	(v2sf) =	vpush v3, $0x5;
	[tilespmem:s20+$0x110] =	vst v13;
	v10 =	vld [tilespmem:s31+$0x30]  }
0x413: {  	v9 =	vld [tilespmem:s6+$0x20];
	[tilespmem:s25+$0x1C0] =	vst v11  }
0x414: {  	s0 =	simm.s32 $0x1C0;
	[tilespmem:s24+$0xFFFFFE60] =	vst v14;
	v7 =	vld [tilespmem:s1+$0x10]  }
.LBB2_9:
0x415: {  	p0 =	sne.s32 s0, $0x7C0;
	v11 =	vld [tilespmem:s5+$0x30];
	[tilespmem:s23+$0xFFFFFF10] =	vst v5  }
0x416: {  	v12 =	vld [tilespmem:s3+$0x20];
	[tilespmem:s22+$0xFFFFFFC0] =	vst v8  }
0x417: {  	v8 =	vld [tilespmem:s2+$0x10];
	[tilespmem:s21+$0x70] =	vst v10;
	s4 =	spop (v2sf)  }
0x418: {  	v10 =	vld [tilespmem:s4+$0x0];
	[tilespmem:s20+$0x120] =	vst v9  }
0x419: {  	(v2sf) =	vpush v2, $0x8;
	v9 =	vld [tilespmem:s6+$0x30];
	[tilespmem:s25+$0x1D0] =	vst v7  }
0x41a: {  	v5 =	vshll.u32 v6, $0x8;
	[tilespmem:s24+$0xFFFFFE70] =	vst v11;
	s5 =	spop (v2sf);
	v6 =	vld [tilespmem:s1+$0x20]  }
0x41b: {  	v5 =	vshra.s32 v5, $0x2;
	v7 =	vld [tilespmem:s5+$0x0];
	[tilespmem:s23+$0xFFFFFF20] =	vst v12  }
0x41c: {  	(v2sf) =	vpush v5, $0x0;
	v11 =	vld [tilespmem:s3+$0x30];
	[tilespmem:s22+$0xFFFFFFD0] =	vst v8  }
0x41d: {  	v8 =	vld [tilespmem:s2+$0x20];
	[tilespmem:s21+$0x80] =	vst v10  }
0x41e: {  	v10 =	vld [tilespmem:s4+$0x10];
	[tilespmem:s20+$0x130] =	vst v9;
	s3 =	spop (v2sf)  }
0x41f: {  	v9 =	vld [tilespmem:s3+$0x0];
	[tilespmem:s25+$0x1E0] =	vst v6  }
0x420: {  	[tilespmem:s24+$0xFFFFFE80] =	vst v7;
	(v2sf) =	vpush v0, $0xB;
	v6 =	vld [tilespmem:s1+$0x30]  }
0x421: {  	v7 =	vld [tilespmem:s5+$0x10];
	[tilespmem:s23+$0xFFFFFF30] =	vst v11;
	s6 =	spop (v2sf)  }
0x422: {  	v11 =	vld [tilespmem:s6+$0x0];
	[tilespmem:s22+$0xFFFFFFE0] =	vst v8  }
0x423: {  	(v2sf) =	vpush v4, $0x3;
	v8 =	vld [tilespmem:s2+$0x30];
	[tilespmem:s21+$0x90] =	vst v10  }
0x424: {  	v10 =	vld [tilespmem:s4+$0x20];
	[tilespmem:s20+$0x140] =	vst v9  }
0x425: {  	s1 =	sshra.s32 s0, $0x2;
	v9 =	vld [tilespmem:s3+$0x10];
	[tilespmem:s25+$0x1F0] =	vst v6;
	s25 =	smov.u32 s20;
	s20 =	smov.u32 s21  }
0x426: {  	s21 =	smov.u32 s22;
	s22 =	smov.u32 s23;
	s23 =	smov.u32 s24;
	v6 =	vld [tilespmem:s1+$0x780];
	[tilespmem:s24+$0xFFFFFE90] =	vst v7  }
0x427: {  	v7 =	vld [tilespmem:s5+$0x20];
	[tilespmem:s22+$0xFFFFFF40] =	vst v11;
	(v2sf) =	vpush v1, $0xE  }
0x428: {  	v11 =	vld [tilespmem:s6+$0x10];
	[tilespmem:s21+$0xFFFFFFF0] =	vst v8;
	s8 =	spop (v2sf)  }
0x429: {  	v8 =	vld [tilespmem:s8+$0x0];
	[tilespmem:s20+$0xA0] =	vst v10  }
0x42a: {  	(v2sf) =	vpush v3, $0x6;
	v10 =	vld [tilespmem:s4+$0x30];
	[tilespmem:s25+$0x150] =	vst v9  }
0x42b: {  	s7 =	spop (v2sf);
	v9 =	vld [tilespmem:s3+$0x20]  }
0x42c: {  	v12 =	vld [tilespmem:s7+$0x0];
	[tilespmem:s24+$0xFFFFFEA0] =	vst v7  }
0x42d: {  	v7 =	vld [tilespmem:s5+$0x30];
	[tilespmem:s22+$0xFFFFFF50] =	vst v11  }
0x42e: {  	v11 =	vld [tilespmem:s6+$0x20];
	[tilespmem:s21+$0x0] =	vst v8  }
0x42f: {  	v8 =	vld [tilespmem:s8+$0x10];
	[tilespmem:s20+$0xB0] =	vst v10;
	s1 =	spop (v2sf)  }
0x430: {  	s24 =	sadd.s32 $0x400, s24;
	v10 =	vld [tilespmem:s1+$0x0];
	[tilespmem:s25+$0x160] =	vst v9  }
0x431: {  	[tilespmem:s24+$0xFFFFFE00] =	vst v12;
	(v2sf) =	vpush v2, $0x9;
	v9 =	vld [tilespmem:s3+$0x30]  }
0x432: {  	v12 =	vld [tilespmem:s7+$0x10];
	[tilespmem:s23+$0xFFFFFEB0] =	vst v7;
	s3 =	spop (v2sf)  }
0x433: {  	v7 =	vld [tilespmem:s3+$0x0];
	[tilespmem:s22+$0xFFFFFF60] =	vst v11  }
0x434: {  	(v2sf) =	vpush v5, $0x1;
	v11 =	vld [tilespmem:s6+$0x30];
	[tilespmem:s21+$0x10] =	vst v8  }
0x435: {  	v8 =	vld [tilespmem:s8+$0x20];
	[tilespmem:s20+$0xC0] =	vst v10  }
0x436: {  	v10 =	vld [tilespmem:s1+$0x10];
	[tilespmem:s25+$0x170] =	vst v9;
	s2 =	spop (v2sf)  }
0x437: {  	[tilespmem:s24+$0xFFFFFE10] =	vst v12;
	v9 =	vld [tilespmem:s2+$0x0]  }
0x438: {  	v12 =	vld [tilespmem:s7+$0x20];
	[tilespmem:s23+$0xFFFFFEC0] =	vst v7;
	(v2sf) =	vpush v0, $0xC  }
0x439: {  	v7 =	vld [tilespmem:s3+$0x10];
	[tilespmem:s22+$0xFFFFFF70] =	vst v11;
	s4 =	spop (v2sf)  }
0x43a: {  	v11 =	vld [tilespmem:s4+$0x0];
	[tilespmem:s21+$0x20] =	vst v8  }
0x43b: {  	(v2sf) =	vpush v4, $0x4;
	v8 =	vld [tilespmem:s8+$0x30];
	[tilespmem:s20+$0xD0] =	vst v10  }
0x43c: {  	v10 =	vld [tilespmem:s1+$0x20];
	[tilespmem:s25+$0x180] =	vst v9  }
0x43d: {  	[tilespmem:s24+$0xFFFFFE20] =	vst v12;
	v9 =	vld [tilespmem:s2+$0x10]  }
0x43e: {  	v12 =	vld [tilespmem:s7+$0x30];
	[tilespmem:s23+$0xFFFFFED0] =	vst v7  }
0x43f: {  	v7 =	vld [tilespmem:s3+$0x20];
	[tilespmem:s22+$0xFFFFFF80] =	vst v11;
	(v2sf) =	vpush v1, $0xF;
	v1 =	vmovc v0;
	v0 =	vmovc v2;
	v2 =	vmov v3;
	v3 =	vmov v4  }
0x440: {  	v4 =	vmov v5;
	v11 =	vld [tilespmem:s4+$0x10];
	[tilespmem:s21+$0x30] =	vst v8;
	s7 =	spop (v2sf)  }
0x441: {  	v5 =	vld [tilespmem:s7+$0x0];
	[tilespmem:s20+$0xE0] =	vst v10  }
0x442: {  	(v2sf) =	vpush v2, $0x7;
	v8 =	vld [tilespmem:s1+$0x30];
	[tilespmem:s25+$0x190] =	vst v9  }
0x443: {  	[tilespmem:s24+$0xFFFFFE30] =	vst v12;
	s5 =	spop (v2sf);
	v9 =	vld [tilespmem:s2+$0x20]  }
0x444: {  	v10 =	vld [tilespmem:s5+$0x0];
	[tilespmem:s23+$0xFFFFFEE0] =	vst v7  }
0x445: {  	v7 =	vld [tilespmem:s3+$0x30];
	[tilespmem:s22+$0xFFFFFF90] =	vst v11  }
0x446: {  	v11 =	vld [tilespmem:s4+$0x20];
	[tilespmem:s21+$0x40] =	vst v5  }
0x447: {  	v5 =	vld [tilespmem:s7+$0x10];
	[tilespmem:s20+$0xF0] =	vst v8;
	s6 =	spop (v2sf)  }
0x448: {  	v8 =	vld [tilespmem:s6+$0x0];
	[tilespmem:s25+$0x1A0] =	vst v9  }
0x449: {  	[tilespmem:s24+$0xFFFFFE40] =	vst v10;
	(v2sf) =	vpush v0, $0xA;
	v9 =	vld [tilespmem:s2+$0x30]  }
0x44a: {  	v10 =	vld [tilespmem:s5+$0x10];
	[tilespmem:s23+$0xFFFFFEF0] =	vst v7;
	s3 =	spop (v2sf)  }
0x44b: {  	v7 =	vld [tilespmem:s3+$0x0];
	[tilespmem:s22+$0xFFFFFFA0] =	vst v11  }
0x44c: {  	(v2sf) =	vpush v4, $0x2;
	v11 =	vld [tilespmem:s4+$0x30];
	[tilespmem:s21+$0x50] =	vst v5  }
0x44d: {  	v12 =	vld [tilespmem:s7+$0x20];
	[tilespmem:s20+$0x100] =	vst v8  }
0x44e: {  	v13 =	vld [tilespmem:s6+$0x10];
	[tilespmem:s25+$0x1B0] =	vst v9;
	s1 =	spop (v2sf)  }
0x44f: {  	[tilespmem:s24+$0xFFFFFE50] =	vst v10;
	v14 =	vld [tilespmem:s1+$0x0]  }
0x450: {  	v15 =	vld [tilespmem:s5+$0x20];
	[tilespmem:s23+$0xFFFFFF00] =	vst v7;
	(v2sf) =	vpush v1, $0xD  }
.Ltmp4:
0x451: {  	v5 =	vld [tilespmem:s3+$0x10];
	[tilespmem:s22+$0xFFFFFFB0] =	vst v11;
	s2 =	spop (v2sf);
	(pc) =	sbr.rel @p0 .LBB2_9-.Ltmp4, $4  }
0x452: {  	v8 =	vld [tilespmem:s2+$0x0];
	[tilespmem:s21+$0x60] =	vst v12  }
0x453: {  	(v2sf) =	vpush v3, $0x5;
	v10 =	vld [tilespmem:s7+$0x30];
	[tilespmem:s20+$0x110] =	vst v13  }
0x454: {  	v9 =	vld [tilespmem:s6+$0x20];
	[tilespmem:s25+$0x1C0] =	vst v14  }
0x455: {  	s0 =	sadd.s32 $0x40, s0;
	[tilespmem:s24+$0xFFFFFE60] =	vst v15;
	v7 =	vld [tilespmem:s1+$0x10]  }
0x456: {  	_ =	sdelay $0x2  }
0x457: {  	v45 =	vshll.u32 v6, $0x8  }
0x458: {  	v11 =	vld [tilespmem:s5+$0x30];
	[tilespmem:s23+$0xFFFFFF10] =	vst v5;
	v5 =	vshra.s32 v45, $0x2;
	s0 =	spop (v2sf);
	(v2sf) =	vpush v2, $0x8  }
0x459: {  	v12 =	vld [tilespmem:s3+$0x20];
	[tilespmem:s22+$0xFFFFFFC0] =	vst v8;
	s4 =	spop (v2sf);
	(v2sf) =	vpush v5, $0x0  }
0x45a: {  	v8 =	vld [tilespmem:s2+$0x10];
	[tilespmem:s21+$0x70] =	vst v10  }
0x45b: {  	v10 =	vld [tilespmem:s0+$0x0];
	[tilespmem:s20+$0x120] =	vst v9  }
0x45c: {  	v9 =	vld [tilespmem:s6+$0x30];
	[tilespmem:s25+$0x1D0] =	vst v7  }
0x45d: {  	[tilespmem:s24+$0xFFFFFE70] =	vst v11;
	v49 =	vld [tilespmem:s1+$0x20]  }
0x45e: {  	v46 =	vld [tilespmem:s4+$0x0];
	[tilespmem:s23+$0xFFFFFF20] =	vst v12  }
0x45f: {  	v47 =	vld [tilespmem:s3+$0x30];
	[tilespmem:s22+$0xFFFFFFD0] =	vst v8  }
0x460: {  	v8 =	vld [tilespmem:s2+$0x20];
	[tilespmem:s21+$0x80] =	vst v10  }
0x461: {  	v10 =	vld [tilespmem:s0+$0x10];
	[tilespmem:s20+$0x130] =	vst v9;
	s10 =	spop (v2sf)  }
0x462: {  	(v2sf) =	vpush v0, $0xB;
	v48 =	vld [tilespmem:s10+$0x0];
	[tilespmem:s25+$0x1E0] =	vst v49  }
0x463: {  	(v2sf) =	vpush v4, $0x3;
	[tilespmem:s24+$0xFFFFFE80] =	vst v46;
	v9 =	vld [tilespmem:s1+$0x30]  }
0x464: {  	v6 =	vld [tilespmem:s4+$0x10];
	[tilespmem:s23+$0xFFFFFF30] =	vst v47;
	s11 =	spop (v2sf)  }
0x465: {  	v11 =	vld [tilespmem:s11+$0x0];
	[tilespmem:s22+$0xFFFFFFE0] =	vst v8  }
0x466: {  	v8 =	vld [tilespmem:s2+$0x30];
	[tilespmem:s21+$0x90] =	vst v10  }
0x467: {  	v10 =	vld [tilespmem:s0+$0x20];
	[tilespmem:s20+$0x140] =	vst v48;
	s12 =	spop (v2sf)  }
0x468: {  	v7 =	vld [tilespmem:s10+$0x10];
	[tilespmem:s25+$0x1F0] =	vst v9;
	s7 =	spop (v2sf)  }
0x469: {  	[tilespmem:s24+$0xFFFFFE90] =	vst v6;
	v50 =	vld [tilespmem:s7+$0x0]  }
0x46a: {  	(v2sf) =	vpush v1, $0xE;
	v6 =	vld [tilespmem:s4+$0x20];
	[tilespmem:s23+$0xFFFFFF40] =	vst v11  }
0x46b: {  	v11 =	vld [tilespmem:s11+$0x10];
	[tilespmem:s22+$0xFFFFFFF0] =	vst v8  }
0x46c: {  	v8 =	vld [tilespmem:s12+$0x0];
	[tilespmem:s21+$0xA0] =	vst v10  }
0x46d: {  	s25 =	sadd.s32 $0x400, s24;
	(v2sf) =	vpush v3, $0x6;
	v10 =	vld [tilespmem:s0+$0x30];
	[tilespmem:s20+$0x150] =	vst v7  }
0x46e: {  	v7 =	vld [tilespmem:s10+$0x20];
	[tilespmem:s25+$0xFFFFFE00] =	vst v50  }
0x46f: {  	[tilespmem:s24+$0xFFFFFEA0] =	vst v6;
	v9 =	vld [tilespmem:s7+$0x10]  }
0x470: {  	v6 =	vld [tilespmem:s4+$0x30];
	[tilespmem:s23+$0xFFFFFF50] =	vst v11  }
0x471: {  	s3 =	spop (v2sf);
	(v2sf) =	vpush v2, $0x9;
	v11 =	vld [tilespmem:s11+$0x20];
	[tilespmem:s22+$0x0] =	vst v8  }
0x472: {  	s13 =	spop (v2sf);
	(v2sf) =	vpush v5, $0x1;
	v8 =	vld [tilespmem:s12+$0x10];
	[tilespmem:s21+$0xB0] =	vst v10  }
0x473: {  	v10 =	vld [tilespmem:s3+$0x0];
	[tilespmem:s20+$0x160] =	vst v7  }
0x474: {  	v7 =	vld [tilespmem:s10+$0x30];
	[tilespmem:s25+$0xFFFFFE10] =	vst v9  }
0x475: {  	[tilespmem:s24+$0xFFFFFEB0] =	vst v6;
	v52 =	vld [tilespmem:s7+$0x20]  }
0x476: {  	v6 =	vld [tilespmem:s13+$0x0];
	[tilespmem:s23+$0xFFFFFF60] =	vst v11  }
0x477: {  	v11 =	vld [tilespmem:s11+$0x30];
	[tilespmem:s22+$0x10] =	vst v8  }
0x478: {  	v8 =	vld [tilespmem:s12+$0x20];
	[tilespmem:s21+$0xC0] =	vst v10  }
0x479: {  	s28 =	spop (v2sf);
	v10 =	vld [tilespmem:s3+$0x10];
	[tilespmem:s20+$0x170] =	vst v7  }
0x47a: {  	v51 =	vld [tilespmem:s28+$0x0];
	[tilespmem:s25+$0xFFFFFE20] =	vst v52  }
0x47b: {  	[tilespmem:s24+$0xFFFFFEC0] =	vst v6;
	v55 =	vld [tilespmem:s7+$0x30]  }
0x47c: {  	s0 =	spop (v2sf);
	v13 =	vld [tilespmem:s13+$0x10];
	[tilespmem:s23+$0xFFFFFF70] =	vst v11  }
0x47d: {  	v11 =	vld [tilespmem:s0+$0x0];
	[tilespmem:s22+$0x20] =	vst v8  }
0x47e: {  	v8 =	vld [tilespmem:s12+$0x30];
	[tilespmem:s21+$0xD0] =	vst v10  }
0x47f: {  	(v2sf) =	vpush v0, $0xC;
	v53 =	vld [tilespmem:s3+$0x20];
	[tilespmem:s20+$0x180] =	vst v51  }
0x480: {  	(v2sf) =	vpush v4, $0x4;
	s8 =	spop (v2sf);
	v54 =	vld [tilespmem:s28+$0x10];
	[tilespmem:s25+$0xFFFFFE30] =	vst v55  }
0x481: {  	s15 =	spop (v2sf)  }
0x482: {  	v9 =	vld [tilespmem:s15+$0x0];
	_ =	sdelay $0x4  }
0x483: {  	(v2sf) =	vpush v1, $0xF;
	[tilespmem:s25+$0xFFFFFE40] =	vst v9  }
0x484: {  	(v2sf) =	vpush v3, $0x7;
	v56 =	vld [tilespmem:s15+$0x10]  }
0x485: {  	(v2sf) =	vpush v2, $0xA  }
0x486: {  	(v2sf) =	vpush v5, $0x2;
	_ =	sdelay $0x2  }
0x487: {  	[tilespmem:s25+$0xFFFFFE50] =	vst v56  }
0x488: {  	v1 =	vld [tilespmem:s15+$0x20];
	_ =	sdelay $0x4  }
0x489: {  	[tilespmem:s25+$0xFFFFFE60] =	vst v1  }
0x48a: {  	s2 =	spop (v2sf);
	v1 =	vld [tilespmem:s15+$0x30]  }
0x48b: {  	s16 =	spop (v2sf)  }
0x48c: {  	s26 =	spop (v2sf)  }
0x48d: {  	s14 =	spop (v2sf)  }
0x48e: {  	s11 =	spop (v2sf)  }
0x48f: {  	s17 =	spop (v2sf);
	[tilespmem:s25+$0xFFFFFE70] =	vst v1  }
0x490: {  	v1 =	vld [tilespmem:s17+$0x0];
	_ =	sdelay $0x3  }
0x491: {  	(v2sf) =	vpush v0, $0xD  }
0x492: {  	(v2sf) =	vpush v4, $0x5;
	[tilespmem:s25+$0xFFFFFE80] =	vst v1  }
0x493: {  	(v2sf) =	vpush v3, $0x8;
	v1 =	vld [tilespmem:s17+$0x10]  }
0x494: {  	(v2sf) =	vpush v2, $0xB  }
0x495: {  	(v2sf) =	vpush v5, $0x3;
	_ =	sdelay $0x2  }
0x496: {  	[tilespmem:s25+$0xFFFFFE90] =	vst v1  }
0x497: {  	v1 =	vld [tilespmem:s17+$0x20];
	_ =	sdelay $0x4  }
0x498: {  	[tilespmem:s25+$0xFFFFFEA0] =	vst v1  }
0x499: {  	v1 =	vld [tilespmem:s17+$0x30]  }
0x49a: {  	s31 =	spop (v2sf)  }
0x49b: {  	s19 =	spop (v2sf)  }
0x49c: {  	s12 =	spop (v2sf)  }
0x49d: {  	s17 =	spop (v2sf)  }
0x49e: {  	s7 =	spop (v2sf);
	[tilespmem:s25+$0xFFFFFEB0] =	vst v1  }
0x49f: {  	v1 =	vld [tilespmem:s7+$0x0];
	_ =	sdelay $0x3  }
0x4a0: {  	(v2sf) =	vpush v0, $0xE  }
0x4a1: {  	(v2sf) =	vpush v4, $0x6;
	[tilespmem:s25+$0xFFFFFEC0] =	vst v1  }
0x4a2: {  	(v2sf) =	vpush v3, $0x9;
	v1 =	vld [tilespmem:s7+$0x10]  }
0x4a3: {  	(v2sf) =	vpush v2, $0xC  }
0x4a4: {  	(v2sf) =	vpush v5, $0x4;
	_ =	sdelay $0x1  }
0x4a5: {  	[tilespmem:s24+$0xFFFFFED0] =	vst v13  }
0x4a6: {  	v57 =	vld [tilespmem:s13+$0x20];
	[tilespmem:s25+$0xFFFFFED0] =	vst v1  }
0x4a7: {  	v1 =	vld [tilespmem:s7+$0x20];
	_ =	sdelay $0x3  }
0x4a8: {  	[tilespmem:s24+$0xFFFFFEE0] =	vst v57  }
0x4a9: {  	v9 =	vld [tilespmem:s13+$0x30];
	[tilespmem:s25+$0xFFFFFEE0] =	vst v1  }
0x4aa: {  	v1 =	vld [tilespmem:s7+$0x30]  }
0x4ab: {  	s30 =	spop (v2sf)  }
0x4ac: {  	s13 =	spop (v2sf)  }
0x4ad: {  	s15 =	spop (v2sf)  }
0x4ae: {  	[tilespmem:s24+$0xFFFFFEF0] =	vst v9;
	s10 =	spop (v2sf)  }
0x4af: {  	v9 =	vld [tilespmem:s16+$0x0];
	s9 =	spop (v2sf);
	[tilespmem:s25+$0xFFFFFEF0] =	vst v1  }
0x4b0: {  	v1 =	vld [tilespmem:s9+$0x0];
	_ =	sdelay $0x3  }
0x4b1: {  	[tilespmem:s24+$0xFFFFFF00] =	vst v9;
	(v2sf) =	vpush v0, $0xF  }
0x4b2: {  	v58 =	vld [tilespmem:s16+$0x10];
	(v2sf) =	vpush v4, $0x7;
	[tilespmem:s25+$0xFFFFFF00] =	vst v1  }
0x4b3: {  	(v2sf) =	vpush v3, $0xA;
	v1 =	vld [tilespmem:s9+$0x10]  }
0x4b4: {  	(v2sf) =	vpush v2, $0xD  }
0x4b5: {  	(v2sf) =	vpush v5, $0x5;
	_ =	sdelay $0x1  }
0x4b6: {  	[tilespmem:s24+$0xFFFFFF10] =	vst v58  }
0x4b7: {  	v0 =	vld [tilespmem:s16+$0x20];
	[tilespmem:s25+$0xFFFFFF10] =	vst v1  }
0x4b8: {  	v1 =	vld [tilespmem:s9+$0x20];
	_ =	sdelay $0x3  }
0x4b9: {  	[tilespmem:s24+$0xFFFFFF20] =	vst v0  }
0x4ba: {  	v0 =	vld [tilespmem:s16+$0x30];
	[tilespmem:s25+$0xFFFFFF20] =	vst v1  }
0x4bb: {  	v1 =	vld [tilespmem:s9+$0x30]  }
0x4bc: {  	s29 =	spop (v2sf)  }
0x4bd: {  	s7 =	spop (v2sf)  }
0x4be: {  	s5 =	spop (v2sf)  }
0x4bf: {  	[tilespmem:s24+$0xFFFFFF30] =	vst v0;
	s9 =	spop (v2sf)  }
0x4c0: {  	v0 =	vld [tilespmem:s19+$0x0];
	s16 =	spop (v2sf);
	[tilespmem:s25+$0xFFFFFF30] =	vst v1  }
0x4c1: {  	v1 =	vld [tilespmem:s16+$0x0];
	_ =	sdelay $0x3  }
0x4c2: {  	[tilespmem:s24+$0xFFFFFF40] =	vst v0  }
0x4c3: {  	(v2sf) =	vpush v4, $0x8;
	v0 =	vld [tilespmem:s19+$0x10];
	[tilespmem:s25+$0xFFFFFF40] =	vst v1  }
0x4c4: {  	(v2sf) =	vpush v3, $0xB;
	v1 =	vld [tilespmem:s16+$0x10]  }
0x4c5: {  	(v2sf) =	vpush v2, $0xE  }
0x4c6: {  	(v2sf) =	vpush v5, $0x6;
	_ =	sdelay $0x1  }
0x4c7: {  	[tilespmem:s24+$0xFFFFFF50] =	vst v0  }
0x4c8: {  	v0 =	vld [tilespmem:s19+$0x20];
	[tilespmem:s25+$0xFFFFFF50] =	vst v1  }
0x4c9: {  	v1 =	vld [tilespmem:s16+$0x20];
	_ =	sdelay $0x3  }
0x4ca: {  	[tilespmem:s24+$0xFFFFFF60] =	vst v0  }
0x4cb: {  	v0 =	vld [tilespmem:s19+$0x30];
	[tilespmem:s25+$0xFFFFFF60] =	vst v1  }
0x4cc: {  	v1 =	vld [tilespmem:s16+$0x30];
	_ =	sdelay $0x1  }
0x4cd: {  	s4 =	spop (v2sf)  }
0x4ce: {  	s1 =	spop (v2sf)  }
0x4cf: {  	[tilespmem:s24+$0xFFFFFF70] =	vst v0;
	s6 =	spop (v2sf)  }
0x4d0: {  	v0 =	vld [tilespmem:s13+$0x0];
	s16 =	spop (v2sf);
	[tilespmem:s25+$0xFFFFFF70] =	vst v1  }
0x4d1: {  	v1 =	vld [tilespmem:s16+$0x0];
	_ =	sdelay $0x1  }
0x4d2: {  	[tilespmem:s23+$0xFFFFFF80] =	vst v11  }
0x4d3: {  	v59 =	vld [tilespmem:s0+$0x10]  }
0x4d4: {  	[tilespmem:s24+$0xFFFFFF80] =	vst v0  }
0x4d5: {  	v0 =	vld [tilespmem:s13+$0x10];
	(v2sf) =	vpush v4, $0x9;
	[tilespmem:s25+$0xFFFFFF80] =	vst v1  }
0x4d6: {  	(v2sf) =	vpush v3, $0xC;
	v1 =	vld [tilespmem:s16+$0x10]  }
0x4d7: {  	(v2sf) =	vpush v2, $0xF  }
0x4d8: {  	[tilespmem:s23+$0xFFFFFF90] =	vst v59;
	(v2sf) =	vpush v5, $0x7  }
0x4d9: {  	v60 =	vld [tilespmem:s0+$0x20]  }
0x4da: {  	[tilespmem:s24+$0xFFFFFF90] =	vst v0  }
0x4db: {  	v0 =	vld [tilespmem:s13+$0x20];
	[tilespmem:s25+$0xFFFFFF90] =	vst v1  }
0x4dc: {  	v1 =	vld [tilespmem:s16+$0x20];
	_ =	sdelay $0x1  }
0x4dd: {  	[tilespmem:s23+$0xFFFFFFA0] =	vst v60  }
0x4de: {  	v2 =	vld [tilespmem:s0+$0x30]  }
0x4df: {  	[tilespmem:s24+$0xFFFFFFA0] =	vst v0  }
0x4e0: {  	v0 =	vld [tilespmem:s13+$0x30];
	[tilespmem:s25+$0xFFFFFFA0] =	vst v1  }
0x4e1: {  	v1 =	vld [tilespmem:s16+$0x30];
	_ =	sdelay $0x1  }
0x4e2: {  	[tilespmem:s23+$0xFFFFFFB0] =	vst v2;
	s13 =	spop (v2sf)  }
0x4e3: {  	v2 =	vld [tilespmem:s14+$0x0];
	s16 =	spop (v2sf)  }
0x4e4: {  	[tilespmem:s24+$0xFFFFFFB0] =	vst v0;
	s0 =	spop (v2sf)  }
0x4e5: {  	v0 =	vld [tilespmem:s7+$0x0];
	s19 =	spop (v2sf);
	[tilespmem:s25+$0xFFFFFFB0] =	vst v1  }
0x4e6: {  	v1 =	vld [tilespmem:s19+$0x0];
	_ =	sdelay $0x1  }
0x4e7: {  	[tilespmem:s23+$0xFFFFFFC0] =	vst v2  }
0x4e8: {  	v2 =	vld [tilespmem:s14+$0x10]  }
0x4e9: {  	[tilespmem:s24+$0xFFFFFFC0] =	vst v0  }
0x4ea: {  	v0 =	vld [tilespmem:s7+$0x10];
	[tilespmem:s25+$0xFFFFFFC0] =	vst v1  }
0x4eb: {  	(v2sf) =	vpush v4, $0xA;
	v1 =	vld [tilespmem:s19+$0x10]  }
0x4ec: {  	(v2sf) =	vpush v3, $0xD  }
0x4ed: {  	[tilespmem:s23+$0xFFFFFFD0] =	vst v2;
	(v2sf) =	vpush v5, $0x8  }
0x4ee: {  	v2 =	vld [tilespmem:s14+$0x20]  }
0x4ef: {  	[tilespmem:s24+$0xFFFFFFD0] =	vst v0  }
0x4f0: {  	v0 =	vld [tilespmem:s7+$0x20];
	[tilespmem:s25+$0xFFFFFFD0] =	vst v1  }
0x4f1: {  	v1 =	vld [tilespmem:s19+$0x20];
	_ =	sdelay $0x1  }
0x4f2: {  	[tilespmem:s23+$0xFFFFFFE0] =	vst v2  }
0x4f3: {  	v2 =	vld [tilespmem:s14+$0x30]  }
0x4f4: {  	[tilespmem:s24+$0xFFFFFFE0] =	vst v0  }
0x4f5: {  	v0 =	vld [tilespmem:s7+$0x30];
	[tilespmem:s25+$0xFFFFFFE0] =	vst v1  }
0x4f6: {  	v1 =	vld [tilespmem:s19+$0x30];
	_ =	sdelay $0x1  }
0x4f7: {  	[tilespmem:s23+$0xFFFFFFF0] =	vst v2  }
0x4f8: {  	v2 =	vld [tilespmem:s12+$0x0];
	s7 =	spop (v2sf)  }
0x4f9: {  	[tilespmem:s24+$0xFFFFFFF0] =	vst v0;
	s14 =	spop (v2sf)  }
0x4fa: {  	v0 =	vld [tilespmem:s4+$0x0];
	s19 =	spop (v2sf);
	[tilespmem:s25+$0xFFFFFFF0] =	vst v1  }
0x4fb: {  	v1 =	vld [tilespmem:s19+$0x0];
	_ =	sdelay $0x1  }
0x4fc: {  	[tilespmem:s23+$0x0] =	vst v2  }
0x4fd: {  	v2 =	vld [tilespmem:s12+$0x10]  }
0x4fe: {  	[tilespmem:s24+$0x0] =	vst v0  }
0x4ff: {  	v0 =	vld [tilespmem:s4+$0x10];
	[tilespmem:s25+$0x0] =	vst v1  }
0x500: {  	(v2sf) =	vpush v4, $0xB;
	v1 =	vld [tilespmem:s19+$0x10]  }
0x501: {  	(v2sf) =	vpush v3, $0xE  }
0x502: {  	[tilespmem:s23+$0x10] =	vst v2;
	(v2sf) =	vpush v5, $0x9  }
0x503: {  	v2 =	vld [tilespmem:s12+$0x20]  }
0x504: {  	[tilespmem:s24+$0x10] =	vst v0  }
0x505: {  	v0 =	vld [tilespmem:s4+$0x20];
	[tilespmem:s25+$0x10] =	vst v1  }
0x506: {  	v1 =	vld [tilespmem:s19+$0x20];
	_ =	sdelay $0x1  }
0x507: {  	[tilespmem:s23+$0x20] =	vst v2  }
0x508: {  	v2 =	vld [tilespmem:s12+$0x30]  }
0x509: {  	[tilespmem:s24+$0x20] =	vst v0  }
0x50a: {  	v0 =	vld [tilespmem:s4+$0x30];
	[tilespmem:s25+$0x20] =	vst v1  }
0x50b: {  	v1 =	vld [tilespmem:s19+$0x30];
	_ =	sdelay $0x1  }
0x50c: {  	[tilespmem:s23+$0x30] =	vst v2  }
0x50d: {  	[tilespmem:s22+$0x30] =	vst v8;
	v2 =	vld [tilespmem:s15+$0x0];
	s4 =	spop (v2sf)  }
0x50e: {  	v8 =	vld [tilespmem:s8+$0x0];
	[tilespmem:s24+$0x30] =	vst v0;
	s12 =	spop (v2sf)  }
0x50f: {  	v0 =	vld [tilespmem:s13+$0x0];
	s19 =	spop (v2sf);
	[tilespmem:s25+$0x30] =	vst v1  }
0x510: {  	v1 =	vld [tilespmem:s19+$0x0];
	_ =	sdelay $0x1  }
0x511: {  	[tilespmem:s23+$0x40] =	vst v2  }
0x512: {  	[tilespmem:s22+$0x40] =	vst v8;
	v2 =	vld [tilespmem:s15+$0x10]  }
0x513: {  	v8 =	vld [tilespmem:s8+$0x10];
	[tilespmem:s24+$0x40] =	vst v0  }
0x514: {  	v0 =	vld [tilespmem:s13+$0x10];
	[tilespmem:s25+$0x40] =	vst v1  }
0x515: {  	(v2sf) =	vpush v4, $0xC;
	v1 =	vld [tilespmem:s19+$0x10]  }
0x516: {  	(v2sf) =	vpush v3, $0xF  }
0x517: {  	[tilespmem:s23+$0x50] =	vst v2;
	(v2sf) =	vpush v5, $0xA  }
0x518: {  	[tilespmem:s22+$0x50] =	vst v8;
	v2 =	vld [tilespmem:s15+$0x20]  }
0x519: {  	v61 =	vld [tilespmem:s8+$0x20];
	[tilespmem:s24+$0x50] =	vst v0  }
0x51a: {  	v0 =	vld [tilespmem:s13+$0x20];
	[tilespmem:s25+$0x50] =	vst v1  }
0x51b: {  	v1 =	vld [tilespmem:s19+$0x20];
	_ =	sdelay $0x1  }
0x51c: {  	[tilespmem:s23+$0x60] =	vst v2  }
0x51d: {  	[tilespmem:s22+$0x60] =	vst v61;
	v2 =	vld [tilespmem:s15+$0x30]  }
0x51e: {  	v3 =	vld [tilespmem:s8+$0x30];
	[tilespmem:s24+$0x60] =	vst v0  }
0x51f: {  	v0 =	vld [tilespmem:s13+$0x30];
	[tilespmem:s25+$0x60] =	vst v1  }
0x520: {  	v1 =	vld [tilespmem:s19+$0x30];
	_ =	sdelay $0x1  }
0x521: {  	[tilespmem:s23+$0x70] =	vst v2  }
0x522: {  	v2 =	vld [tilespmem:s5+$0x0];
	[tilespmem:s22+$0x70] =	vst v3;
	s15 =	spop (v2sf)  }
0x523: {  	v3 =	vld [tilespmem:s11+$0x0];
	[tilespmem:s24+$0x70] =	vst v0;
	s8 =	spop (v2sf)  }
0x524: {  	v0 =	vld [tilespmem:s7+$0x0];
	s19 =	spop (v2sf);
	[tilespmem:s25+$0x70] =	vst v1  }
0x525: {  	v1 =	vld [tilespmem:s19+$0x0];
	_ =	sdelay $0x1  }
0x526: {  	[tilespmem:s23+$0x80] =	vst v2  }
0x527: {  	v2 =	vld [tilespmem:s5+$0x10];
	[tilespmem:s22+$0x80] =	vst v3  }
0x528: {  	v3 =	vld [tilespmem:s11+$0x10];
	[tilespmem:s24+$0x80] =	vst v0  }
0x529: {  	v0 =	vld [tilespmem:s7+$0x10];
	[tilespmem:s25+$0x80] =	vst v1  }
0x52a: {  	v1 =	vld [tilespmem:s19+$0x10]  }
0x52b: {  	(v2sf) =	vpush v4, $0xD  }
0x52c: {  	[tilespmem:s23+$0x90] =	vst v2;
	(v2sf) =	vpush v5, $0xB  }
0x52d: {  	v2 =	vld [tilespmem:s5+$0x20];
	[tilespmem:s22+$0x90] =	vst v3  }
0x52e: {  	v3 =	vld [tilespmem:s11+$0x20];
	[tilespmem:s24+$0x90] =	vst v0  }
0x52f: {  	v0 =	vld [tilespmem:s7+$0x20];
	[tilespmem:s25+$0x90] =	vst v1  }
0x530: {  	v1 =	vld [tilespmem:s19+$0x20];
	_ =	sdelay $0x1  }
0x531: {  	[tilespmem:s23+$0xA0] =	vst v2  }
0x532: {  	v2 =	vld [tilespmem:s5+$0x30];
	[tilespmem:s22+$0xA0] =	vst v3  }
0x533: {  	v3 =	vld [tilespmem:s11+$0x30];
	[tilespmem:s24+$0xA0] =	vst v0  }
0x534: {  	v0 =	vld [tilespmem:s7+$0x30];
	[tilespmem:s25+$0xA0] =	vst v1  }
0x535: {  	v1 =	vld [tilespmem:s19+$0x30];
	_ =	sdelay $0x1  }
0x536: {  	[tilespmem:s23+$0xB0] =	vst v2  }
0x537: {  	v2 =	vld [tilespmem:s1+$0x0];
	[tilespmem:s22+$0xB0] =	vst v3  }
0x538: {  	v3 =	vld [tilespmem:s17+$0x0];
	[tilespmem:s24+$0xB0] =	vst v0;
	s5 =	spop (v2sf)  }
0x539: {  	v0 =	vld [tilespmem:s4+$0x0];
	s19 =	spop (v2sf);
	[tilespmem:s25+$0xB0] =	vst v1  }
0x53a: {  	v1 =	vld [tilespmem:s19+$0x0];
	_ =	sdelay $0x1  }
0x53b: {  	[tilespmem:s23+$0xC0] =	vst v2  }
0x53c: {  	v2 =	vld [tilespmem:s1+$0x10];
	[tilespmem:s22+$0xC0] =	vst v3  }
0x53d: {  	v3 =	vld [tilespmem:s17+$0x10];
	[tilespmem:s24+$0xC0] =	vst v0  }
0x53e: {  	v0 =	vld [tilespmem:s4+$0x10];
	[tilespmem:s25+$0xC0] =	vst v1  }
0x53f: {  	v1 =	vld [tilespmem:s19+$0x10]  }
0x540: {  	(v2sf) =	vpush v4, $0xE  }
0x541: {  	[tilespmem:s23+$0xD0] =	vst v2;
	(v2sf) =	vpush v5, $0xC  }
0x542: {  	v2 =	vld [tilespmem:s1+$0x20];
	[tilespmem:s22+$0xD0] =	vst v3  }
0x543: {  	v3 =	vld [tilespmem:s17+$0x20];
	[tilespmem:s24+$0xD0] =	vst v0  }
0x544: {  	v0 =	vld [tilespmem:s4+$0x20];
	[tilespmem:s25+$0xD0] =	vst v1  }
0x545: {  	v1 =	vld [tilespmem:s19+$0x20]  }
0x546: {  	[tilespmem:s21+$0xE0] =	vst v53  }
0x547: {  	v7 =	vld [tilespmem:s3+$0x30];
	[tilespmem:s23+$0xE0] =	vst v2  }
0x548: {  	v2 =	vld [tilespmem:s1+$0x30];
	[tilespmem:s22+$0xE0] =	vst v3  }
0x549: {  	v3 =	vld [tilespmem:s17+$0x30];
	[tilespmem:s24+$0xE0] =	vst v0  }
0x54a: {  	v0 =	vld [tilespmem:s4+$0x30];
	[tilespmem:s25+$0xE0] =	vst v1  }
0x54b: {  	v1 =	vld [tilespmem:s19+$0x30]  }
0x54c: {  	[tilespmem:s21+$0xF0] =	vst v7  }
0x54d: {  	v7 =	vld [tilespmem:s2+$0x0];
	[tilespmem:s23+$0xF0] =	vst v2  }
0x54e: {  	v2 =	vld [tilespmem:s16+$0x0];
	[tilespmem:s22+$0xF0] =	vst v3  }
0x54f: {  	v3 =	vld [tilespmem:s10+$0x0];
	[tilespmem:s24+$0xF0] =	vst v0;
	s11 =	spop (v2sf)  }
0x550: {  	v0 =	vld [tilespmem:s15+$0x0];
	s13 =	spop (v2sf);
	[tilespmem:s25+$0xF0] =	vst v1  }
0x551: {  	v1 =	vld [tilespmem:s13+$0x0]  }
0x552: {  	[tilespmem:s21+$0x100] =	vst v7  }
0x553: {  	v7 =	vld [tilespmem:s2+$0x10];
	[tilespmem:s23+$0x100] =	vst v2  }
0x554: {  	v2 =	vld [tilespmem:s16+$0x10];
	[tilespmem:s22+$0x100] =	vst v3  }
0x555: {  	v3 =	vld [tilespmem:s10+$0x10];
	[tilespmem:s24+$0x100] =	vst v0  }
0x556: {  	v0 =	vld [tilespmem:s15+$0x10];
	[tilespmem:s25+$0x100] =	vst v1  }
0x557: {  	v1 =	vld [tilespmem:s13+$0x10]  }
0x558: {  	[tilespmem:s21+$0x110] =	vst v7;
	(v2sf) =	vpush v4, $0xF  }
0x559: {  	v62 =	vld [tilespmem:s2+$0x20];
	[tilespmem:s23+$0x110] =	vst v2;
	(v2sf) =	vpush v5, $0xD  }
0x55a: {  	v2 =	vld [tilespmem:s16+$0x20];
	[tilespmem:s22+$0x110] =	vst v3  }
0x55b: {  	v3 =	vld [tilespmem:s10+$0x20];
	[tilespmem:s24+$0x110] =	vst v0  }
0x55c: {  	v0 =	vld [tilespmem:s15+$0x20];
	[tilespmem:s25+$0x110] =	vst v1  }
0x55d: {  	v1 =	vld [tilespmem:s13+$0x20]  }
0x55e: {  	[tilespmem:s21+$0x120] =	vst v62  }
0x55f: {  	v4 =	vld [tilespmem:s2+$0x30];
	[tilespmem:s23+$0x120] =	vst v2  }
0x560: {  	v2 =	vld [tilespmem:s16+$0x30];
	[tilespmem:s22+$0x120] =	vst v3  }
0x561: {  	v3 =	vld [tilespmem:s10+$0x30];
	[tilespmem:s24+$0x120] =	vst v0  }
0x562: {  	v0 =	vld [tilespmem:s15+$0x30];
	[tilespmem:s25+$0x120] =	vst v1  }
0x563: {  	v1 =	vld [tilespmem:s13+$0x30]  }
0x564: {  	[tilespmem:s21+$0x130] =	vst v4  }
0x565: {  	v4 =	vld [tilespmem:s31+$0x0];
	[tilespmem:s23+$0x130] =	vst v2  }
0x566: {  	v2 =	vld [tilespmem:s14+$0x0];
	[tilespmem:s22+$0x130] =	vst v3  }
0x567: {  	v3 =	vld [tilespmem:s9+$0x0];
	[tilespmem:s24+$0x130] =	vst v0;
	s16 =	spop (v2sf)  }
0x568: {  	v0 =	vld [tilespmem:s5+$0x0];
	s17 =	spop (v2sf);
	[tilespmem:s25+$0x130] =	vst v1  }
0x569: {  	v1 =	vld [tilespmem:s17+$0x0]  }
0x56a: {  	[tilespmem:s21+$0x140] =	vst v4  }
0x56b: {  	v4 =	vld [tilespmem:s31+$0x10];
	[tilespmem:s23+$0x140] =	vst v2  }
0x56c: {  	v2 =	vld [tilespmem:s14+$0x10];
	[tilespmem:s22+$0x140] =	vst v3  }
0x56d: {  	v3 =	vld [tilespmem:s9+$0x10];
	[tilespmem:s24+$0x140] =	vst v0  }
0x56e: {  	v0 =	vld [tilespmem:s5+$0x10];
	[tilespmem:s25+$0x140] =	vst v1  }
0x56f: {  	v1 =	vld [tilespmem:s17+$0x10]  }
0x570: {  	[tilespmem:s21+$0x150] =	vst v4  }
0x571: {  	(v2sf) =	vpush v5, $0xE;
	v4 =	vld [tilespmem:s31+$0x20];
	[tilespmem:s23+$0x150] =	vst v2  }
0x572: {  	v2 =	vld [tilespmem:s14+$0x20];
	[tilespmem:s22+$0x150] =	vst v3  }
0x573: {  	v3 =	vld [tilespmem:s9+$0x20];
	[tilespmem:s24+$0x150] =	vst v0  }
0x574: {  	v0 =	vld [tilespmem:s5+$0x20];
	[tilespmem:s25+$0x150] =	vst v1  }
0x575: {  	v1 =	vld [tilespmem:s17+$0x20]  }
0x576: {  	[tilespmem:s21+$0x160] =	vst v4  }
0x577: {  	v4 =	vld [tilespmem:s31+$0x30];
	[tilespmem:s23+$0x160] =	vst v2  }
0x578: {  	v2 =	vld [tilespmem:s14+$0x30];
	[tilespmem:s22+$0x160] =	vst v3  }
0x579: {  	v3 =	vld [tilespmem:s9+$0x30];
	[tilespmem:s24+$0x160] =	vst v0  }
0x57a: {  	v0 =	vld [tilespmem:s5+$0x30];
	[tilespmem:s25+$0x160] =	vst v1  }
0x57b: {  	v1 =	vld [tilespmem:s17+$0x30]  }
0x57c: {  	[tilespmem:s21+$0x170] =	vst v4  }
0x57d: {  	v4 =	vld [tilespmem:s30+$0x0];
	[tilespmem:s23+$0x170] =	vst v2  }
0x57e: {  	v2 =	vld [tilespmem:s12+$0x0];
	[tilespmem:s22+$0x170] =	vst v3  }
0x57f: {  	v3 =	vld [tilespmem:s6+$0x0];
	[tilespmem:s24+$0x170] =	vst v0  }
0x580: {  	s19 =	spop (v2sf);
	v0 =	vld [tilespmem:s11+$0x0];
	[tilespmem:s25+$0x170] =	vst v1  }
0x581: {  	v1 =	vld [tilespmem:s19+$0x0]  }
0x582: {  	[tilespmem:s21+$0x180] =	vst v4  }
0x583: {  	v4 =	vld [tilespmem:s30+$0x10];
	[tilespmem:s23+$0x180] =	vst v2  }
0x584: {  	v2 =	vld [tilespmem:s12+$0x10];
	[tilespmem:s22+$0x180] =	vst v3  }
0x585: {  	v3 =	vld [tilespmem:s6+$0x10];
	[tilespmem:s24+$0x180] =	vst v0  }
0x586: {  	v0 =	vld [tilespmem:s11+$0x10];
	[tilespmem:s25+$0x180] =	vst v1  }
0x587: {  	[tilespmem:s20+$0x190] =	vst v54;
	v1 =	vld [tilespmem:s19+$0x10]  }
0x588: {  	v6 =	vld [tilespmem:s28+$0x20];
	[tilespmem:s21+$0x190] =	vst v4  }
0x589: {  	(v2sf) =	vpush v5, $0xF;
	v4 =	vld [tilespmem:s30+$0x20];
	[tilespmem:s23+$0x190] =	vst v2  }
0x58a: {  	v2 =	vld [tilespmem:s12+$0x20];
	[tilespmem:s22+$0x190] =	vst v3  }
0x58b: {  	v3 =	vld [tilespmem:s6+$0x20];
	[tilespmem:s24+$0x190] =	vst v0  }
0x58c: {  	v0 =	vld [tilespmem:s11+$0x20];
	[tilespmem:s25+$0x190] =	vst v1  }
0x58d: {  	[tilespmem:s20+$0x1A0] =	vst v6;
	v1 =	vld [tilespmem:s19+$0x20]  }
0x58e: {  	v63 =	vld [tilespmem:s28+$0x30];
	[tilespmem:s21+$0x1A0] =	vst v4  }
0x58f: {  	v4 =	vld [tilespmem:s30+$0x30];
	[tilespmem:s23+$0x1A0] =	vst v2  }
0x590: {  	v2 =	vld [tilespmem:s12+$0x30];
	[tilespmem:s22+$0x1A0] =	vst v3  }
0x591: {  	v3 =	vld [tilespmem:s6+$0x30];
	[tilespmem:s24+$0x1A0] =	vst v0  }
0x592: {  	v0 =	vld [tilespmem:s11+$0x30];
	[tilespmem:s25+$0x1A0] =	vst v1  }
0x593: {  	[tilespmem:s20+$0x1B0] =	vst v63;
	v1 =	vld [tilespmem:s19+$0x30]  }
0x594: {  	v5 =	vld [tilespmem:s26+$0x0];
	[tilespmem:s21+$0x1B0] =	vst v4  }
0x595: {  	v4 =	vld [tilespmem:s29+$0x0];
	[tilespmem:s23+$0x1B0] =	vst v2  }
0x596: {  	v2 =	vld [tilespmem:s8+$0x0];
	[tilespmem:s22+$0x1B0] =	vst v3  }
0x597: {  	v3 =	vld [tilespmem:s0+$0x0];
	[tilespmem:s24+$0x1B0] =	vst v0  }
0x598: {  	s28 =	spop (v2sf);
	v0 =	vld [tilespmem:s16+$0x0];
	[tilespmem:s25+$0x1B0] =	vst v1  }
0x599: {  	[tilespmem:s20+$0x1C0] =	vst v5;
	v1 =	vld [tilespmem:s28+$0x0]  }
0x59a: {  	v5 =	vld [tilespmem:s26+$0x10];
	[tilespmem:s21+$0x1C0] =	vst v4  }
0x59b: {  	v4 =	vld [tilespmem:s29+$0x10];
	[tilespmem:s23+$0x1C0] =	vst v2  }
0x59c: {  	v2 =	vld [tilespmem:s8+$0x10];
	[tilespmem:s22+$0x1C0] =	vst v3  }
0x59d: {  	v3 =	vld [tilespmem:s0+$0x10];
	[tilespmem:s24+$0x1C0] =	vst v0  }
0x59e: {  	v0 =	vld [tilespmem:s16+$0x10];
	[tilespmem:s25+$0x1C0] =	vst v1  }
0x59f: {  	[tilespmem:s20+$0x1D0] =	vst v5;
	v1 =	vld [tilespmem:s28+$0x10]  }
0x5a0: {  	v5 =	vld [tilespmem:s26+$0x20];
	[tilespmem:s21+$0x1D0] =	vst v4  }
0x5a1: {  	v4 =	vld [tilespmem:s29+$0x20];
	[tilespmem:s23+$0x1D0] =	vst v2  }
0x5a2: {  	v2 =	vld [tilespmem:s8+$0x20];
	[tilespmem:s22+$0x1D0] =	vst v3  }
0x5a3: {  	v3 =	vld [tilespmem:s0+$0x20];
	[tilespmem:s24+$0x1D0] =	vst v0  }
0x5a4: {  	v0 =	vld [tilespmem:s16+$0x20];
	[tilespmem:s25+$0x1D0] =	vst v1  }
0x5a5: {  	[tilespmem:s20+$0x1E0] =	vst v5;
	v1 =	vld [tilespmem:s28+$0x20]  }
0x5a6: {  	v5 =	vld [tilespmem:s26+$0x30];
	[tilespmem:s21+$0x1E0] =	vst v4  }
0x5a7: {  	v4 =	vld [tilespmem:s29+$0x30];
	[tilespmem:s23+$0x1E0] =	vst v2  }
0x5a8: {  	v2 =	vld [tilespmem:s8+$0x30];
	[tilespmem:s22+$0x1E0] =	vst v3  }
0x5a9: {  	v3 =	vld [tilespmem:s0+$0x30];
	[tilespmem:s24+$0x1E0] =	vst v0  }
0x5aa: {  	v0 =	vld [tilespmem:s16+$0x30];
	[tilespmem:s25+$0x1E0] =	vst v1  }
0x5ab: {  	[tilespmem:s20+$0x1F0] =	vst v5;
	v1 =	vld [tilespmem:s28+$0x30]  }
0x5ac: {  	[tilespmem:s21+$0x1F0] =	vst v4  }
0x5ad: {  	s18 =	sadd.s32 $0x1, s18;
	[tilespmem:s23+$0x1F0] =	vst v2  }
0x5ae: {  	p0 =	sne.s32 s18, $0x20;
	[tilespmem:s22+$0x1F0] =	vst v3  }
.Ltmp5:
0x5af: {  	[tilespmem:s24+$0x1F0] =	vst v0;
	(pc) =	sbr.rel @p0 .LBB2_2-.Ltmp5, $4  }
0x5b0: {  	s29 =	rddreg [dreg:$0xa];
	[tilespmem:s25+$0x1F0] =	vst v1  }
0x5b1: {  	s0 =	sshll.u32 s29, $0xC;
	s30 =	rddreg [dreg:$0x6]  }
0x5b2: {  	s31 =	simm.s32 $0x8980;
	s6 =	simm.s32 $0x0;
	s0 =	sadd.s32 s0, s30  }
0x5b3: {  	[hbm4b:s0+s6] =	stream.linear.scatter [tilespmem:s31], [sflag:$0x2], $0x8000, $0x38;
	[tilespmem:$0x10980] =	vst v63  }
0x5b4: {  	s1 =	simm.s32 $0x2  }
0x5b5: {  	_ =	swait.ge [sflag:s1], $0x8000  }
0x5b6: {  	[sflag:s1] =	ssyncset.done $0x0  }
0x5b7: {  	[sflag:s1] =	ssyncadd.s32 $0xFFFF8000  }
0x5b8: {  	_ =	swait.ge [sflag:s1], $0x8000  }
0x5b9: {  	s2 =	rddreg [dreg:$0x9]  }
0x5ba: {  	s0 =	rddreg [dreg:$0x8];
	s2 =	sadd.s32 $0x1, s2  }
0x5bb: {  	p0 =	sne.s32 s2, s0  }
.Ltmp6:
0x5bc: {  	_ = 	snop;
	(pc) =	sbr.rel @p0 .LBB2_1-.Ltmp6, $3  }
0x5bd: {  	_ =	sdelay $0x1  }
0x5be: {  	[sflag:s1] =	ssyncset.done $0x0  }
0x5bf: {  	[sflag:s1] =	ssyncadd.s32 $0xFFFF8000  }
0x5c0: {  	_ =	sfence.sel $0x180000  }
0x5c1: {  	[bflag:$0x0] =	sbarrier.arrive $0xFFFF  }
0x5c2: {  	_ =	strace $0x90000047  }
0x5c3: {  	s0 =	stileid.u32;
	[bflag:$0x2] =	sbarrier.arrive $0xFFFF  }
0x5c4: {  	p0 =	sne.s32 s0, $0x0;
	s0 =	rddreg [dreg:$0x3]  }
0x5c5: {  	s0 =	sadd.s32 @!p0 $0x100000, s0  }
0x5c6: {  	[sflag:s0] =	ssyncadd.tile.s32 @!p0 $0x1;
	_ =	shalt  }
.Lfunc_end2:
_tile_overlayer_lowered:
.L_overlay_start_2:
0x5c7: {  	(tag) =	ssettag $0x2  }
0x5c8: {  	s0 =	rddreg [dreg:$0x0];
	s2 =	stileid.u32  }
0x5c9: {  	s1 =	rddreg [dreg:$0x1];
	p0 =	sne.s32 s2, $0x0  }
0x5ca: {  	s3 =	rddreg [dreg:$0x2];
	[bflag:$0x3] =	sbarrier.arrive $0xFFFF;
	s2 =	simm.s32 @!p0 $0x1C03  }
0x5cb: {  	[timem:s3], [sflag:s2] =	dma.local @!p0 [hbm:s0], s1  }
0x5cc: {  	s0 =	simm.s32 @!p0 $0x3  }
0x5cd: {  	_ =	swait.ge @!p0 [sflag:s0], s1  }
0x5ce: {  	s1 =	ssub.s32 @!p0 $0x0, s1;
	[sflag:s0] =	ssyncset.done @!p0 $0x0  }
0x5cf: {  	[sflag:s0] =	ssyncadd.s32 @!p0 s1  }
0x5d0: {  	[bflag:$0x3] =	sbarrier.arrive $0xFFFF  }
0x5d1: {  	_ =	shalt  }

</sc_bundles>
